<compile_context>
chip_gen: v7x
topology: tpu7x:2x2x1
jax: 0.10.2.dev20260603
libtpu: 0.0.44.dev20260713+nightly
codegen_flags: <defaults>
</compile_context>

<pallas_src>
import jax
import jax.numpy as jnp
from jax import lax
from jax.experimental import pallas as pl
from jax.experimental.pallas import tpu as pltpu
from jax.experimental.pallas import tpu_sc as plsc

NC, NS, L = 2, 16, 16
NW = NC * NS
B, T, D = 8, 512, 512
MAX_LEN = 4096
QW = 4
G = 64
NTB = MAX_LEN // G
GPL = G // L
MAXG = (NTB + QW - 1) // QW
ZR = 16
NB = 3


def _expand_body(xflat, dur, out, mel,
                 dur_v, idxarr, idxg, gbuf, zbuf, melv, gsem, wsem, zsem):
    wid = lax.axis_index("s") * NC + lax.axis_index("c")
    b = wid // QW
    q = (wid + b) % QW
    obase = b * MAX_LEN

    pltpu.sync_copy(dur.at[b], dur_v)

    zv = jnp.zeros((L,), jnp.int32)
    zvf = jnp.zeros((L,), jnp.float32)

    def init_body(k, c):
        idxarr[pl.ds(k * L, L)] = zv
        return c
    lax.fori_loop(0, MAX_LEN // L, init_body, 0)

    def zb_body(r, c):
        for kk in range(D // L):
            zbuf[r, pl.ds(kk * L, L)] = zvf
        return c
    lax.fori_loop(0, ZR, zb_body, 0)

    def p1(k, csum_base):
        v = dur_v[pl.ds(k * L, L)]
        c = plsc.cumsum(v) + csum_base
        start = c - v
        t = lax.iota(jnp.int32, L) + k * L
        m = (v > 0) & (start < MAX_LEN)
        plsc.store_scatter(idxarr, [start], t, mask=m)
        return jnp.max(c)
    total = lax.fori_loop(0, T // L, p1, jnp.int32(0))

    nvt = (total + (G - 1)) // G
    nzt = NTB - nvt
    gs = q * nvt // QW
    ge = (q + 1) * nvt // QW
    ng = ge - gs
    zs = nvt + q * nzt // QW
    ze = nvt + (q + 1) * nzt // QW

    def zfire(j, c):
        for h in range(G // ZR):
            pltpu.async_copy(zbuf,
                             out.at[pl.ds(obase + j * G + h * ZR, ZR)], zsem)
        return c
    lax.fori_loop(zs, ze, zfire, 0)

    def p2a(k, mv):
        return jnp.maximum(mv, idxarr[pl.ds(k * L, L)])
    m0 = jnp.max(lax.fori_loop(0, gs * GPL, p2a, zv))

    def p2b(k, m):
        kk = gs * GPL + k
        v = idxarr[pl.ds(kk * L, L)]
        c = jnp.maximum(plsc.cummax(v), m)
        p = kk * L + lax.iota(jnp.int32, L)
        idxg[pl.ds(k * L, L)] = jnp.where(p < total, b * T + c, 0)
        return jnp.max(c)
    lax.fori_loop(0, ng * GPL, p2b, m0)

    def gstart(jl):
        s = jl % NB
        pltpu.async_copy(xflat.at[idxg.at[pl.ds(jl * G, G)]],
                         gbuf.at[s], gsem.at[s])

    def prime(i, c):
        gstart(i)
        return c
    lax.fori_loop(0, jnp.minimum(NB, ng), prime, 0)

    def body(jl, c):
        cur = jl % NB

        @pl.when((jl >= 1) & (jl + NB - 1 < ng))
        def _():
            pltpu.make_async_copy(
                gbuf.at[(jl - 1) % NB], out.at[pl.ds(obase, G)],
                wsem.at[(jl - 1) % NB]).wait()
            gstart(jl + NB - 1)

        pltpu.make_async_copy(
            xflat.at[pl.ds(0, G)], gbuf.at[cur], gsem.at[cur]).wait()

        vt = jnp.clip(total - (gs + jl) * G, 0, G)

        @pl.when(vt < G)
        def _():
            def zr(r, c2):
                for kk in range(D // L):
                    gbuf[cur, r, pl.ds(kk * L, L)] = zvf
                return c2
            lax.fori_loop(vt, G, zr, 0)

        pltpu.async_copy(gbuf.at[cur], out.at[pl.ds(obase + (gs + jl) * G, G)],
                         wsem.at[cur])
        return c
    lax.fori_loop(0, ng, body, 0)

    def wdrain(i, c):
        pltpu.make_async_copy(
            gbuf.at[i % NB], out.at[pl.ds(obase, G)], wsem.at[i % NB]).wait()
        return c
    lax.fori_loop(jnp.maximum(ng - NB, 0), ng, wdrain, 0)

    def zdrain(j, c):
        pltpu.make_async_copy(zbuf, out.at[pl.ds(obase, ZR)], zsem).wait()
        return c
    lax.fori_loop(0, (ze - zs) * (G // ZR), zdrain, 0)

    @pl.when(q == 0)
    def _():
        melv[...] = jnp.broadcast_to(total, (L,))
        pltpu.sync_copy(melv, mel.at[b])


_sc_expand = pl.kernel(
    _expand_body,
    out_type=(jax.ShapeDtypeStruct((B * MAX_LEN, D), jnp.float32),
              jax.ShapeDtypeStruct((B, L), jnp.int32)),
    mesh=plsc.VectorSubcoreMesh(core_axis_name="c", subcore_axis_name="s",
                                num_cores=NC, num_subcores=NS),
    compiler_params=pltpu.CompilerParams(needs_layout_passes=False),
    scratch_types=[
        pltpu.VMEM((T,), jnp.int32),
        pltpu.VMEM((MAX_LEN,), jnp.int32),
        pltpu.VMEM((MAXG * G,), jnp.int32),
        pltpu.VMEM((NB, G, D), jnp.float32),
        pltpu.VMEM((ZR, D), jnp.float32),
        pltpu.VMEM((L,), jnp.int32),
        pltpu.SemaphoreType.DMA((NB,)),
        pltpu.SemaphoreType.DMA((NB,)),
        pltpu.SemaphoreType.DMA,
    ],
)


def kernel(x, duration, max_len):
    outflat, mel16 = _sc_expand(x.reshape(B * T, D), duration)
    return outflat.reshape(B, MAX_LEN, D), mel16[:, 0]

# --- scband reference (transcript-rebuilt; emitter-appended) ---
"""Pipeline reference for scband-length-regulator-46368466928002 (READ-ONLY COPY).

The authoritative reference and input builder live on the scoring server;
editing this copy changes nothing except your own understanding.
"""

import jax, jax.numpy as jnp
import numpy as np


def setup_inputs(seed: int = 0) -> dict:
    key = jax.random.key(seed)
    k1, k2 = jax.random.split(key)
    x = jax.random.normal(k1, (8, 512, 512), dtype=jnp.float32)
    duration = jax.random.randint(k2, (8, 512), 0, 8, dtype=jnp.int32)
    return {"x": x, "duration": duration, "max_len": 4096}


def reference(x, duration, max_len):
    # Faithful translation of LengthRegulator.LR:
    # each input frame x[b, t] is repeated duration[b, t] times along the time
    # axis, results are concatenated and zero-padded to max_len.
    B, T, D = x.shape
    MAX_LEN = 4096

    def expand_one(x_i, d_i):
        csum = jnp.cumsum(d_i)              # [T] end offsets of each frame's span
        total = csum[-1]                     # expanded length (mel_len)
        pos = jnp.arange(MAX_LEN)            # output frame positions
        # frame index owning output position p: first i with csum[i] > p
        idx = jnp.searchsorted(csum, pos, side='right')
        idx = jnp.clip(idx, 0, T - 1)
        out = jnp.take(x_i, idx, axis=0)     # gather: [max_len, D]
        mask = (pos < jnp.minimum(total, max_len)).astype(x_i.dtype)
        return out * mask[:, None], total    # zero padding beyond mel_len

    out, totals = jax.vmap(expand_one, in_axes=(0, 0))(x, duration)
    mel_len = totals.astype(jnp.int32)
    return out, mel_len

if __name__ == "__main__":
    import jax
    _d = setup_inputs()
    print(jax.jit(kernel)(*tuple(_d.values())))

</pallas_src>

<mosaic_0001>
#map = affine_map<(d0, d1) -> (0, 0)>
module attributes {stable_mosaic.version = 14 : i64} {
  func.func @_expand_body(%arg0: i32, %arg1: i32, %arg2: memref<4096x512xf32, #tpu.memory_space<hbm>>, %arg3: memref<8x512xi32, #tpu.memory_space<hbm>>, %arg4: memref<32768x512xf32, #tpu.memory_space<hbm>>, %arg5: memref<8x16xi32, #tpu.memory_space<hbm>>, %arg6: memref<512xi32, #tpu.memory_space<vmem>>, %arg7: memref<4096xi32, #tpu.memory_space<vmem>>, %arg8: memref<1024xi32, #tpu.memory_space<vmem>>, %arg9: memref<3x64x512xf32, #tpu.memory_space<vmem>>, %arg10: memref<16x512xf32, #tpu.memory_space<vmem>>, %arg11: memref<16xi32, #tpu.memory_space<vmem>>, %arg12: memref<3x!tpu.dma_semaphore, #tpu.memory_space<semaphore_mem>>, %arg13: memref<3x!tpu.dma_semaphore, #tpu.memory_space<semaphore_mem>>, %arg14: memref<!tpu.dma_semaphore, #tpu.memory_space<semaphore_mem>>) attributes {dimension_semantics = [#tpu.dimension_semantics<core_parallel>, #tpu.dimension_semantics<subcore_parallel>], iteration_bounds = array<i64: 2, 16>, scalar_prefetch = 0 : i64, scratch_operands = 9 : i64, tpu.core_type = #tpu.core_type<sc_vector_subcore>, window_params = [{transform_indices = #map}, {transform_indices = #map}, {transform_indices = #map}, {transform_indices = #map}]} {
    %mul3A = arith.constant 2 : i32
    %mul3A_0 = arith.muli %arg1, %mul3A : i32
    %add3A = arith.addi %mul3A_0, %arg0 : i32
    %jit3A = arith.constant 4 : i32
    %div3A = arith.divsi %add3A, %jit3A : i32
    %sign3A = arith.constant 0 : i32
    %sign3A_1 = arith.cmpi sgt, %add3A, %sign3A : i32
    %sign3A_2 = arith.extui %sign3A_1 : i1 to i32
    %sign3A_3 = arith.constant 0 : i32
    %sign3A_4 = arith.cmpi slt, %add3A, %sign3A_3 : i32
    %sign3A_5 = arith.extui %sign3A_4 : i1 to i32
    %sign3A_6 = arith.subi %sign3A_2, %sign3A_5 : i32
    %sign3A_7 = arith.constant 0 : i32
    %sign3A_8 = arith.cmpi sgt, %jit3A, %sign3A_7 : i32
    %sign3A_9 = arith.extui %sign3A_8 : i1 to i32
    %sign3A_10 = arith.constant 0 : i32
    %sign3A_11 = arith.cmpi slt, %jit3A, %sign3A_10 : i32
    %sign3A_12 = arith.extui %sign3A_11 : i1 to i32
    %sign3A_13 = arith.subi %sign3A_9, %sign3A_12 : i32
    %ne3A = arith.cmpi ne, %sign3A_6, %sign3A_13 : i32
    %rem3A = arith.remsi %add3A, %jit3A : i32
    %ne3A_14 = arith.constant 0 : i32
    %ne3A_15 = arith.cmpi ne, %rem3A, %ne3A_14 : i32
    %and3A = arith.andi %ne3A, %ne3A_15 : i1
    %sub3A = arith.constant 1 : i32
    %sub3A_16 = arith.subi %div3A, %sub3A : i32
    %select_n3A = arith.select %and3A, %sub3A_16, %div3A : i32
    %add3A_17 = arith.addi %add3A, %select_n3A : i32
    %jit3A_18 = arith.constant 4 : i32
    %eq3A = arith.constant 0 : i32
    %eq3A_19 = arith.cmpi eq, %jit3A_18, %eq3A : i32
    %jit3A_20 = arith.constant 1 : i32
    %select_n3A_21 = arith.select %eq3A_19, %jit3A_20, %jit3A_18 : i32
    %rem3A_22 = arith.remsi %add3A_17, %select_n3A_21 : i32
    %ne3A_23 = arith.constant 0 : i32
    %ne3A_24 = arith.cmpi ne, %rem3A_22, %ne3A_23 : i32
    %lt3A = arith.constant 0 : i32
    %lt3A_25 = arith.cmpi slt, %rem3A_22, %lt3A : i32
    %lt3A_26 = arith.constant 0 : i32
    %lt3A_27 = arith.cmpi slt, %select_n3A_21, %lt3A_26 : i32
    %ne3A_28 = arith.xori %lt3A_25, %lt3A_27 : i1
    %and3A_29 = arith.andi %ne3A_28, %ne3A_24 : i1
    %add3A_30 = arith.addi %rem3A_22, %select_n3A_21 : i32
    %select_n3A_31 = arith.select %and3A_29, %add3A_30, %rem3A_22 : i32
    %mul3A_32 = arith.constant 4096 : i32
    %mul3A_33 = arith.muli %select_n3A, %mul3A_32 : i32
    "tpu.region"() ({
      %run_scoped3A = tpu.sem_alloc : memref<!tpu.dma_semaphore, #tpu.memory_space<semaphore_mem>>
      %dma_start3A = arith.constant 0 : i32
      %dma_start3A_280 = tpu.memref_slice %arg3[%select_n3A, %dma_start3A] : memref<8x512xi32, #tpu.memory_space<hbm>> -> memref<1x512xi32, #tpu.memory_space<hbm>>
      %dma_start3A_281 = tpu.memref_squeeze %dma_start3A_280 : memref<1x512xi32, #tpu.memory_space<hbm>> -> memref<512xi32, #tpu.memory_space<hbm>>
      %dma_start3A_282 = arith.constant 0 : i32
      %dma_start3A_283 = tpu.memref_slice %arg3[%select_n3A, %dma_start3A_282] : memref<8x512xi32, #tpu.memory_space<hbm>> -> memref<1x512xi32, #tpu.memory_space<hbm>>
      %dma_start3A_284 = tpu.memref_squeeze %dma_start3A_283 : memref<1x512xi32, #tpu.memory_space<hbm>> -> memref<512xi32, #tpu.memory_space<hbm>>
      tpu.enqueue_dma source(%dma_start3A_284 : memref<512xi32, #tpu.memory_space<hbm>>) target(%arg6 : memref<512xi32, #tpu.memory_space<vmem>>) target_semaphore(%run_scoped3A : memref<!tpu.dma_semaphore, #tpu.memory_space<semaphore_mem>>)
      %dma_wait3A = arith.constant 0 : i32
      %dma_wait3A_285 = tpu.memref_slice %arg3[%select_n3A, %dma_wait3A] : memref<8x512xi32, #tpu.memory_space<hbm>> -> memref<1x512xi32, #tpu.memory_space<hbm>>
      %dma_wait3A_286 = tpu.memref_squeeze %dma_wait3A_285 : memref<1x512xi32, #tpu.memory_space<hbm>> -> memref<512xi32, #tpu.memory_space<hbm>>
      %dma_wait3A_287 = arith.constant 0 : i32
      %dma_wait3A_288 = tpu.memref_slice %arg3[%select_n3A, %dma_wait3A_287] : memref<8x512xi32, #tpu.memory_space<hbm>> -> memref<1x512xi32, #tpu.memory_space<hbm>>
      %dma_wait3A_289 = tpu.memref_squeeze %dma_wait3A_288 : memref<1x512xi32, #tpu.memory_space<hbm>> -> memref<512xi32, #tpu.memory_space<hbm>>
      tpu.wait_dma2 semaphore(%run_scoped3A : memref<!tpu.dma_semaphore, #tpu.memory_space<semaphore_mem>>) src(%dma_wait3A_289 : memref<512xi32, #tpu.memory_space<hbm>>) dst(%arg6 : memref<512xi32, #tpu.memory_space<vmem>>)
      tpu.yield
    }) : () -> ()
    %broadcast_in_dim3A = arith.constant 0 : i32
    %broadcast_in_dim3A_34 = vector.broadcast %broadcast_in_dim3A : i32 to vector<16xi32>
    %broadcast_in_dim3A_35 = arith.constant 0.000000e+00 : f32
    %broadcast_in_dim3A_36 = vector.broadcast %broadcast_in_dim3A_35 : f32 to vector<16xf32>
    %scan3A = arith.constant 0 : i32
    %scan3A_37 = arith.constant 0 : i32
    %scan3A_38 = arith.constant 256 : i32
    %scan3A_39 = arith.addi %scan3A_37, %scan3A_38 : i32
    %scan3A_40 = arith.constant 1 : i32
    scf.for %scan3A_280 = %scan3A_37 to %scan3A_39 step %scan3A_40  : i32 {
      %mul3A_281 = arith.constant 16 : i32
      %mul3A_282 = arith.muli %scan3A_280, %mul3A_281 : i32
      %swap3A = arith.index_cast %mul3A_282 : i32 to index
      %swap3A_283 = tpu.vector_load %arg7[%swap3A] {strides = array<i32>} : memref<4096xi32, #tpu.memory_space<vmem>>, vector<16xi32>,
      tpu.vector_store %arg7[%swap3A], %broadcast_in_dim3A_34 {strides = array<i32>} : memref<4096xi32, #tpu.memory_space<vmem>>, vector<16xi32>,
    }
    %scan3A_41 = arith.constant 256 : i32
    %scan3A_42 = arith.constant 0 : i32
    %scan3A_43 = arith.constant 0 : i32
    %scan3A_44 = arith.constant 16 : i32
    %scan3A_45 = arith.addi %scan3A_43, %scan3A_44 : i32
    %scan3A_46 = arith.constant 1 : i32
    scf.for %scan3A_280 = %scan3A_43 to %scan3A_45 step %scan3A_46  : i32 {
      %swap3A = arith.index_cast %scan3A_280 : i32 to index
      %swap3A_281 = arith.constant 0 : index
      %swap3A_282 = tpu.vector_load %arg10[%swap3A, %swap3A_281] {strides = array<i32>} : memref<16x512xf32, #tpu.memory_space<vmem>>, vector<16xf32>,
      tpu.vector_store %arg10[%swap3A, %swap3A_281], %broadcast_in_dim3A_36 {strides = array<i32>} : memref<16x512xf32, #tpu.memory_space<vmem>>, vector<16xf32>,
      %swap3A_283 = arith.index_cast %scan3A_280 : i32 to index
      %swap3A_284 = arith.constant 16 : index
      %swap3A_285 = tpu.vector_load %arg10[%swap3A_283, %swap3A_284] {strides = array<i32>} : memref<16x512xf32, #tpu.memory_space<vmem>>, vector<16xf32>,
      tpu.vector_store %arg10[%swap3A_283, %swap3A_284], %broadcast_in_dim3A_36 {strides = array<i32>} : memref<16x512xf32, #tpu.memory_space<vmem>>, vector<16xf32>,
      %swap3A_286 = arith.index_cast %scan3A_280 : i32 to index
      %swap3A_287 = arith.constant 32 : index
      %swap3A_288 = tpu.vector_load %arg10[%swap3A_286, %swap3A_287] {strides = array<i32>} : memref<16x512xf32, #tpu.memory_space<vmem>>, vector<16xf32>,
      tpu.vector_store %arg10[%swap3A_286, %swap3A_287], %broadcast_in_dim3A_36 {strides = array<i32>} : memref<16x512xf32, #tpu.memory_space<vmem>>, vector<16xf32>,
      %swap3A_289 = arith.index_cast %scan3A_280 : i32 to index
      %swap3A_290 = arith.constant 48 : index
      %swap3A_291 = tpu.vector_load %arg10[%swap3A_289, %swap3A_290] {strides = array<i32>} : memref<16x512xf32, #tpu.memory_space<vmem>>, vector<16xf32>,
      tpu.vector_store %arg10[%swap3A_289, %swap3A_290], %broadcast_in_dim3A_36 {strides = array<i32>} : memref<16x512xf32, #tpu.memory_space<vmem>>, vector<16xf32>,
      %swap3A_292 = arith.index_cast %scan3A_280 : i32 to index
      %swap3A_293 = arith.constant 64 : index
      %swap3A_294 = tpu.vector_load %arg10[%swap3A_292, %swap3A_293] {strides = array<i32>} : memref<16x512xf32, #tpu.memory_space<vmem>>, vector<16xf32>,
      tpu.vector_store %arg10[%swap3A_292, %swap3A_293], %broadcast_in_dim3A_36 {strides = array<i32>} : memref<16x512xf32, #tpu.memory_space<vmem>>, vector<16xf32>,
      %swap3A_295 = arith.index_cast %scan3A_280 : i32 to index
      %swap3A_296 = arith.constant 80 : index
      %swap3A_297 = tpu.vector_load %arg10[%swap3A_295, %swap3A_296] {strides = array<i32>} : memref<16x512xf32, #tpu.memory_space<vmem>>, vector<16xf32>,
      tpu.vector_store %arg10[%swap3A_295, %swap3A_296], %broadcast_in_dim3A_36 {strides = array<i32>} : memref<16x512xf32, #tpu.memory_space<vmem>>, vector<16xf32>,
      %swap3A_298 = arith.index_cast %scan3A_280 : i32 to index
      %swap3A_299 = arith.constant 96 : index
      %swap3A_300 = tpu.vector_load %arg10[%swap3A_298, %swap3A_299] {strides = array<i32>} : memref<16x512xf32, #tpu.memory_space<vmem>>, vector<16xf32>,
      tpu.vector_store %arg10[%swap3A_298, %swap3A_299], %broadcast_in_dim3A_36 {strides = array<i32>} : memref<16x512xf32, #tpu.memory_space<vmem>>, vector<16xf32>,
      %swap3A_301 = arith.index_cast %scan3A_280 : i32 to index
      %swap3A_302 = arith.constant 112 : index
      %swap3A_303 = tpu.vector_load %arg10[%swap3A_301, %swap3A_302] {strides = array<i32>} : memref<16x512xf32, #tpu.memory_space<vmem>>, vector<16xf32>,
      tpu.vector_store %arg10[%swap3A_301, %swap3A_302], %broadcast_in_dim3A_36 {strides = array<i32>} : memref<16x512xf32, #tpu.memory_space<vmem>>, vector<16xf32>,
      %swap3A_304 = arith.index_cast %scan3A_280 : i32 to index
      %swap3A_305 = arith.constant 128 : index
      %swap3A_306 = tpu.vector_load %arg10[%swap3A_304, %swap3A_305] {strides = array<i32>} : memref<16x512xf32, #tpu.memory_space<vmem>>, vector<16xf32>,
      tpu.vector_store %arg10[%swap3A_304, %swap3A_305], %broadcast_in_dim3A_36 {strides = array<i32>} : memref<16x512xf32, #tpu.memory_space<vmem>>, vector<16xf32>,
      %swap3A_307 = arith.index_cast %scan3A_280 : i32 to index
      %swap3A_308 = arith.constant 144 : index
      %swap3A_309 = tpu.vector_load %arg10[%swap3A_307, %swap3A_308] {strides = array<i32>} : memref<16x512xf32, #tpu.memory_space<vmem>>, vector<16xf32>,
      tpu.vector_store %arg10[%swap3A_307, %swap3A_308], %broadcast_in_dim3A_36 {strides = array<i32>} : memref<16x512xf32, #tpu.memory_space<vmem>>, vector<16xf32>,
      %swap3A_310 = arith.index_cast %scan3A_280 : i32 to index
      %swap3A_311 = arith.constant 160 : index
      %swap3A_312 = tpu.vector_load %arg10[%swap3A_310, %swap3A_311] {strides = array<i32>} : memref<16x512xf32, #tpu.memory_space<vmem>>, vector<16xf32>,
      tpu.vector_store %arg10[%swap3A_310, %swap3A_311], %broadcast_in_dim3A_36 {strides = array<i32>} : memref<16x512xf32, #tpu.memory_space<vmem>>, vector<16xf32>,
      %swap3A_313 = arith.index_cast %scan3A_280 : i32 to index
      %swap3A_314 = arith.constant 176 : index
      %swap3A_315 = tpu.vector_load %arg10[%swap3A_313, %swap3A_314] {strides = array<i32>} : memref<16x512xf32, #tpu.memory_space<vmem>>, vector<16xf32>,
      tpu.vector_store %arg10[%swap3A_313, %swap3A_314], %broadcast_in_dim3A_36 {strides = array<i32>} : memref<16x512xf32, #tpu.memory_space<vmem>>, vector<16xf32>,
      %swap3A_316 = arith.index_cast %scan3A_280 : i32 to index
      %swap3A_317 = arith.constant 192 : index
      %swap3A_318 = tpu.vector_load %arg10[%swap3A_316, %swap3A_317] {strides = array<i32>} : memref<16x512xf32, #tpu.memory_space<vmem>>, vector<16xf32>,
      tpu.vector_store %arg10[%swap3A_316, %swap3A_317], %broadcast_in_dim3A_36 {strides = array<i32>} : memref<16x512xf32, #tpu.memory_space<vmem>>, vector<16xf32>,
      %swap3A_319 = arith.index_cast %scan3A_280 : i32 to index
      %swap3A_320 = arith.constant 208 : index
      %swap3A_321 = tpu.vector_load %arg10[%swap3A_319, %swap3A_320] {strides = array<i32>} : memref<16x512xf32, #tpu.memory_space<vmem>>, vector<16xf32>,
      tpu.vector_store %arg10[%swap3A_319, %swap3A_320], %broadcast_in_dim3A_36 {strides = array<i32>} : memref<16x512xf32, #tpu.memory_space<vmem>>, vector<16xf32>,
      %swap3A_322 = arith.index_cast %scan3A_280 : i32 to index
      %swap3A_323 = arith.constant 224 : index
      %swap3A_324 = tpu.vector_load %arg10[%swap3A_322, %swap3A_323] {strides = array<i32>} : memref<16x512xf32, #tpu.memory_space<vmem>>, vector<16xf32>,
      tpu.vector_store %arg10[%swap3A_322, %swap3A_323], %broadcast_in_dim3A_36 {strides = array<i32>} : memref<16x512xf32, #tpu.memory_space<vmem>>, vector<16xf32>,
      %swap3A_325 = arith.index_cast %scan3A_280 : i32 to index
      %swap3A_326 = arith.constant 240 : index
      %swap3A_327 = tpu.vector_load %arg10[%swap3A_325, %swap3A_326] {strides = array<i32>} : memref<16x512xf32, #tpu.memory_space<vmem>>, vector<16xf32>,
      tpu.vector_store %arg10[%swap3A_325, %swap3A_326], %broadcast_in_dim3A_36 {strides = array<i32>} : memref<16x512xf32, #tpu.memory_space<vmem>>, vector<16xf32>,
      %swap3A_328 = arith.index_cast %scan3A_280 : i32 to index
      %swap3A_329 = arith.constant 256 : index
      %swap3A_330 = tpu.vector_load %arg10[%swap3A_328, %swap3A_329] {strides = array<i32>} : memref<16x512xf32, #tpu.memory_space<vmem>>, vector<16xf32>,
      tpu.vector_store %arg10[%swap3A_328, %swap3A_329], %broadcast_in_dim3A_36 {strides = array<i32>} : memref<16x512xf32, #tpu.memory_space<vmem>>, vector<16xf32>,
      %swap3A_331 = arith.index_cast %scan3A_280 : i32 to index
      %swap3A_332 = arith.constant 272 : index
      %swap3A_333 = tpu.vector_load %arg10[%swap3A_331, %swap3A_332] {strides = array<i32>} : memref<16x512xf32, #tpu.memory_space<vmem>>, vector<16xf32>,
      tpu.vector_store %arg10[%swap3A_331, %swap3A_332], %broadcast_in_dim3A_36 {strides = array<i32>} : memref<16x512xf32, #tpu.memory_space<vmem>>, vector<16xf32>,
      %swap3A_334 = arith.index_cast %scan3A_280 : i32 to index
      %swap3A_335 = arith.constant 288 : index
      %swap3A_336 = tpu.vector_load %arg10[%swap3A_334, %swap3A_335] {strides = array<i32>} : memref<16x512xf32, #tpu.memory_space<vmem>>, vector<16xf32>,
      tpu.vector_store %arg10[%swap3A_334, %swap3A_335], %broadcast_in_dim3A_36 {strides = array<i32>} : memref<16x512xf32, #tpu.memory_space<vmem>>, vector<16xf32>,
      %swap3A_337 = arith.index_cast %scan3A_280 : i32 to index
      %swap3A_338 = arith.constant 304 : index
      %swap3A_339 = tpu.vector_load %arg10[%swap3A_337, %swap3A_338] {strides = array<i32>} : memref<16x512xf32, #tpu.memory_space<vmem>>, vector<16xf32>,
      tpu.vector_store %arg10[%swap3A_337, %swap3A_338], %broadcast_in_dim3A_36 {strides = array<i32>} : memref<16x512xf32, #tpu.memory_space<vmem>>, vector<16xf32>,
      %swap3A_340 = arith.index_cast %scan3A_280 : i32 to index
      %swap3A_341 = arith.constant 320 : index
      %swap3A_342 = tpu.vector_load %arg10[%swap3A_340, %swap3A_341] {strides = array<i32>} : memref<16x512xf32, #tpu.memory_space<vmem>>, vector<16xf32>,
      tpu.vector_store %arg10[%swap3A_340, %swap3A_341], %broadcast_in_dim3A_36 {strides = array<i32>} : memref<16x512xf32, #tpu.memory_space<vmem>>, vector<16xf32>,
      %swap3A_343 = arith.index_cast %scan3A_280 : i32 to index
      %swap3A_344 = arith.constant 336 : index
      %swap3A_345 = tpu.vector_load %arg10[%swap3A_343, %swap3A_344] {strides = array<i32>} : memref<16x512xf32, #tpu.memory_space<vmem>>, vector<16xf32>,
      tpu.vector_store %arg10[%swap3A_343, %swap3A_344], %broadcast_in_dim3A_36 {strides = array<i32>} : memref<16x512xf32, #tpu.memory_space<vmem>>, vector<16xf32>,
      %swap3A_346 = arith.index_cast %scan3A_280 : i32 to index
      %swap3A_347 = arith.constant 352 : index
      %swap3A_348 = tpu.vector_load %arg10[%swap3A_346, %swap3A_347] {strides = array<i32>} : memref<16x512xf32, #tpu.memory_space<vmem>>, vector<16xf32>,
      tpu.vector_store %arg10[%swap3A_346, %swap3A_347], %broadcast_in_dim3A_36 {strides = array<i32>} : memref<16x512xf32, #tpu.memory_space<vmem>>, vector<16xf32>,
      %swap3A_349 = arith.index_cast %scan3A_280 : i32 to index
      %swap3A_350 = arith.constant 368 : index
      %swap3A_351 = tpu.vector_load %arg10[%swap3A_349, %swap3A_350] {strides = array<i32>} : memref<16x512xf32, #tpu.memory_space<vmem>>, vector<16xf32>,
      tpu.vector_store %arg10[%swap3A_349, %swap3A_350], %broadcast_in_dim3A_36 {strides = array<i32>} : memref<16x512xf32, #tpu.memory_space<vmem>>, vector<16xf32>,
      %swap3A_352 = arith.index_cast %scan3A_280 : i32 to index
      %swap3A_353 = arith.constant 384 : index
      %swap3A_354 = tpu.vector_load %arg10[%swap3A_352, %swap3A_353] {strides = array<i32>} : memref<16x512xf32, #tpu.memory_space<vmem>>, vector<16xf32>,
      tpu.vector_store %arg10[%swap3A_352, %swap3A_353], %broadcast_in_dim3A_36 {strides = array<i32>} : memref<16x512xf32, #tpu.memory_space<vmem>>, vector<16xf32>,
      %swap3A_355 = arith.index_cast %scan3A_280 : i32 to index
      %swap3A_356 = arith.constant 400 : index
      %swap3A_357 = tpu.vector_load %arg10[%swap3A_355, %swap3A_356] {strides = array<i32>} : memref<16x512xf32, #tpu.memory_space<vmem>>, vector<16xf32>,
      tpu.vector_store %arg10[%swap3A_355, %swap3A_356], %broadcast_in_dim3A_36 {strides = array<i32>} : memref<16x512xf32, #tpu.memory_space<vmem>>, vector<16xf32>,
      %swap3A_358 = arith.index_cast %scan3A_280 : i32 to index
      %swap3A_359 = arith.constant 416 : index
      %swap3A_360 = tpu.vector_load %arg10[%swap3A_358, %swap3A_359] {strides = array<i32>} : memref<16x512xf32, #tpu.memory_space<vmem>>, vector<16xf32>,
      tpu.vector_store %arg10[%swap3A_358, %swap3A_359], %broadcast_in_dim3A_36 {strides = array<i32>} : memref<16x512xf32, #tpu.memory_space<vmem>>, vector<16xf32>,
      %swap3A_361 = arith.index_cast %scan3A_280 : i32 to index
      %swap3A_362 = arith.constant 432 : index
      %swap3A_363 = tpu.vector_load %arg10[%swap3A_361, %swap3A_362] {strides = array<i32>} : memref<16x512xf32, #tpu.memory_space<vmem>>, vector<16xf32>,
      tpu.vector_store %arg10[%swap3A_361, %swap3A_362], %broadcast_in_dim3A_36 {strides = array<i32>} : memref<16x512xf32, #tpu.memory_space<vmem>>, vector<16xf32>,
      %swap3A_364 = arith.index_cast %scan3A_280 : i32 to index
      %swap3A_365 = arith.constant 448 : index
      %swap3A_366 = tpu.vector_load %arg10[%swap3A_364, %swap3A_365] {strides = array<i32>} : memref<16x512xf32, #tpu.memory_space<vmem>>, vector<16xf32>,
      tpu.vector_store %arg10[%swap3A_364, %swap3A_365], %broadcast_in_dim3A_36 {strides = array<i32>} : memref<16x512xf32, #tpu.memory_space<vmem>>, vector<16xf32>,
      %swap3A_367 = arith.index_cast %scan3A_280 : i32 to index
      %swap3A_368 = arith.constant 464 : index
      %swap3A_369 = tpu.vector_load %arg10[%swap3A_367, %swap3A_368] {strides = array<i32>} : memref<16x512xf32, #tpu.memory_space<vmem>>, vector<16xf32>,
      tpu.vector_store %arg10[%swap3A_367, %swap3A_368], %broadcast_in_dim3A_36 {strides = array<i32>} : memref<16x512xf32, #tpu.memory_space<vmem>>, vector<16xf32>,
      %swap3A_370 = arith.index_cast %scan3A_280 : i32 to index
      %swap3A_371 = arith.constant 480 : index
      %swap3A_372 = tpu.vector_load %arg10[%swap3A_370, %swap3A_371] {strides = array<i32>} : memref<16x512xf32, #tpu.memory_space<vmem>>, vector<16xf32>,
      tpu.vector_store %arg10[%swap3A_370, %swap3A_371], %broadcast_in_dim3A_36 {strides = array<i32>} : memref<16x512xf32, #tpu.memory_space<vmem>>, vector<16xf32>,
      %swap3A_373 = arith.index_cast %scan3A_280 : i32 to index
      %swap3A_374 = arith.constant 496 : index
      %swap3A_375 = tpu.vector_load %arg10[%swap3A_373, %swap3A_374] {strides = array<i32>} : memref<16x512xf32, #tpu.memory_space<vmem>>, vector<16xf32>,
      tpu.vector_store %arg10[%swap3A_373, %swap3A_374], %broadcast_in_dim3A_36 {strides = array<i32>} : memref<16x512xf32, #tpu.memory_space<vmem>>, vector<16xf32>,
    }
    %scan3A_47 = arith.constant 16 : i32
    %scan3A_48 = arith.constant 0 : i32
    %scan3A_49 = arith.constant 0 : i32
    %scan3A_50 = arith.constant 32 : i32
    %scan3A_51 = arith.addi %scan3A_49, %scan3A_50 : i32
    %scan3A_52 = arith.constant 1 : i32
    %scan3A_53 = scf.for %scan3A_280 = %scan3A_49 to %scan3A_51 step %scan3A_52 iter_args(%scan3A_281 = %scan3A_48) -> (i32)  : i32 {
      %mul3A_282 = arith.constant 16 : i32
      %mul3A_283 = arith.muli %scan3A_280, %mul3A_282 : i32
      %get3A = arith.index_cast %mul3A_283 : i32 to index
      %get3A_284 = tpu.vector_load %arg6[%get3A] {strides = array<i32>} : memref<512xi32, #tpu.memory_space<vmem>>, vector<16xi32>,
      %broadcast_in_dim3A_285 = arith.constant true
      %broadcast_in_dim3A_286 = vector.broadcast %broadcast_in_dim3A_285 : i1 to vector<16xi1>
      %masked_cumsum3A = tpu.scan <sum>, %get3A_284 masked %broadcast_in_dim3A_286 : vector<16xi32>, vector<16xi1> -> vector<16xi32>
      %add3A_287 = vector.broadcast %scan3A_281 : i32 to vector<16xi32>
      %add3A_288 = arith.addi %masked_cumsum3A, %add3A_287 : vector<16xi32>
      %sub3A_289 = arith.subi %add3A_288, %get3A_284 : vector<16xi32>
      %iota3A = tpu.iota {dimensions = array<i32: 0>} : vector<16xi32>
      %mul3A_290 = arith.constant 16 : i32
      %mul3A_291 = arith.muli %scan3A_280, %mul3A_290 : i32
      %add3A_292 = vector.broadcast %mul3A_291 : i32 to vector<16xi32>
      %add3A_293 = arith.addi %iota3A, %add3A_292 : vector<16xi32>
      %gt3A = arith.constant 0 : i32
      %gt3A_294 = vector.broadcast %gt3A : i32 to vector<16xi32>
      %gt3A_295 = arith.cmpi sgt, %get3A_284, %gt3A_294 : vector<16xi32>
      %lt3A_296 = arith.constant 4096 : i32
      %lt3A_297 = vector.broadcast %lt3A_296 : i32 to vector<16xi32>
      %lt3A_298 = arith.cmpi slt, %sub3A_289, %lt3A_297 : vector<16xi32>
      %and3A_299 = arith.andi %gt3A_295, %lt3A_298 : vector<16xi1>
      tpu.vector_store_idx %arg7[%sub3A_289], %add3A_293 masked %and3A_299 : memref<4096xi32, #tpu.memory_space<vmem>>[vector<16xi32>], vector<16xi32>, vector<16xi1>
      %reduce_max3A_300 = arith.constant true
      %reduce_max3A_301 = vector.broadcast %reduce_max3A_300 : i1 to vector<16xi1>
      %reduce_max3A_302 = arith.constant -2147483648 : i32
      %reduce_max3A_303 = vector.broadcast %reduce_max3A_302 : i32 to vector<16xi32>
      %reduce_max3A_304 = arith.xori %add3A_288, %reduce_max3A_303 : vector<16xi32>
      %reduce_max3A_305 = tpu.scan <max>, %reduce_max3A_304 masked %reduce_max3A_301 : vector<16xi32>, vector<16xi1> -> vector<16xi32>
      %reduce_max3A_306 = arith.xori %reduce_max3A_305, %reduce_max3A_303 : vector<16xi32>
      %reduce_max3A_307 = vector.extract %reduce_max3A_306[15] : i32 from vector<16xi32>
      scf.yield %reduce_max3A_307 : i32
    }
    %scan3A_54 = arith.constant 32 : i32
    %add3A_55 = arith.constant 63 : i32
    %add3A_56 = arith.addi %scan3A_53, %add3A_55 : i32
    %jit3A_57 = arith.constant 64 : i32
    %div3A_58 = arith.divsi %add3A_56, %jit3A_57 : i32
    %sign3A_59 = arith.constant 0 : i32
    %sign3A_60 = arith.cmpi sgt, %add3A_56, %sign3A_59 : i32
    %sign3A_61 = arith.extui %sign3A_60 : i1 to i32
    %sign3A_62 = arith.constant 0 : i32
    %sign3A_63 = arith.cmpi slt, %add3A_56, %sign3A_62 : i32
    %sign3A_64 = arith.extui %sign3A_63 : i1 to i32
    %sign3A_65 = arith.subi %sign3A_61, %sign3A_64 : i32
    %sign3A_66 = arith.constant 0 : i32
    %sign3A_67 = arith.cmpi sgt, %jit3A_57, %sign3A_66 : i32
    %sign3A_68 = arith.extui %sign3A_67 : i1 to i32
    %sign3A_69 = arith.constant 0 : i32
    %sign3A_70 = arith.cmpi slt, %jit3A_57, %sign3A_69 : i32
    %sign3A_71 = arith.extui %sign3A_70 : i1 to i32
    %sign3A_72 = arith.subi %sign3A_68, %sign3A_71 : i32
    %ne3A_73 = arith.cmpi ne, %sign3A_65, %sign3A_72 : i32
    %rem3A_74 = arith.remsi %add3A_56, %jit3A_57 : i32
    %ne3A_75 = arith.constant 0 : i32
    %ne3A_76 = arith.cmpi ne, %rem3A_74, %ne3A_75 : i32
    %and3A_77 = arith.andi %ne3A_73, %ne3A_76 : i1
    %sub3A_78 = arith.constant 1 : i32
    %sub3A_79 = arith.subi %div3A_58, %sub3A_78 : i32
    %select_n3A_80 = arith.select %and3A_77, %sub3A_79, %div3A_58 : i32
    %sub3A_81 = arith.constant 64 : i32
    %sub3A_82 = arith.subi %sub3A_81, %select_n3A_80 : i32
    %mul3A_83 = arith.muli %select_n3A_31, %select_n3A_80 : i32
    %jit3A_84 = arith.constant 4 : i32
    %div3A_85 = arith.divsi %mul3A_83, %jit3A_84 : i32
    %sign3A_86 = arith.constant 0 : i32
    %sign3A_87 = arith.cmpi sgt, %mul3A_83, %sign3A_86 : i32
    %sign3A_88 = arith.extui %sign3A_87 : i1 to i32
    %sign3A_89 = arith.constant 0 : i32
    %sign3A_90 = arith.cmpi slt, %mul3A_83, %sign3A_89 : i32
    %sign3A_91 = arith.extui %sign3A_90 : i1 to i32
    %sign3A_92 = arith.subi %sign3A_88, %sign3A_91 : i32
    %sign3A_93 = arith.constant 0 : i32
    %sign3A_94 = arith.cmpi sgt, %jit3A_84, %sign3A_93 : i32
    %sign3A_95 = arith.extui %sign3A_94 : i1 to i32
    %sign3A_96 = arith.constant 0 : i32
    %sign3A_97 = arith.cmpi slt, %jit3A_84, %sign3A_96 : i32
    %sign3A_98 = arith.extui %sign3A_97 : i1 to i32
    %sign3A_99 = arith.subi %sign3A_95, %sign3A_98 : i32
    %ne3A_100 = arith.cmpi ne, %sign3A_92, %sign3A_99 : i32
    %rem3A_101 = arith.remsi %mul3A_83, %jit3A_84 : i32
    %ne3A_102 = arith.constant 0 : i32
    %ne3A_103 = arith.cmpi ne, %rem3A_101, %ne3A_102 : i32
    %and3A_104 = arith.andi %ne3A_100, %ne3A_103 : i1
    %sub3A_105 = arith.constant 1 : i32
    %sub3A_106 = arith.subi %div3A_85, %sub3A_105 : i32
    %select_n3A_107 = arith.select %and3A_104, %sub3A_106, %div3A_85 : i32
    %add3A_108 = arith.constant 1 : i32
    %add3A_109 = arith.addi %select_n3A_31, %add3A_108 : i32
    %mul3A_110 = arith.muli %add3A_109, %select_n3A_80 : i32
    %jit3A_111 = arith.constant 4 : i32
    %div3A_112 = arith.divsi %mul3A_110, %jit3A_111 : i32
    %sign3A_113 = arith.constant 0 : i32
    %sign3A_114 = arith.cmpi sgt, %mul3A_110, %sign3A_113 : i32
    %sign3A_115 = arith.extui %sign3A_114 : i1 to i32
    %sign3A_116 = arith.constant 0 : i32
    %sign3A_117 = arith.cmpi slt, %mul3A_110, %sign3A_116 : i32
    %sign3A_118 = arith.extui %sign3A_117 : i1 to i32
    %sign3A_119 = arith.subi %sign3A_115, %sign3A_118 : i32
    %sign3A_120 = arith.constant 0 : i32
    %sign3A_121 = arith.cmpi sgt, %jit3A_111, %sign3A_120 : i32
    %sign3A_122 = arith.extui %sign3A_121 : i1 to i32
    %sign3A_123 = arith.constant 0 : i32
    %sign3A_124 = arith.cmpi slt, %jit3A_111, %sign3A_123 : i32
    %sign3A_125 = arith.extui %sign3A_124 : i1 to i32
    %sign3A_126 = arith.subi %sign3A_122, %sign3A_125 : i32
    %ne3A_127 = arith.cmpi ne, %sign3A_119, %sign3A_126 : i32
    %rem3A_128 = arith.remsi %mul3A_110, %jit3A_111 : i32
    %ne3A_129 = arith.constant 0 : i32
    %ne3A_130 = arith.cmpi ne, %rem3A_128, %ne3A_129 : i32
    %and3A_131 = arith.andi %ne3A_127, %ne3A_130 : i1
    %sub3A_132 = arith.constant 1 : i32
    %sub3A_133 = arith.subi %div3A_112, %sub3A_132 : i32
    %select_n3A_134 = arith.select %and3A_131, %sub3A_133, %div3A_112 : i32
    %sub3A_135 = arith.subi %select_n3A_134, %select_n3A_107 : i32
    %mul3A_136 = arith.muli %select_n3A_31, %sub3A_82 : i32
    %jit3A_137 = arith.constant 4 : i32
    %div3A_138 = arith.divsi %mul3A_136, %jit3A_137 : i32
    %sign3A_139 = arith.constant 0 : i32
    %sign3A_140 = arith.cmpi sgt, %mul3A_136, %sign3A_139 : i32
    %sign3A_141 = arith.extui %sign3A_140 : i1 to i32
    %sign3A_142 = arith.constant 0 : i32
    %sign3A_143 = arith.cmpi slt, %mul3A_136, %sign3A_142 : i32
    %sign3A_144 = arith.extui %sign3A_143 : i1 to i32
    %sign3A_145 = arith.subi %sign3A_141, %sign3A_144 : i32
    %sign3A_146 = arith.constant 0 : i32
    %sign3A_147 = arith.cmpi sgt, %jit3A_137, %sign3A_146 : i32
    %sign3A_148 = arith.extui %sign3A_147 : i1 to i32
    %sign3A_149 = arith.constant 0 : i32
    %sign3A_150 = arith.cmpi slt, %jit3A_137, %sign3A_149 : i32
    %sign3A_151 = arith.extui %sign3A_150 : i1 to i32
    %sign3A_152 = arith.subi %sign3A_148, %sign3A_151 : i32
    %ne3A_153 = arith.cmpi ne, %sign3A_145, %sign3A_152 : i32
    %rem3A_154 = arith.remsi %mul3A_136, %jit3A_137 : i32
    %ne3A_155 = arith.constant 0 : i32
    %ne3A_156 = arith.cmpi ne, %rem3A_154, %ne3A_155 : i32
    %and3A_157 = arith.andi %ne3A_153, %ne3A_156 : i1
    %sub3A_158 = arith.constant 1 : i32
    %sub3A_159 = arith.subi %div3A_138, %sub3A_158 : i32
    %select_n3A_160 = arith.select %and3A_157, %sub3A_159, %div3A_138 : i32
    %add3A_161 = arith.addi %select_n3A_80, %select_n3A_160 : i32
    %add3A_162 = arith.constant 1 : i32
    %add3A_163 = arith.addi %select_n3A_31, %add3A_162 : i32
    %mul3A_164 = arith.muli %add3A_163, %sub3A_82 : i32
    %jit3A_165 = arith.constant 4 : i32
    %div3A_166 = arith.divsi %mul3A_164, %jit3A_165 : i32
    %sign3A_167 = arith.constant 0 : i32
    %sign3A_168 = arith.cmpi sgt, %mul3A_164, %sign3A_167 : i32
    %sign3A_169 = arith.extui %sign3A_168 : i1 to i32
    %sign3A_170 = arith.constant 0 : i32
    %sign3A_171 = arith.cmpi slt, %mul3A_164, %sign3A_170 : i32
    %sign3A_172 = arith.extui %sign3A_171 : i1 to i32
    %sign3A_173 = arith.subi %sign3A_169, %sign3A_172 : i32
    %sign3A_174 = arith.constant 0 : i32
    %sign3A_175 = arith.cmpi sgt, %jit3A_165, %sign3A_174 : i32
    %sign3A_176 = arith.extui %sign3A_175 : i1 to i32
    %sign3A_177 = arith.constant 0 : i32
    %sign3A_178 = arith.cmpi slt, %jit3A_165, %sign3A_177 : i32
    %sign3A_179 = arith.extui %sign3A_178 : i1 to i32
    %sign3A_180 = arith.subi %sign3A_176, %sign3A_179 : i32
    %ne3A_181 = arith.cmpi ne, %sign3A_173, %sign3A_180 : i32
    %rem3A_182 = arith.remsi %mul3A_164, %jit3A_165 : i32
    %ne3A_183 = arith.constant 0 : i32
    %ne3A_184 = arith.cmpi ne, %rem3A_182, %ne3A_183 : i32
    %and3A_185 = arith.andi %ne3A_181, %ne3A_184 : i1
    %sub3A_186 = arith.constant 1 : i32
    %sub3A_187 = arith.subi %div3A_166, %sub3A_186 : i32
    %select_n3A_188 = arith.select %and3A_185, %sub3A_187, %div3A_166 : i32
    %add3A_189 = arith.addi %select_n3A_80, %select_n3A_188 : i32
    %while3A = arith.constant 0 : i32
    %while3A_190 = arith.subi %add3A_189, %add3A_161 : i32
    %while3A_191 = arith.addi %add3A_161, %while3A_190 : i32
    %while3A_192 = arith.constant 1 : i32
    %while3A_193 = arith.divsi %while3A_190, %while3A_192 : i32
    %while3A_194 = arith.muli %while3A_193, %while3A_192 : i32
    %while3A_195 = arith.addi %add3A_161, %while3A_194 : i32
    %while3A_196 = arith.constant 1 : i32
    scf.for %while3A_280 = %add3A_161 to %while3A_195 step %while3A_196  : i32 {
      %mul3A_281 = arith.constant 64 : i32
      %mul3A_282 = arith.muli %while3A_280, %mul3A_281 : i32
      %add3A_283 = arith.addi %mul3A_33, %mul3A_282 : i32
      %add3A_284 = arith.constant 0 : i32
      %add3A_285 = arith.addi %add3A_283, %add3A_284 : i32
      %dma_start3A = arith.constant 0 : i32
      %dma_start3A_286 = tpu.memref_slice %arg4[%add3A_285, %dma_start3A] : memref<32768x512xf32, #tpu.memory_space<hbm>> -> memref<16x512xf32, #tpu.memory_space<hbm>>
      %dma_start3A_287 = arith.constant 0 : i32
      %dma_start3A_288 = tpu.memref_slice %arg4[%add3A_285, %dma_start3A_287] : memref<32768x512xf32, #tpu.memory_space<hbm>> -> memref<16x512xf32, #tpu.memory_space<hbm>>
      tpu.enqueue_dma source(%arg10 : memref<16x512xf32, #tpu.memory_space<vmem>>) target(%dma_start3A_288 : memref<16x512xf32, #tpu.memory_space<hbm>>) target_semaphore(%arg14 : memref<!tpu.dma_semaphore, #tpu.memory_space<semaphore_mem>>)
      %mul3A_289 = arith.constant 64 : i32
      %mul3A_290 = arith.muli %while3A_280, %mul3A_289 : i32
      %add3A_291 = arith.addi %mul3A_33, %mul3A_290 : i32
      %add3A_292 = arith.constant 16 : i32
      %add3A_293 = arith.addi %add3A_291, %add3A_292 : i32
      %dma_start3A_294 = arith.constant 0 : i32
      %dma_start3A_295 = tpu.memref_slice %arg4[%add3A_293, %dma_start3A_294] : memref<32768x512xf32, #tpu.memory_space<hbm>> -> memref<16x512xf32, #tpu.memory_space<hbm>>
      %dma_start3A_296 = arith.constant 0 : i32
      %dma_start3A_297 = tpu.memref_slice %arg4[%add3A_293, %dma_start3A_296] : memref<32768x512xf32, #tpu.memory_space<hbm>> -> memref<16x512xf32, #tpu.memory_space<hbm>>
      tpu.enqueue_dma source(%arg10 : memref<16x512xf32, #tpu.memory_space<vmem>>) target(%dma_start3A_297 : memref<16x512xf32, #tpu.memory_space<hbm>>) target_semaphore(%arg14 : memref<!tpu.dma_semaphore, #tpu.memory_space<semaphore_mem>>)
      %mul3A_298 = arith.constant 64 : i32
      %mul3A_299 = arith.muli %while3A_280, %mul3A_298 : i32
      %add3A_300 = arith.addi %mul3A_33, %mul3A_299 : i32
      %add3A_301 = arith.constant 32 : i32
      %add3A_302 = arith.addi %add3A_300, %add3A_301 : i32
      %dma_start3A_303 = arith.constant 0 : i32
      %dma_start3A_304 = tpu.memref_slice %arg4[%add3A_302, %dma_start3A_303] : memref<32768x512xf32, #tpu.memory_space<hbm>> -> memref<16x512xf32, #tpu.memory_space<hbm>>
      %dma_start3A_305 = arith.constant 0 : i32
      %dma_start3A_306 = tpu.memref_slice %arg4[%add3A_302, %dma_start3A_305] : memref<32768x512xf32, #tpu.memory_space<hbm>> -> memref<16x512xf32, #tpu.memory_space<hbm>>
      tpu.enqueue_dma source(%arg10 : memref<16x512xf32, #tpu.memory_space<vmem>>) target(%dma_start3A_306 : memref<16x512xf32, #tpu.memory_space<hbm>>) target_semaphore(%arg14 : memref<!tpu.dma_semaphore, #tpu.memory_space<semaphore_mem>>)
      %mul3A_307 = arith.constant 64 : i32
      %mul3A_308 = arith.muli %while3A_280, %mul3A_307 : i32
      %add3A_309 = arith.addi %mul3A_33, %mul3A_308 : i32
      %add3A_310 = arith.constant 48 : i32
      %add3A_311 = arith.addi %add3A_309, %add3A_310 : i32
      %dma_start3A_312 = arith.constant 0 : i32
      %dma_start3A_313 = tpu.memref_slice %arg4[%add3A_311, %dma_start3A_312] : memref<32768x512xf32, #tpu.memory_space<hbm>> -> memref<16x512xf32, #tpu.memory_space<hbm>>
      %dma_start3A_314 = arith.constant 0 : i32
      %dma_start3A_315 = tpu.memref_slice %arg4[%add3A_311, %dma_start3A_314] : memref<32768x512xf32, #tpu.memory_space<hbm>> -> memref<16x512xf32, #tpu.memory_space<hbm>>
      tpu.enqueue_dma source(%arg10 : memref<16x512xf32, #tpu.memory_space<vmem>>) target(%dma_start3A_315 : memref<16x512xf32, #tpu.memory_space<hbm>>) target_semaphore(%arg14 : memref<!tpu.dma_semaphore, #tpu.memory_space<semaphore_mem>>)
    }
    %while3A_197 = arith.constant 1 : i32
    scf.for %while3A_280 = %while3A_195 to %while3A_191 step %while3A_197  : i32 {
      %mul3A_281 = arith.constant 64 : i32
      %mul3A_282 = arith.muli %while3A_280, %mul3A_281 : i32
      %add3A_283 = arith.addi %mul3A_33, %mul3A_282 : i32
      %add3A_284 = arith.constant 0 : i32
      %add3A_285 = arith.addi %add3A_283, %add3A_284 : i32
      %dma_start3A = arith.constant 0 : i32
      %dma_start3A_286 = tpu.memref_slice %arg4[%add3A_285, %dma_start3A] : memref<32768x512xf32, #tpu.memory_space<hbm>> -> memref<16x512xf32, #tpu.memory_space<hbm>>
      %dma_start3A_287 = arith.constant 0 : i32
      %dma_start3A_288 = tpu.memref_slice %arg4[%add3A_285, %dma_start3A_287] : memref<32768x512xf32, #tpu.memory_space<hbm>> -> memref<16x512xf32, #tpu.memory_space<hbm>>
      tpu.enqueue_dma source(%arg10 : memref<16x512xf32, #tpu.memory_space<vmem>>) target(%dma_start3A_288 : memref<16x512xf32, #tpu.memory_space<hbm>>) target_semaphore(%arg14 : memref<!tpu.dma_semaphore, #tpu.memory_space<semaphore_mem>>)
      %mul3A_289 = arith.constant 64 : i32
      %mul3A_290 = arith.muli %while3A_280, %mul3A_289 : i32
      %add3A_291 = arith.addi %mul3A_33, %mul3A_290 : i32
      %add3A_292 = arith.constant 16 : i32
      %add3A_293 = arith.addi %add3A_291, %add3A_292 : i32
      %dma_start3A_294 = arith.constant 0 : i32
      %dma_start3A_295 = tpu.memref_slice %arg4[%add3A_293, %dma_start3A_294] : memref<32768x512xf32, #tpu.memory_space<hbm>> -> memref<16x512xf32, #tpu.memory_space<hbm>>
      %dma_start3A_296 = arith.constant 0 : i32
      %dma_start3A_297 = tpu.memref_slice %arg4[%add3A_293, %dma_start3A_296] : memref<32768x512xf32, #tpu.memory_space<hbm>> -> memref<16x512xf32, #tpu.memory_space<hbm>>
      tpu.enqueue_dma source(%arg10 : memref<16x512xf32, #tpu.memory_space<vmem>>) target(%dma_start3A_297 : memref<16x512xf32, #tpu.memory_space<hbm>>) target_semaphore(%arg14 : memref<!tpu.dma_semaphore, #tpu.memory_space<semaphore_mem>>)
      %mul3A_298 = arith.constant 64 : i32
      %mul3A_299 = arith.muli %while3A_280, %mul3A_298 : i32
      %add3A_300 = arith.addi %mul3A_33, %mul3A_299 : i32
      %add3A_301 = arith.constant 32 : i32
      %add3A_302 = arith.addi %add3A_300, %add3A_301 : i32
      %dma_start3A_303 = arith.constant 0 : i32
      %dma_start3A_304 = tpu.memref_slice %arg4[%add3A_302, %dma_start3A_303] : memref<32768x512xf32, #tpu.memory_space<hbm>> -> memref<16x512xf32, #tpu.memory_space<hbm>>
      %dma_start3A_305 = arith.constant 0 : i32
      %dma_start3A_306 = tpu.memref_slice %arg4[%add3A_302, %dma_start3A_305] : memref<32768x512xf32, #tpu.memory_space<hbm>> -> memref<16x512xf32, #tpu.memory_space<hbm>>
      tpu.enqueue_dma source(%arg10 : memref<16x512xf32, #tpu.memory_space<vmem>>) target(%dma_start3A_306 : memref<16x512xf32, #tpu.memory_space<hbm>>) target_semaphore(%arg14 : memref<!tpu.dma_semaphore, #tpu.memory_space<semaphore_mem>>)
      %mul3A_307 = arith.constant 64 : i32
      %mul3A_308 = arith.muli %while3A_280, %mul3A_307 : i32
      %add3A_309 = arith.addi %mul3A_33, %mul3A_308 : i32
      %add3A_310 = arith.constant 48 : i32
      %add3A_311 = arith.addi %add3A_309, %add3A_310 : i32
      %dma_start3A_312 = arith.constant 0 : i32
      %dma_start3A_313 = tpu.memref_slice %arg4[%add3A_311, %dma_start3A_312] : memref<32768x512xf32, #tpu.memory_space<hbm>> -> memref<16x512xf32, #tpu.memory_space<hbm>>
      %dma_start3A_314 = arith.constant 0 : i32
      %dma_start3A_315 = tpu.memref_slice %arg4[%add3A_311, %dma_start3A_314] : memref<32768x512xf32, #tpu.memory_space<hbm>> -> memref<16x512xf32, #tpu.memory_space<hbm>>
      tpu.enqueue_dma source(%arg10 : memref<16x512xf32, #tpu.memory_space<vmem>>) target(%dma_start3A_315 : memref<16x512xf32, #tpu.memory_space<hbm>>) target_semaphore(%arg14 : memref<!tpu.dma_semaphore, #tpu.memory_space<semaphore_mem>>)
    }
    %mul3A_198 = arith.constant 4 : i32
    %mul3A_199 = arith.muli %select_n3A_107, %mul3A_198 : i32
    %while3A_200 = arith.constant 0 : i32
    %while3A_201 = arith.subi %mul3A_199, %while3A_200 : i32
    %while3A_202 = arith.addi %while3A_200, %while3A_201 : i32
    %while3A_203 = arith.constant 1 : i32
    %while3A_204 = arith.divsi %while3A_201, %while3A_203 : i32
    %while3A_205 = arith.muli %while3A_204, %while3A_203 : i32
    %while3A_206 = arith.addi %while3A_200, %while3A_205 : i32
    %while3A_207 = arith.constant 1 : i32
    %while3A_208 = scf.for %while3A_280 = %while3A_200 to %while3A_206 step %while3A_207 iter_args(%while3A_281 = %broadcast_in_dim3A_34) -> (vector<16xi32>)  : i32 {
      %mul3A_282 = arith.constant 16 : i32
      %mul3A_283 = arith.muli %while3A_280, %mul3A_282 : i32
      %get3A = arith.index_cast %mul3A_283 : i32 to index
      %get3A_284 = tpu.vector_load %arg7[%get3A] {strides = array<i32>} : memref<4096xi32, #tpu.memory_space<vmem>>, vector<16xi32>,
      %max3A_285 = arith.maxsi %while3A_281, %get3A_284 : vector<16xi32>
      scf.yield %max3A_285 : vector<16xi32>
    }
    %while3A_209 = arith.constant 1 : i32
    %while3A_210 = scf.for %while3A_280 = %while3A_206 to %while3A_202 step %while3A_209 iter_args(%while3A_281 = %while3A_208) -> (vector<16xi32>)  : i32 {
      %mul3A_282 = arith.constant 16 : i32
      %mul3A_283 = arith.muli %while3A_280, %mul3A_282 : i32
      %get3A = arith.index_cast %mul3A_283 : i32 to index
      %get3A_284 = tpu.vector_load %arg7[%get3A] {strides = array<i32>} : memref<4096xi32, #tpu.memory_space<vmem>>, vector<16xi32>,
      %max3A_285 = arith.maxsi %while3A_281, %get3A_284 : vector<16xi32>
      scf.yield %max3A_285 : vector<16xi32>
    }
    %reduce_max3A = arith.constant true
    %reduce_max3A_211 = vector.broadcast %reduce_max3A : i1 to vector<16xi1>
    %reduce_max3A_212 = arith.constant -2147483648 : i32
    %reduce_max3A_213 = vector.broadcast %reduce_max3A_212 : i32 to vector<16xi32>
    %reduce_max3A_214 = arith.xori %while3A_210, %reduce_max3A_213 : vector<16xi32>
    %reduce_max3A_215 = tpu.scan <max>, %reduce_max3A_214 masked %reduce_max3A_211 : vector<16xi32>, vector<16xi1> -> vector<16xi32>
    %reduce_max3A_216 = arith.xori %reduce_max3A_215, %reduce_max3A_213 : vector<16xi32>
    %reduce_max3A_217 = vector.extract %reduce_max3A_216[15] : i32 from vector<16xi32>
    %mul3A_218 = arith.constant 4 : i32
    %mul3A_219 = arith.muli %sub3A_135, %mul3A_218 : i32
    %while3A_220 = arith.constant 0 : i32
    %while3A_221 = arith.subi %mul3A_219, %while3A_220 : i32
    %while3A_222 = arith.addi %while3A_220, %while3A_221 : i32
    %while3A_223 = arith.constant 1 : i32
    %while3A_224 = arith.divsi %while3A_221, %while3A_223 : i32
    %while3A_225 = arith.muli %while3A_224, %while3A_223 : i32
    %while3A_226 = arith.addi %while3A_220, %while3A_225 : i32
    %while3A_227 = arith.constant 1 : i32
    %while3A_228 = scf.for %while3A_280 = %while3A_220 to %while3A_226 step %while3A_227 iter_args(%while3A_281 = %reduce_max3A_217) -> (i32)  : i32 {
      %mul3A_282 = arith.constant 4 : i32
      %mul3A_283 = arith.muli %select_n3A_107, %mul3A_282 : i32
      %add3A_284 = arith.addi %mul3A_283, %while3A_280 : i32
      %mul3A_285 = arith.constant 16 : i32
      %mul3A_286 = arith.muli %add3A_284, %mul3A_285 : i32
      %get3A = arith.index_cast %mul3A_286 : i32 to index
      %get3A_287 = tpu.vector_load %arg7[%get3A] {strides = array<i32>} : memref<4096xi32, #tpu.memory_space<vmem>>, vector<16xi32>,
      %broadcast_in_dim3A_288 = arith.constant true
      %broadcast_in_dim3A_289 = vector.broadcast %broadcast_in_dim3A_288 : i1 to vector<16xi1>
      %masked_cummax3A = arith.constant -2147483648 : i32
      %masked_cummax3A_290 = vector.broadcast %masked_cummax3A : i32 to vector<16xi32>
      %masked_cummax3A_291 = arith.xori %get3A_287, %masked_cummax3A_290 : vector<16xi32>
      %masked_cummax3A_292 = tpu.scan <max>, %masked_cummax3A_291 masked %broadcast_in_dim3A_289 : vector<16xi32>, vector<16xi1> -> vector<16xi32>
      %masked_cummax3A_293 = arith.xori %masked_cummax3A_292, %masked_cummax3A_290 : vector<16xi32>
      %max3A_294 = vector.broadcast %while3A_281 : i32 to vector<16xi32>
      %max3A_295 = arith.maxsi %masked_cummax3A_293, %max3A_294 : vector<16xi32>
      %mul3A_296 = arith.constant 16 : i32
      %mul3A_297 = arith.muli %add3A_284, %mul3A_296 : i32
      %iota3A = tpu.iota {dimensions = array<i32: 0>} : vector<16xi32>
      %add3A_298 = vector.broadcast %mul3A_297 : i32 to vector<16xi32>
      %add3A_299 = arith.addi %add3A_298, %iota3A : vector<16xi32>
      %lt3A_300 = vector.broadcast %scan3A_53 : i32 to vector<16xi32>
      %lt3A_301 = arith.cmpi slt, %add3A_299, %lt3A_300 : vector<16xi32>
      %mul3A_302 = arith.constant 512 : i32
      %mul3A_303 = arith.muli %select_n3A, %mul3A_302 : i32
      %add3A_304 = vector.broadcast %mul3A_303 : i32 to vector<16xi32>
      %add3A_305 = arith.addi %add3A_304, %max3A_295 : vector<16xi32>
      %jit3A_306 = arith.constant 0 : i32
      %broadcast_in_dim3A_307 = vector.broadcast %jit3A_306 : i32 to vector<16xi32>
      %select_n3A_308 = arith.select %lt3A_301, %add3A_305, %broadcast_in_dim3A_307 : vector<16xi1>, vector<16xi32>
      %mul3A_309 = arith.constant 16 : i32
      %mul3A_310 = arith.muli %while3A_280, %mul3A_309 : i32
      %swap3A = arith.index_cast %mul3A_310 : i32 to index
      %swap3A_311 = tpu.vector_load %arg8[%swap3A] {strides = array<i32>} : memref<1024xi32, #tpu.memory_space<vmem>>, vector<16xi32>,
      tpu.vector_store %arg8[%swap3A], %select_n3A_308 {strides = array<i32>} : memref<1024xi32, #tpu.memory_space<vmem>>, vector<16xi32>,
      %reduce_max3A_312 = arith.constant true
      %reduce_max3A_313 = vector.broadcast %reduce_max3A_312 : i1 to vector<16xi1>
      %reduce_max3A_314 = arith.constant -2147483648 : i32
      %reduce_max3A_315 = vector.broadcast %reduce_max3A_314 : i32 to vector<16xi32>
      %reduce_max3A_316 = arith.xori %max3A_295, %reduce_max3A_315 : vector<16xi32>
      %reduce_max3A_317 = tpu.scan <max>, %reduce_max3A_316 masked %reduce_max3A_313 : vector<16xi32>, vector<16xi1> -> vector<16xi32>
      %reduce_max3A_318 = arith.xori %reduce_max3A_317, %reduce_max3A_315 : vector<16xi32>
      %reduce_max3A_319 = vector.extract %reduce_max3A_318[15] : i32 from vector<16xi32>
      scf.yield %reduce_max3A_319 : i32
    }
    %while3A_229 = arith.constant 1 : i32
    %while3A_230 = scf.for %while3A_280 = %while3A_226 to %while3A_222 step %while3A_229 iter_args(%while3A_281 = %while3A_228) -> (i32)  : i32 {
      %mul3A_282 = arith.constant 4 : i32
      %mul3A_283 = arith.muli %select_n3A_107, %mul3A_282 : i32
      %add3A_284 = arith.addi %mul3A_283, %while3A_280 : i32
      %mul3A_285 = arith.constant 16 : i32
      %mul3A_286 = arith.muli %add3A_284, %mul3A_285 : i32
      %get3A = arith.index_cast %mul3A_286 : i32 to index
      %get3A_287 = tpu.vector_load %arg7[%get3A] {strides = array<i32>} : memref<4096xi32, #tpu.memory_space<vmem>>, vector<16xi32>,
      %broadcast_in_dim3A_288 = arith.constant true
      %broadcast_in_dim3A_289 = vector.broadcast %broadcast_in_dim3A_288 : i1 to vector<16xi1>
      %masked_cummax3A = arith.constant -2147483648 : i32
      %masked_cummax3A_290 = vector.broadcast %masked_cummax3A : i32 to vector<16xi32>
      %masked_cummax3A_291 = arith.xori %get3A_287, %masked_cummax3A_290 : vector<16xi32>
      %masked_cummax3A_292 = tpu.scan <max>, %masked_cummax3A_291 masked %broadcast_in_dim3A_289 : vector<16xi32>, vector<16xi1> -> vector<16xi32>
      %masked_cummax3A_293 = arith.xori %masked_cummax3A_292, %masked_cummax3A_290 : vector<16xi32>
      %max3A_294 = vector.broadcast %while3A_281 : i32 to vector<16xi32>
      %max3A_295 = arith.maxsi %masked_cummax3A_293, %max3A_294 : vector<16xi32>
      %mul3A_296 = arith.constant 16 : i32
      %mul3A_297 = arith.muli %add3A_284, %mul3A_296 : i32
      %iota3A = tpu.iota {dimensions = array<i32: 0>} : vector<16xi32>
      %add3A_298 = vector.broadcast %mul3A_297 : i32 to vector<16xi32>
      %add3A_299 = arith.addi %add3A_298, %iota3A : vector<16xi32>
      %lt3A_300 = vector.broadcast %scan3A_53 : i32 to vector<16xi32>
      %lt3A_301 = arith.cmpi slt, %add3A_299, %lt3A_300 : vector<16xi32>
      %mul3A_302 = arith.constant 512 : i32
      %mul3A_303 = arith.muli %select_n3A, %mul3A_302 : i32
      %add3A_304 = vector.broadcast %mul3A_303 : i32 to vector<16xi32>
      %add3A_305 = arith.addi %add3A_304, %max3A_295 : vector<16xi32>
      %jit3A_306 = arith.constant 0 : i32
      %broadcast_in_dim3A_307 = vector.broadcast %jit3A_306 : i32 to vector<16xi32>
      %select_n3A_308 = arith.select %lt3A_301, %add3A_305, %broadcast_in_dim3A_307 : vector<16xi1>, vector<16xi32>
      %mul3A_309 = arith.constant 16 : i32
      %mul3A_310 = arith.muli %while3A_280, %mul3A_309 : i32
      %swap3A = arith.index_cast %mul3A_310 : i32 to index
      %swap3A_311 = tpu.vector_load %arg8[%swap3A] {strides = array<i32>} : memref<1024xi32, #tpu.memory_space<vmem>>, vector<16xi32>,
      tpu.vector_store %arg8[%swap3A], %select_n3A_308 {strides = array<i32>} : memref<1024xi32, #tpu.memory_space<vmem>>, vector<16xi32>,
      %reduce_max3A_312 = arith.constant true
      %reduce_max3A_313 = vector.broadcast %reduce_max3A_312 : i1 to vector<16xi1>
      %reduce_max3A_314 = arith.constant -2147483648 : i32
      %reduce_max3A_315 = vector.broadcast %reduce_max3A_314 : i32 to vector<16xi32>
      %reduce_max3A_316 = arith.xori %max3A_295, %reduce_max3A_315 : vector<16xi32>
      %reduce_max3A_317 = tpu.scan <max>, %reduce_max3A_316 masked %reduce_max3A_313 : vector<16xi32>, vector<16xi1> -> vector<16xi32>
      %reduce_max3A_318 = arith.xori %reduce_max3A_317, %reduce_max3A_315 : vector<16xi32>
      %reduce_max3A_319 = vector.extract %reduce_max3A_318[15] : i32 from vector<16xi32>
      scf.yield %reduce_max3A_319 : i32
    }
    %min3A = arith.constant 3 : i32
    %min3A_231 = arith.minsi %min3A, %sub3A_135 : i32
    %while3A_232 = arith.constant 0 : i32
    %while3A_233 = arith.constant 0 : i32
    %while3A_234 = arith.subi %min3A_231, %while3A_233 : i32
    %while3A_235 = arith.addi %while3A_233, %while3A_234 : i32
    %while3A_236 = arith.constant 1 : i32
    %while3A_237 = arith.divsi %while3A_234, %while3A_236 : i32
    %while3A_238 = arith.muli %while3A_237, %while3A_236 : i32
    %while3A_239 = arith.addi %while3A_233, %while3A_238 : i32
    %while3A_240 = arith.constant 1 : i32
    scf.for %while3A_280 = %while3A_233 to %while3A_239 step %while3A_240  : i32 {
      %jit3A_281 = arith.constant 3 : i32
      %eq3A_282 = arith.constant 0 : i32
      %eq3A_283 = arith.cmpi eq, %jit3A_281, %eq3A_282 : i32
      %jit3A_284 = arith.constant 1 : i32
      %select_n3A_285 = arith.select %eq3A_283, %jit3A_284, %jit3A_281 : i32
      %rem3A_286 = arith.remsi %while3A_280, %select_n3A_285 : i32
      %ne3A_287 = arith.constant 0 : i32
      %ne3A_288 = arith.cmpi ne, %rem3A_286, %ne3A_287 : i32
      %lt3A_289 = arith.constant 0 : i32
      %lt3A_290 = arith.cmpi slt, %rem3A_286, %lt3A_289 : i32
      %lt3A_291 = arith.constant 0 : i32
      %lt3A_292 = arith.cmpi slt, %select_n3A_285, %lt3A_291 : i32
      %ne3A_293 = arith.xori %lt3A_290, %lt3A_292 : i1
      %and3A_294 = arith.andi %ne3A_293, %ne3A_288 : i1
      %add3A_295 = arith.addi %rem3A_286, %select_n3A_285 : i32
      %select_n3A_296 = arith.select %and3A_294, %add3A_295, %rem3A_286 : i32
      %mul3A_297 = arith.constant 64 : i32
      %mul3A_298 = arith.muli %while3A_280, %mul3A_297 : i32
      %dma_start3A = arith.constant 0 : i32
      %dma_start3A_299 = arith.constant 0 : i32
      %dma_start3A_300 = tpu.memref_slice %arg9[%select_n3A_296, %dma_start3A, %dma_start3A_299] : memref<3x64x512xf32, #tpu.memory_space<vmem>> -> memref<1x64x512xf32, #tpu.memory_space<vmem>>
      %dma_start3A_301 = tpu.memref_squeeze %dma_start3A_300 : memref<1x64x512xf32, #tpu.memory_space<vmem>> -> memref<64x512xf32, #tpu.memory_space<vmem>>
      %dma_start3A_302 = tpu.memref_slice %arg8[%mul3A_298] : memref<1024xi32, #tpu.memory_space<vmem>> -> memref<64xi32, #tpu.memory_space<vmem>>
      %dma_start3A_303 = arith.constant 0 : i32
      %dma_start3A_304 = arith.constant 0 : i32
      %dma_start3A_305 = tpu.memref_slice %arg2[%dma_start3A_303, %dma_start3A_304] : memref<4096x512xf32, #tpu.memory_space<hbm>> -> memref<4096x512xf32, #tpu.memory_space<hbm>>
      %dma_start3A_306 = tpu.memref_slice %arg12[%select_n3A_296] : memref<3x!tpu.dma_semaphore, #tpu.memory_space<semaphore_mem>> -> memref<1x!tpu.dma_semaphore, #tpu.memory_space<semaphore_mem>>
      %dma_start3A_307 = tpu.memref_squeeze %dma_start3A_306 : memref<1x!tpu.dma_semaphore, #tpu.memory_space<semaphore_mem>> -> memref<!tpu.dma_semaphore, #tpu.memory_space<semaphore_mem>>
      tpu.enqueue_indirect_dma source(%dma_start3A_305 : memref<4096x512xf32, #tpu.memory_space<hbm>>) target(%dma_start3A_301 : memref<64x512xf32, #tpu.memory_space<vmem>>) offsets(%dma_start3A_302 : memref<64xi32, #tpu.memory_space<vmem>>) semaphore(%dma_start3A_307 : memref<!tpu.dma_semaphore, #tpu.memory_space<semaphore_mem>>)
    }
    %while3A_241 = arith.constant 1 : i32
    scf.for %while3A_280 = %while3A_239 to %while3A_235 step %while3A_241  : i32 {
      %jit3A_281 = arith.constant 3 : i32
      %eq3A_282 = arith.constant 0 : i32
      %eq3A_283 = arith.cmpi eq, %jit3A_281, %eq3A_282 : i32
      %jit3A_284 = arith.constant 1 : i32
      %select_n3A_285 = arith.select %eq3A_283, %jit3A_284, %jit3A_281 : i32
      %rem3A_286 = arith.remsi %while3A_280, %select_n3A_285 : i32
      %ne3A_287 = arith.constant 0 : i32
      %ne3A_288 = arith.cmpi ne, %rem3A_286, %ne3A_287 : i32
      %lt3A_289 = arith.constant 0 : i32
      %lt3A_290 = arith.cmpi slt, %rem3A_286, %lt3A_289 : i32
      %lt3A_291 = arith.constant 0 : i32
      %lt3A_292 = arith.cmpi slt, %select_n3A_285, %lt3A_291 : i32
      %ne3A_293 = arith.xori %lt3A_290, %lt3A_292 : i1
      %and3A_294 = arith.andi %ne3A_293, %ne3A_288 : i1
      %add3A_295 = arith.addi %rem3A_286, %select_n3A_285 : i32
      %select_n3A_296 = arith.select %and3A_294, %add3A_295, %rem3A_286 : i32
      %mul3A_297 = arith.constant 64 : i32
      %mul3A_298 = arith.muli %while3A_280, %mul3A_297 : i32
      %dma_start3A = arith.constant 0 : i32
      %dma_start3A_299 = arith.constant 0 : i32
      %dma_start3A_300 = tpu.memref_slice %arg9[%select_n3A_296, %dma_start3A, %dma_start3A_299] : memref<3x64x512xf32, #tpu.memory_space<vmem>> -> memref<1x64x512xf32, #tpu.memory_space<vmem>>
      %dma_start3A_301 = tpu.memref_squeeze %dma_start3A_300 : memref<1x64x512xf32, #tpu.memory_space<vmem>> -> memref<64x512xf32, #tpu.memory_space<vmem>>
      %dma_start3A_302 = tpu.memref_slice %arg8[%mul3A_298] : memref<1024xi32, #tpu.memory_space<vmem>> -> memref<64xi32, #tpu.memory_space<vmem>>
      %dma_start3A_303 = arith.constant 0 : i32
      %dma_start3A_304 = arith.constant 0 : i32
      %dma_start3A_305 = tpu.memref_slice %arg2[%dma_start3A_303, %dma_start3A_304] : memref<4096x512xf32, #tpu.memory_space<hbm>> -> memref<4096x512xf32, #tpu.memory_space<hbm>>
      %dma_start3A_306 = tpu.memref_slice %arg12[%select_n3A_296] : memref<3x!tpu.dma_semaphore, #tpu.memory_space<semaphore_mem>> -> memref<1x!tpu.dma_semaphore, #tpu.memory_space<semaphore_mem>>
      %dma_start3A_307 = tpu.memref_squeeze %dma_start3A_306 : memref<1x!tpu.dma_semaphore, #tpu.memory_space<semaphore_mem>> -> memref<!tpu.dma_semaphore, #tpu.memory_space<semaphore_mem>>
      tpu.enqueue_indirect_dma source(%dma_start3A_305 : memref<4096x512xf32, #tpu.memory_space<hbm>>) target(%dma_start3A_301 : memref<64x512xf32, #tpu.memory_space<vmem>>) offsets(%dma_start3A_302 : memref<64xi32, #tpu.memory_space<vmem>>) semaphore(%dma_start3A_307 : memref<!tpu.dma_semaphore, #tpu.memory_space<semaphore_mem>>)
    }
    %while3A_242 = arith.constant 0 : i32
    %while3A_243 = arith.constant 0 : i32
    %while3A_244 = arith.subi %sub3A_135, %while3A_243 : i32
    %while3A_245 = arith.addi %while3A_243, %while3A_244 : i32
    %while3A_246 = arith.constant 1 : i32
    %while3A_247 = arith.divsi %while3A_244, %while3A_246 : i32
    %while3A_248 = arith.muli %while3A_247, %while3A_246 : i32
    %while3A_249 = arith.addi %while3A_243, %while3A_248 : i32
    %while3A_250 = arith.constant 1 : i32
    scf.for %while3A_280 = %while3A_243 to %while3A_249 step %while3A_250  : i32 {
      %jit3A_281 = arith.constant 3 : i32
      %eq3A_282 = arith.constant 0 : i32
      %eq3A_283 = arith.cmpi eq, %jit3A_281, %eq3A_282 : i32
      %jit3A_284 = arith.constant 1 : i32
      %select_n3A_285 = arith.select %eq3A_283, %jit3A_284, %jit3A_281 : i32
      %rem3A_286 = arith.remsi %while3A_280, %select_n3A_285 : i32
      %ne3A_287 = arith.constant 0 : i32
      %ne3A_288 = arith.cmpi ne, %rem3A_286, %ne3A_287 : i32
      %lt3A_289 = arith.constant 0 : i32
      %lt3A_290 = arith.cmpi slt, %rem3A_286, %lt3A_289 : i32
      %lt3A_291 = arith.constant 0 : i32
      %lt3A_292 = arith.cmpi slt, %select_n3A_285, %lt3A_291 : i32
      %ne3A_293 = arith.xori %lt3A_290, %lt3A_292 : i1
      %and3A_294 = arith.andi %ne3A_293, %ne3A_288 : i1
      %add3A_295 = arith.addi %rem3A_286, %select_n3A_285 : i32
      %select_n3A_296 = arith.select %and3A_294, %add3A_295, %rem3A_286 : i32
      %ge3A = arith.constant 1 : i32
      %ge3A_297 = arith.cmpi sge, %while3A_280, %ge3A : i32
      %add3A_298 = arith.constant 3 : i32
      %add3A_299 = arith.addi %while3A_280, %add3A_298 : i32
      %sub3A_300 = arith.constant 1 : i32
      %sub3A_301 = arith.subi %add3A_299, %sub3A_300 : i32
      %lt3A_302 = arith.cmpi slt, %sub3A_301, %sub3A_135 : i32
      %and3A_303 = arith.andi %ge3A_297, %lt3A_302 : i1
      %convert_element_type3A_304 = arith.extui %and3A_303 : i1 to i32
      %cond3A_305 = arith.constant 0 : i32
      %cond3A_306 = arith.cmpi ne, %convert_element_type3A_304, %cond3A_305 : i32
      scf.if %cond3A_306 {
        %sub3A_352 = arith.constant 1 : i32
        %sub3A_353 = arith.subi %while3A_280, %sub3A_352 : i32
        %jit3A_354 = arith.constant 3 : i32
        %eq3A_355 = arith.constant 0 : i32
        %eq3A_356 = arith.cmpi eq, %jit3A_354, %eq3A_355 : i32
        %jit3A_357 = arith.constant 1 : i32
        %select_n3A_358 = arith.select %eq3A_356, %jit3A_357, %jit3A_354 : i32
        %rem3A_359 = arith.remsi %sub3A_353, %select_n3A_358 : i32
        %ne3A_360 = arith.constant 0 : i32
        %ne3A_361 = arith.cmpi ne, %rem3A_359, %ne3A_360 : i32
        %lt3A_362 = arith.constant 0 : i32
        %lt3A_363 = arith.cmpi slt, %rem3A_359, %lt3A_362 : i32
        %lt3A_364 = arith.constant 0 : i32
        %lt3A_365 = arith.cmpi slt, %select_n3A_358, %lt3A_364 : i32
        %ne3A_366 = arith.xori %lt3A_363, %lt3A_365 : i1
        %and3A_367 = arith.andi %ne3A_366, %ne3A_361 : i1
        %add3A_368 = arith.addi %rem3A_359, %select_n3A_358 : i32
        %select_n3A_369 = arith.select %and3A_367, %add3A_368, %rem3A_359 : i32
        %sub3A_370 = arith.constant 1 : i32
        %sub3A_371 = arith.subi %while3A_280, %sub3A_370 : i32
        %jit3A_372 = arith.constant 3 : i32
        %eq3A_373 = arith.constant 0 : i32
        %eq3A_374 = arith.cmpi eq, %jit3A_372, %eq3A_373 : i32
        %jit3A_375 = arith.constant 1 : i32
        %select_n3A_376 = arith.select %eq3A_374, %jit3A_375, %jit3A_372 : i32
        %rem3A_377 = arith.remsi %sub3A_371, %select_n3A_376 : i32
        %ne3A_378 = arith.constant 0 : i32
        %ne3A_379 = arith.cmpi ne, %rem3A_377, %ne3A_378 : i32
        %lt3A_380 = arith.constant 0 : i32
        %lt3A_381 = arith.cmpi slt, %rem3A_377, %lt3A_380 : i32
        %lt3A_382 = arith.constant 0 : i32
        %lt3A_383 = arith.cmpi slt, %select_n3A_376, %lt3A_382 : i32
        %ne3A_384 = arith.xori %lt3A_381, %lt3A_383 : i1
        %and3A_385 = arith.andi %ne3A_384, %ne3A_379 : i1
        %add3A_386 = arith.addi %rem3A_377, %select_n3A_376 : i32
        %select_n3A_387 = arith.select %and3A_385, %add3A_386, %rem3A_377 : i32
        %dma_wait3A_388 = arith.constant 0 : i32
        %dma_wait3A_389 = arith.constant 0 : i32
        %dma_wait3A_390 = tpu.memref_slice %arg9[%select_n3A_369, %dma_wait3A_388, %dma_wait3A_389] : memref<3x64x512xf32, #tpu.memory_space<vmem>> -> memref<1x64x512xf32, #tpu.memory_space<vmem>>
        %dma_wait3A_391 = tpu.memref_squeeze %dma_wait3A_390 : memref<1x64x512xf32, #tpu.memory_space<vmem>> -> memref<64x512xf32, #tpu.memory_space<vmem>>
        %dma_wait3A_392 = arith.constant 0 : i32
        %dma_wait3A_393 = tpu.memref_slice %arg4[%mul3A_33, %dma_wait3A_392] : memref<32768x512xf32, #tpu.memory_space<hbm>> -> memref<64x512xf32, #tpu.memory_space<hbm>>
        %dma_wait3A_394 = tpu.memref_slice %arg13[%select_n3A_387] : memref<3x!tpu.dma_semaphore, #tpu.memory_space<semaphore_mem>> -> memref<1x!tpu.dma_semaphore, #tpu.memory_space<semaphore_mem>>
        %dma_wait3A_395 = tpu.memref_squeeze %dma_wait3A_394 : memref<1x!tpu.dma_semaphore, #tpu.memory_space<semaphore_mem>> -> memref<!tpu.dma_semaphore, #tpu.memory_space<semaphore_mem>>
        %dma_wait3A_396 = arith.constant 0 : i32
        %dma_wait3A_397 = tpu.memref_slice %arg4[%mul3A_33, %dma_wait3A_396] : memref<32768x512xf32, #tpu.memory_space<hbm>> -> memref<64x512xf32, #tpu.memory_space<hbm>>
        %dma_wait3A_398 = arith.constant 0 : i32
        %dma_wait3A_399 = arith.constant 0 : i32
        %dma_wait3A_400 = tpu.memref_slice %arg9[%select_n3A_369, %dma_wait3A_398, %dma_wait3A_399] : memref<3x64x512xf32, #tpu.memory_space<vmem>> -> memref<1x64x512xf32, #tpu.memory_space<vmem>>
        %dma_wait3A_401 = tpu.memref_squeeze %dma_wait3A_400 : memref<1x64x512xf32, #tpu.memory_space<vmem>> -> memref<64x512xf32, #tpu.memory_space<vmem>>
        tpu.wait_dma2 semaphore(%dma_wait3A_395 : memref<!tpu.dma_semaphore, #tpu.memory_space<semaphore_mem>>) src(%dma_wait3A_401 : memref<64x512xf32, #tpu.memory_space<vmem>>) dst(%dma_wait3A_397 : memref<64x512xf32, #tpu.memory_space<hbm>>)
        %add3A_402 = arith.constant 3 : i32
        %add3A_403 = arith.addi %while3A_280, %add3A_402 : i32
        %sub3A_404 = arith.constant 1 : i32
        %sub3A_405 = arith.subi %add3A_403, %sub3A_404 : i32
        %jit3A_406 = arith.constant 3 : i32
        %eq3A_407 = arith.constant 0 : i32
        %eq3A_408 = arith.cmpi eq, %jit3A_406, %eq3A_407 : i32
        %jit3A_409 = arith.constant 1 : i32
        %select_n3A_410 = arith.select %eq3A_408, %jit3A_409, %jit3A_406 : i32
        %rem3A_411 = arith.remsi %sub3A_405, %select_n3A_410 : i32
        %ne3A_412 = arith.constant 0 : i32
        %ne3A_413 = arith.cmpi ne, %rem3A_411, %ne3A_412 : i32
        %lt3A_414 = arith.constant 0 : i32
        %lt3A_415 = arith.cmpi slt, %rem3A_411, %lt3A_414 : i32
        %lt3A_416 = arith.constant 0 : i32
        %lt3A_417 = arith.cmpi slt, %select_n3A_410, %lt3A_416 : i32
        %ne3A_418 = arith.xori %lt3A_415, %lt3A_417 : i1
        %and3A_419 = arith.andi %ne3A_418, %ne3A_413 : i1
        %add3A_420 = arith.addi %rem3A_411, %select_n3A_410 : i32
        %select_n3A_421 = arith.select %and3A_419, %add3A_420, %rem3A_411 : i32
        %mul3A_422 = arith.constant 64 : i32
        %mul3A_423 = arith.muli %sub3A_405, %mul3A_422 : i32
        %dma_start3A_424 = arith.constant 0 : i32
        %dma_start3A_425 = arith.constant 0 : i32
        %dma_start3A_426 = tpu.memref_slice %arg9[%select_n3A_421, %dma_start3A_424, %dma_start3A_425] : memref<3x64x512xf32, #tpu.memory_space<vmem>> -> memref<1x64x512xf32, #tpu.memory_space<vmem>>
        %dma_start3A_427 = tpu.memref_squeeze %dma_start3A_426 : memref<1x64x512xf32, #tpu.memory_space<vmem>> -> memref<64x512xf32, #tpu.memory_space<vmem>>
        %dma_start3A_428 = tpu.memref_slice %arg8[%mul3A_423] : memref<1024xi32, #tpu.memory_space<vmem>> -> memref<64xi32, #tpu.memory_space<vmem>>
        %dma_start3A_429 = arith.constant 0 : i32
        %dma_start3A_430 = arith.constant 0 : i32
        %dma_start3A_431 = tpu.memref_slice %arg2[%dma_start3A_429, %dma_start3A_430] : memref<4096x512xf32, #tpu.memory_space<hbm>> -> memref<4096x512xf32, #tpu.memory_space<hbm>>
        %dma_start3A_432 = tpu.memref_slice %arg12[%select_n3A_421] : memref<3x!tpu.dma_semaphore, #tpu.memory_space<semaphore_mem>> -> memref<1x!tpu.dma_semaphore, #tpu.memory_space<semaphore_mem>>
        %dma_start3A_433 = tpu.memref_squeeze %dma_start3A_432 : memref<1x!tpu.dma_semaphore, #tpu.memory_space<semaphore_mem>> -> memref<!tpu.dma_semaphore, #tpu.memory_space<semaphore_mem>>
        tpu.enqueue_indirect_dma source(%dma_start3A_431 : memref<4096x512xf32, #tpu.memory_space<hbm>>) target(%dma_start3A_427 : memref<64x512xf32, #tpu.memory_space<vmem>>) offsets(%dma_start3A_428 : memref<64xi32, #tpu.memory_space<vmem>>) semaphore(%dma_start3A_433 : memref<!tpu.dma_semaphore, #tpu.memory_space<semaphore_mem>>)
      } else {
      }
      %dma_wait3A = arith.constant 0 : i32
      %dma_wait3A_307 = arith.constant 0 : i32
      %dma_wait3A_308 = tpu.memref_slice %arg9[%select_n3A_296, %dma_wait3A, %dma_wait3A_307] : memref<3x64x512xf32, #tpu.memory_space<vmem>> -> memref<1x64x512xf32, #tpu.memory_space<vmem>>
      %dma_wait3A_309 = tpu.memref_squeeze %dma_wait3A_308 : memref<1x64x512xf32, #tpu.memory_space<vmem>> -> memref<64x512xf32, #tpu.memory_space<vmem>>
      %dma_wait3A_310 = arith.constant 0 : i32
      %dma_wait3A_311 = arith.constant 0 : i32
      %dma_wait3A_312 = tpu.memref_slice %arg2[%dma_wait3A_310, %dma_wait3A_311] : memref<4096x512xf32, #tpu.memory_space<hbm>> -> memref<64x512xf32, #tpu.memory_space<hbm>>
      %dma_wait3A_313 = tpu.memref_slice %arg12[%select_n3A_296] : memref<3x!tpu.dma_semaphore, #tpu.memory_space<semaphore_mem>> -> memref<1x!tpu.dma_semaphore, #tpu.memory_space<semaphore_mem>>
      %dma_wait3A_314 = tpu.memref_squeeze %dma_wait3A_313 : memref<1x!tpu.dma_semaphore, #tpu.memory_space<semaphore_mem>> -> memref<!tpu.dma_semaphore, #tpu.memory_space<semaphore_mem>>
      %dma_wait3A_315 = arith.constant 0 : i32
      %dma_wait3A_316 = arith.constant 0 : i32
      %dma_wait3A_317 = tpu.memref_slice %arg9[%select_n3A_296, %dma_wait3A_315, %dma_wait3A_316] : memref<3x64x512xf32, #tpu.memory_space<vmem>> -> memref<1x64x512xf32, #tpu.memory_space<vmem>>
      %dma_wait3A_318 = tpu.memref_squeeze %dma_wait3A_317 : memref<1x64x512xf32, #tpu.memory_space<vmem>> -> memref<64x512xf32, #tpu.memory_space<vmem>>
      %dma_wait3A_319 = arith.constant 0 : i32
      %dma_wait3A_320 = arith.constant 0 : i32
      %dma_wait3A_321 = tpu.memref_slice %arg2[%dma_wait3A_319, %dma_wait3A_320] : memref<4096x512xf32, #tpu.memory_space<hbm>> -> memref<64x512xf32, #tpu.memory_space<hbm>>
      tpu.wait_dma2 semaphore(%dma_wait3A_314 : memref<!tpu.dma_semaphore, #tpu.memory_space<semaphore_mem>>) src(%dma_wait3A_321 : memref<64x512xf32, #tpu.memory_space<hbm>>) dst(%dma_wait3A_318 : memref<64x512xf32, #tpu.memory_space<vmem>>)
      %add3A_322 = arith.addi %select_n3A_107, %while3A_280 : i32
      %mul3A_323 = arith.constant 64 : i32
      %mul3A_324 = arith.muli %add3A_322, %mul3A_323 : i32
      %sub3A_325 = arith.subi %scan3A_53, %mul3A_324 : i32
      %jit3A_326 = arith.constant 0 : i32
      %jit3A_327 = arith.constant 64 : i32
      %max3A_328 = arith.maxsi %jit3A_326, %sub3A_325 : i32
      %min3A_329 = arith.minsi %jit3A_327, %max3A_328 : i32
      %lt3A_330 = arith.constant 64 : i32
      %lt3A_331 = arith.cmpi slt, %min3A_329, %lt3A_330 : i32
      %convert_element_type3A_332 = arith.extui %lt3A_331 : i1 to i32
      %cond3A_333 = arith.constant 0 : i32
      %cond3A_334 = arith.cmpi ne, %convert_element_type3A_332, %cond3A_333 : i32
      scf.if %cond3A_334 {
        %while3A_352 = arith.constant 0 : i32
        %while3A_353 = arith.constant 64 : i32
        %while3A_354 = arith.subi %while3A_353, %min3A_329 : i32
        %while3A_355 = arith.addi %min3A_329, %while3A_354 : i32
        %while3A_356 = arith.constant 1 : i32
        %while3A_357 = arith.divsi %while3A_354, %while3A_356 : i32
        %while3A_358 = arith.muli %while3A_357, %while3A_356 : i32
        %while3A_359 = arith.addi %min3A_329, %while3A_358 : i32
        %while3A_360 = arith.constant 1 : i32
        scf.for %while3A_362 = %min3A_329 to %while3A_359 step %while3A_360  : i32 {
          %swap3A = arith.index_cast %select_n3A_296 : i32 to index
          %swap3A_363 = arith.index_cast %while3A_362 : i32 to index
          %swap3A_364 = arith.constant 0 : index
          %swap3A_365 = tpu.vector_load %arg9[%swap3A, %swap3A_363, %swap3A_364] {strides = array<i32>} : memref<3x64x512xf32, #tpu.memory_space<vmem>>, vector<16xf32>,
          tpu.vector_store %arg9[%swap3A, %swap3A_363, %swap3A_364], %broadcast_in_dim3A_36 {strides = array<i32>} : memref<3x64x512xf32, #tpu.memory_space<vmem>>, vector<16xf32>,
          %swap3A_366 = arith.index_cast %select_n3A_296 : i32 to index
          %swap3A_367 = arith.index_cast %while3A_362 : i32 to index
          %swap3A_368 = arith.constant 16 : index
          %swap3A_369 = tpu.vector_load %arg9[%swap3A_366, %swap3A_367, %swap3A_368] {strides = array<i32>} : memref<3x64x512xf32, #tpu.memory_space<vmem>>, vector<16xf32>,
          tpu.vector_store %arg9[%swap3A_366, %swap3A_367, %swap3A_368], %broadcast_in_dim3A_36 {strides = array<i32>} : memref<3x64x512xf32, #tpu.memory_space<vmem>>, vector<16xf32>,
          %swap3A_370 = arith.index_cast %select_n3A_296 : i32 to index
          %swap3A_371 = arith.index_cast %while3A_362 : i32 to index
          %swap3A_372 = arith.constant 32 : index
          %swap3A_373 = tpu.vector_load %arg9[%swap3A_370, %swap3A_371, %swap3A_372] {strides = array<i32>} : memref<3x64x512xf32, #tpu.memory_space<vmem>>, vector<16xf32>,
          tpu.vector_store %arg9[%swap3A_370, %swap3A_371, %swap3A_372], %broadcast_in_dim3A_36 {strides = array<i32>} : memref<3x64x512xf32, #tpu.memory_space<vmem>>, vector<16xf32>,
          %swap3A_374 = arith.index_cast %select_n3A_296 : i32 to index
          %swap3A_375 = arith.index_cast %while3A_362 : i32 to index
          %swap3A_376 = arith.constant 48 : index
          %swap3A_377 = tpu.vector_load %arg9[%swap3A_374, %swap3A_375, %swap3A_376] {strides = array<i32>} : memref<3x64x512xf32, #tpu.memory_space<vmem>>, vector<16xf32>,
          tpu.vector_store %arg9[%swap3A_374, %swap3A_375, %swap3A_376], %broadcast_in_dim3A_36 {strides = array<i32>} : memref<3x64x512xf32, #tpu.memory_space<vmem>>, vector<16xf32>,
          %swap3A_378 = arith.index_cast %select_n3A_296 : i32 to index
          %swap3A_379 = arith.index_cast %while3A_362 : i32 to index
          %swap3A_380 = arith.constant 64 : index
          %swap3A_381 = tpu.vector_load %arg9[%swap3A_378, %swap3A_379, %swap3A_380] {strides = array<i32>} : memref<3x64x512xf32, #tpu.memory_space<vmem>>, vector<16xf32>,
          tpu.vector_store %arg9[%swap3A_378, %swap3A_379, %swap3A_380], %broadcast_in_dim3A_36 {strides = array<i32>} : memref<3x64x512xf32, #tpu.memory_space<vmem>>, vector<16xf32>,
          %swap3A_382 = arith.index_cast %select_n3A_296 : i32 to index
          %swap3A_383 = arith.index_cast %while3A_362 : i32 to index
          %swap3A_384 = arith.constant 80 : index
          %swap3A_385 = tpu.vector_load %arg9[%swap3A_382, %swap3A_383, %swap3A_384] {strides = array<i32>} : memref<3x64x512xf32, #tpu.memory_space<vmem>>, vector<16xf32>,
          tpu.vector_store %arg9[%swap3A_382, %swap3A_383, %swap3A_384], %broadcast_in_dim3A_36 {strides = array<i32>} : memref<3x64x512xf32, #tpu.memory_space<vmem>>, vector<16xf32>,
          %swap3A_386 = arith.index_cast %select_n3A_296 : i32 to index
          %swap3A_387 = arith.index_cast %while3A_362 : i32 to index
          %swap3A_388 = arith.constant 96 : index
          %swap3A_389 = tpu.vector_load %arg9[%swap3A_386, %swap3A_387, %swap3A_388] {strides = array<i32>} : memref<3x64x512xf32, #tpu.memory_space<vmem>>, vector<16xf32>,
          tpu.vector_store %arg9[%swap3A_386, %swap3A_387, %swap3A_388], %broadcast_in_dim3A_36 {strides = array<i32>} : memref<3x64x512xf32, #tpu.memory_space<vmem>>, vector<16xf32>,
          %swap3A_390 = arith.index_cast %select_n3A_296 : i32 to index
          %swap3A_391 = arith.index_cast %while3A_362 : i32 to index
          %swap3A_392 = arith.constant 112 : index
          %swap3A_393 = tpu.vector_load %arg9[%swap3A_390, %swap3A_391, %swap3A_392] {strides = array<i32>} : memref<3x64x512xf32, #tpu.memory_space<vmem>>, vector<16xf32>,
          tpu.vector_store %arg9[%swap3A_390, %swap3A_391, %swap3A_392], %broadcast_in_dim3A_36 {strides = array<i32>} : memref<3x64x512xf32, #tpu.memory_space<vmem>>, vector<16xf32>,
          %swap3A_394 = arith.index_cast %select_n3A_296 : i32 to index
          %swap3A_395 = arith.index_cast %while3A_362 : i32 to index
          %swap3A_396 = arith.constant 128 : index
          %swap3A_397 = tpu.vector_load %arg9[%swap3A_394, %swap3A_395, %swap3A_396] {strides = array<i32>} : memref<3x64x512xf32, #tpu.memory_space<vmem>>, vector<16xf32>,
          tpu.vector_store %arg9[%swap3A_394, %swap3A_395, %swap3A_396], %broadcast_in_dim3A_36 {strides = array<i32>} : memref<3x64x512xf32, #tpu.memory_space<vmem>>, vector<16xf32>,
          %swap3A_398 = arith.index_cast %select_n3A_296 : i32 to index
          %swap3A_399 = arith.index_cast %while3A_362 : i32 to index
          %swap3A_400 = arith.constant 144 : index
          %swap3A_401 = tpu.vector_load %arg9[%swap3A_398, %swap3A_399, %swap3A_400] {strides = array<i32>} : memref<3x64x512xf32, #tpu.memory_space<vmem>>, vector<16xf32>,
          tpu.vector_store %arg9[%swap3A_398, %swap3A_399, %swap3A_400], %broadcast_in_dim3A_36 {strides = array<i32>} : memref<3x64x512xf32, #tpu.memory_space<vmem>>, vector<16xf32>,
          %swap3A_402 = arith.index_cast %select_n3A_296 : i32 to index
          %swap3A_403 = arith.index_cast %while3A_362 : i32 to index
          %swap3A_404 = arith.constant 160 : index
          %swap3A_405 = tpu.vector_load %arg9[%swap3A_402, %swap3A_403, %swap3A_404] {strides = array<i32>} : memref<3x64x512xf32, #tpu.memory_space<vmem>>, vector<16xf32>,
          tpu.vector_store %arg9[%swap3A_402, %swap3A_403, %swap3A_404], %broadcast_in_dim3A_36 {strides = array<i32>} : memref<3x64x512xf32, #tpu.memory_space<vmem>>, vector<16xf32>,
          %swap3A_406 = arith.index_cast %select_n3A_296 : i32 to index
          %swap3A_407 = arith.index_cast %while3A_362 : i32 to index
          %swap3A_408 = arith.constant 176 : index
          %swap3A_409 = tpu.vector_load %arg9[%swap3A_406, %swap3A_407, %swap3A_408] {strides = array<i32>} : memref<3x64x512xf32, #tpu.memory_space<vmem>>, vector<16xf32>,
          tpu.vector_store %arg9[%swap3A_406, %swap3A_407, %swap3A_408], %broadcast_in_dim3A_36 {strides = array<i32>} : memref<3x64x512xf32, #tpu.memory_space<vmem>>, vector<16xf32>,
          %swap3A_410 = arith.index_cast %select_n3A_296 : i32 to index
          %swap3A_411 = arith.index_cast %while3A_362 : i32 to index
          %swap3A_412 = arith.constant 192 : index
          %swap3A_413 = tpu.vector_load %arg9[%swap3A_410, %swap3A_411, %swap3A_412] {strides = array<i32>} : memref<3x64x512xf32, #tpu.memory_space<vmem>>, vector<16xf32>,
          tpu.vector_store %arg9[%swap3A_410, %swap3A_411, %swap3A_412], %broadcast_in_dim3A_36 {strides = array<i32>} : memref<3x64x512xf32, #tpu.memory_space<vmem>>, vector<16xf32>,
          %swap3A_414 = arith.index_cast %select_n3A_296 : i32 to index
          %swap3A_415 = arith.index_cast %while3A_362 : i32 to index
          %swap3A_416 = arith.constant 208 : index
          %swap3A_417 = tpu.vector_load %arg9[%swap3A_414, %swap3A_415, %swap3A_416] {strides = array<i32>} : memref<3x64x512xf32, #tpu.memory_space<vmem>>, vector<16xf32>,
          tpu.vector_store %arg9[%swap3A_414, %swap3A_415, %swap3A_416], %broadcast_in_dim3A_36 {strides = array<i32>} : memref<3x64x512xf32, #tpu.memory_space<vmem>>, vector<16xf32>,
          %swap3A_418 = arith.index_cast %select_n3A_296 : i32 to index
          %swap3A_419 = arith.index_cast %while3A_362 : i32 to index
          %swap3A_420 = arith.constant 224 : index
          %swap3A_421 = tpu.vector_load %arg9[%swap3A_418, %swap3A_419, %swap3A_420] {strides = array<i32>} : memref<3x64x512xf32, #tpu.memory_space<vmem>>, vector<16xf32>,
          tpu.vector_store %arg9[%swap3A_418, %swap3A_419, %swap3A_420], %broadcast_in_dim3A_36 {strides = array<i32>} : memref<3x64x512xf32, #tpu.memory_space<vmem>>, vector<16xf32>,
          %swap3A_422 = arith.index_cast %select_n3A_296 : i32 to index
          %swap3A_423 = arith.index_cast %while3A_362 : i32 to index
          %swap3A_424 = arith.constant 240 : index
          %swap3A_425 = tpu.vector_load %arg9[%swap3A_422, %swap3A_423, %swap3A_424] {strides = array<i32>} : memref<3x64x512xf32, #tpu.memory_space<vmem>>, vector<16xf32>,
          tpu.vector_store %arg9[%swap3A_422, %swap3A_423, %swap3A_424], %broadcast_in_dim3A_36 {strides = array<i32>} : memref<3x64x512xf32, #tpu.memory_space<vmem>>, vector<16xf32>,
          %swap3A_426 = arith.index_cast %select_n3A_296 : i32 to index
          %swap3A_427 = arith.index_cast %while3A_362 : i32 to index
          %swap3A_428 = arith.constant 256 : index
          %swap3A_429 = tpu.vector_load %arg9[%swap3A_426, %swap3A_427, %swap3A_428] {strides = array<i32>} : memref<3x64x512xf32, #tpu.memory_space<vmem>>, vector<16xf32>,
          tpu.vector_store %arg9[%swap3A_426, %swap3A_427, %swap3A_428], %broadcast_in_dim3A_36 {strides = array<i32>} : memref<3x64x512xf32, #tpu.memory_space<vmem>>, vector<16xf32>,
          %swap3A_430 = arith.index_cast %select_n3A_296 : i32 to index
          %swap3A_431 = arith.index_cast %while3A_362 : i32 to index
          %swap3A_432 = arith.constant 272 : index
          %swap3A_433 = tpu.vector_load %arg9[%swap3A_430, %swap3A_431, %swap3A_432] {strides = array<i32>} : memref<3x64x512xf32, #tpu.memory_space<vmem>>, vector<16xf32>,
          tpu.vector_store %arg9[%swap3A_430, %swap3A_431, %swap3A_432], %broadcast_in_dim3A_36 {strides = array<i32>} : memref<3x64x512xf32, #tpu.memory_space<vmem>>, vector<16xf32>,
          %swap3A_434 = arith.index_cast %select_n3A_296 : i32 to index
          %swap3A_435 = arith.index_cast %while3A_362 : i32 to index
          %swap3A_436 = arith.constant 288 : index
          %swap3A_437 = tpu.vector_load %arg9[%swap3A_434, %swap3A_435, %swap3A_436] {strides = array<i32>} : memref<3x64x512xf32, #tpu.memory_space<vmem>>, vector<16xf32>,
          tpu.vector_store %arg9[%swap3A_434, %swap3A_435, %swap3A_436], %broadcast_in_dim3A_36 {strides = array<i32>} : memref<3x64x512xf32, #tpu.memory_space<vmem>>, vector<16xf32>,
          %swap3A_438 = arith.index_cast %select_n3A_296 : i32 to index
          %swap3A_439 = arith.index_cast %while3A_362 : i32 to index
          %swap3A_440 = arith.constant 304 : index
          %swap3A_441 = tpu.vector_load %arg9[%swap3A_438, %swap3A_439, %swap3A_440] {strides = array<i32>} : memref<3x64x512xf32, #tpu.memory_space<vmem>>, vector<16xf32>,
          tpu.vector_store %arg9[%swap3A_438, %swap3A_439, %swap3A_440], %broadcast_in_dim3A_36 {strides = array<i32>} : memref<3x64x512xf32, #tpu.memory_space<vmem>>, vector<16xf32>,
          %swap3A_442 = arith.index_cast %select_n3A_296 : i32 to index
          %swap3A_443 = arith.index_cast %while3A_362 : i32 to index
          %swap3A_444 = arith.constant 320 : index
          %swap3A_445 = tpu.vector_load %arg9[%swap3A_442, %swap3A_443, %swap3A_444] {strides = array<i32>} : memref<3x64x512xf32, #tpu.memory_space<vmem>>, vector<16xf32>,
          tpu.vector_store %arg9[%swap3A_442, %swap3A_443, %swap3A_444], %broadcast_in_dim3A_36 {strides = array<i32>} : memref<3x64x512xf32, #tpu.memory_space<vmem>>, vector<16xf32>,
          %swap3A_446 = arith.index_cast %select_n3A_296 : i32 to index
          %swap3A_447 = arith.index_cast %while3A_362 : i32 to index
          %swap3A_448 = arith.constant 336 : index
          %swap3A_449 = tpu.vector_load %arg9[%swap3A_446, %swap3A_447, %swap3A_448] {strides = array<i32>} : memref<3x64x512xf32, #tpu.memory_space<vmem>>, vector<16xf32>,
          tpu.vector_store %arg9[%swap3A_446, %swap3A_447, %swap3A_448], %broadcast_in_dim3A_36 {strides = array<i32>} : memref<3x64x512xf32, #tpu.memory_space<vmem>>, vector<16xf32>,
          %swap3A_450 = arith.index_cast %select_n3A_296 : i32 to index
          %swap3A_451 = arith.index_cast %while3A_362 : i32 to index
          %swap3A_452 = arith.constant 352 : index
          %swap3A_453 = tpu.vector_load %arg9[%swap3A_450, %swap3A_451, %swap3A_452] {strides = array<i32>} : memref<3x64x512xf32, #tpu.memory_space<vmem>>, vector<16xf32>,
          tpu.vector_store %arg9[%swap3A_450, %swap3A_451, %swap3A_452], %broadcast_in_dim3A_36 {strides = array<i32>} : memref<3x64x512xf32, #tpu.memory_space<vmem>>, vector<16xf32>,
          %swap3A_454 = arith.index_cast %select_n3A_296 : i32 to index
          %swap3A_455 = arith.index_cast %while3A_362 : i32 to index
          %swap3A_456 = arith.constant 368 : index
          %swap3A_457 = tpu.vector_load %arg9[%swap3A_454, %swap3A_455, %swap3A_456] {strides = array<i32>} : memref<3x64x512xf32, #tpu.memory_space<vmem>>, vector<16xf32>,
          tpu.vector_store %arg9[%swap3A_454, %swap3A_455, %swap3A_456], %broadcast_in_dim3A_36 {strides = array<i32>} : memref<3x64x512xf32, #tpu.memory_space<vmem>>, vector<16xf32>,
          %swap3A_458 = arith.index_cast %select_n3A_296 : i32 to index
          %swap3A_459 = arith.index_cast %while3A_362 : i32 to index
          %swap3A_460 = arith.constant 384 : index
          %swap3A_461 = tpu.vector_load %arg9[%swap3A_458, %swap3A_459, %swap3A_460] {strides = array<i32>} : memref<3x64x512xf32, #tpu.memory_space<vmem>>, vector<16xf32>,
          tpu.vector_store %arg9[%swap3A_458, %swap3A_459, %swap3A_460], %broadcast_in_dim3A_36 {strides = array<i32>} : memref<3x64x512xf32, #tpu.memory_space<vmem>>, vector<16xf32>,
          %swap3A_462 = arith.index_cast %select_n3A_296 : i32 to index
          %swap3A_463 = arith.index_cast %while3A_362 : i32 to index
          %swap3A_464 = arith.constant 400 : index
          %swap3A_465 = tpu.vector_load %arg9[%swap3A_462, %swap3A_463, %swap3A_464] {strides = array<i32>} : memref<3x64x512xf32, #tpu.memory_space<vmem>>, vector<16xf32>,
          tpu.vector_store %arg9[%swap3A_462, %swap3A_463, %swap3A_464], %broadcast_in_dim3A_36 {strides = array<i32>} : memref<3x64x512xf32, #tpu.memory_space<vmem>>, vector<16xf32>,
          %swap3A_466 = arith.index_cast %select_n3A_296 : i32 to index
          %swap3A_467 = arith.index_cast %while3A_362 : i32 to index
          %swap3A_468 = arith.constant 416 : index
          %swap3A_469 = tpu.vector_load %arg9[%swap3A_466, %swap3A_467, %swap3A_468] {strides = array<i32>} : memref<3x64x512xf32, #tpu.memory_space<vmem>>, vector<16xf32>,
          tpu.vector_store %arg9[%swap3A_466, %swap3A_467, %swap3A_468], %broadcast_in_dim3A_36 {strides = array<i32>} : memref<3x64x512xf32, #tpu.memory_space<vmem>>, vector<16xf32>,
          %swap3A_470 = arith.index_cast %select_n3A_296 : i32 to index
          %swap3A_471 = arith.index_cast %while3A_362 : i32 to index
          %swap3A_472 = arith.constant 432 : index
          %swap3A_473 = tpu.vector_load %arg9[%swap3A_470, %swap3A_471, %swap3A_472] {strides = array<i32>} : memref<3x64x512xf32, #tpu.memory_space<vmem>>, vector<16xf32>,
          tpu.vector_store %arg9[%swap3A_470, %swap3A_471, %swap3A_472], %broadcast_in_dim3A_36 {strides = array<i32>} : memref<3x64x512xf32, #tpu.memory_space<vmem>>, vector<16xf32>,
          %swap3A_474 = arith.index_cast %select_n3A_296 : i32 to index
          %swap3A_475 = arith.index_cast %while3A_362 : i32 to index
          %swap3A_476 = arith.constant 448 : index
          %swap3A_477 = tpu.vector_load %arg9[%swap3A_474, %swap3A_475, %swap3A_476] {strides = array<i32>} : memref<3x64x512xf32, #tpu.memory_space<vmem>>, vector<16xf32>,
          tpu.vector_store %arg9[%swap3A_474, %swap3A_475, %swap3A_476], %broadcast_in_dim3A_36 {strides = array<i32>} : memref<3x64x512xf32, #tpu.memory_space<vmem>>, vector<16xf32>,
          %swap3A_478 = arith.index_cast %select_n3A_296 : i32 to index
          %swap3A_479 = arith.index_cast %while3A_362 : i32 to index
          %swap3A_480 = arith.constant 464 : index
          %swap3A_481 = tpu.vector_load %arg9[%swap3A_478, %swap3A_479, %swap3A_480] {strides = array<i32>} : memref<3x64x512xf32, #tpu.memory_space<vmem>>, vector<16xf32>,
          tpu.vector_store %arg9[%swap3A_478, %swap3A_479, %swap3A_480], %broadcast_in_dim3A_36 {strides = array<i32>} : memref<3x64x512xf32, #tpu.memory_space<vmem>>, vector<16xf32>,
          %swap3A_482 = arith.index_cast %select_n3A_296 : i32 to index
          %swap3A_483 = arith.index_cast %while3A_362 : i32 to index
          %swap3A_484 = arith.constant 480 : index
          %swap3A_485 = tpu.vector_load %arg9[%swap3A_482, %swap3A_483, %swap3A_484] {strides = array<i32>} : memref<3x64x512xf32, #tpu.memory_space<vmem>>, vector<16xf32>,
          tpu.vector_store %arg9[%swap3A_482, %swap3A_483, %swap3A_484], %broadcast_in_dim3A_36 {strides = array<i32>} : memref<3x64x512xf32, #tpu.memory_space<vmem>>, vector<16xf32>,
          %swap3A_486 = arith.index_cast %select_n3A_296 : i32 to index
          %swap3A_487 = arith.index_cast %while3A_362 : i32 to index
          %swap3A_488 = arith.constant 496 : index
          %swap3A_489 = tpu.vector_load %arg9[%swap3A_486, %swap3A_487, %swap3A_488] {strides = array<i32>} : memref<3x64x512xf32, #tpu.memory_space<vmem>>, vector<16xf32>,
          tpu.vector_store %arg9[%swap3A_486, %swap3A_487, %swap3A_488], %broadcast_in_dim3A_36 {strides = array<i32>} : memref<3x64x512xf32, #tpu.memory_space<vmem>>, vector<16xf32>,
        }
        %while3A_361 = arith.constant 1 : i32
        scf.for %while3A_362 = %while3A_359 to %while3A_355 step %while3A_361  : i32 {
          %swap3A = arith.index_cast %select_n3A_296 : i32 to index
          %swap3A_363 = arith.index_cast %while3A_362 : i32 to index
          %swap3A_364 = arith.constant 0 : index
          %swap3A_365 = tpu.vector_load %arg9[%swap3A, %swap3A_363, %swap3A_364] {strides = array<i32>} : memref<3x64x512xf32, #tpu.memory_space<vmem>>, vector<16xf32>,
          tpu.vector_store %arg9[%swap3A, %swap3A_363, %swap3A_364], %broadcast_in_dim3A_36 {strides = array<i32>} : memref<3x64x512xf32, #tpu.memory_space<vmem>>, vector<16xf32>,
          %swap3A_366 = arith.index_cast %select_n3A_296 : i32 to index
          %swap3A_367 = arith.index_cast %while3A_362 : i32 to index
          %swap3A_368 = arith.constant 16 : index
          %swap3A_369 = tpu.vector_load %arg9[%swap3A_366, %swap3A_367, %swap3A_368] {strides = array<i32>} : memref<3x64x512xf32, #tpu.memory_space<vmem>>, vector<16xf32>,
          tpu.vector_store %arg9[%swap3A_366, %swap3A_367, %swap3A_368], %broadcast_in_dim3A_36 {strides = array<i32>} : memref<3x64x512xf32, #tpu.memory_space<vmem>>, vector<16xf32>,
          %swap3A_370 = arith.index_cast %select_n3A_296 : i32 to index
          %swap3A_371 = arith.index_cast %while3A_362 : i32 to index
          %swap3A_372 = arith.constant 32 : index
          %swap3A_373 = tpu.vector_load %arg9[%swap3A_370, %swap3A_371, %swap3A_372] {strides = array<i32>} : memref<3x64x512xf32, #tpu.memory_space<vmem>>, vector<16xf32>,
          tpu.vector_store %arg9[%swap3A_370, %swap3A_371, %swap3A_372], %broadcast_in_dim3A_36 {strides = array<i32>} : memref<3x64x512xf32, #tpu.memory_space<vmem>>, vector<16xf32>,
          %swap3A_374 = arith.index_cast %select_n3A_296 : i32 to index
          %swap3A_375 = arith.index_cast %while3A_362 : i32 to index
          %swap3A_376 = arith.constant 48 : index
          %swap3A_377 = tpu.vector_load %arg9[%swap3A_374, %swap3A_375, %swap3A_376] {strides = array<i32>} : memref<3x64x512xf32, #tpu.memory_space<vmem>>, vector<16xf32>,
          tpu.vector_store %arg9[%swap3A_374, %swap3A_375, %swap3A_376], %broadcast_in_dim3A_36 {strides = array<i32>} : memref<3x64x512xf32, #tpu.memory_space<vmem>>, vector<16xf32>,
          %swap3A_378 = arith.index_cast %select_n3A_296 : i32 to index
          %swap3A_379 = arith.index_cast %while3A_362 : i32 to index
          %swap3A_380 = arith.constant 64 : index
          %swap3A_381 = tpu.vector_load %arg9[%swap3A_378, %swap3A_379, %swap3A_380] {strides = array<i32>} : memref<3x64x512xf32, #tpu.memory_space<vmem>>, vector<16xf32>,
          tpu.vector_store %arg9[%swap3A_378, %swap3A_379, %swap3A_380], %broadcast_in_dim3A_36 {strides = array<i32>} : memref<3x64x512xf32, #tpu.memory_space<vmem>>, vector<16xf32>,
          %swap3A_382 = arith.index_cast %select_n3A_296 : i32 to index
          %swap3A_383 = arith.index_cast %while3A_362 : i32 to index
          %swap3A_384 = arith.constant 80 : index
          %swap3A_385 = tpu.vector_load %arg9[%swap3A_382, %swap3A_383, %swap3A_384] {strides = array<i32>} : memref<3x64x512xf32, #tpu.memory_space<vmem>>, vector<16xf32>,
          tpu.vector_store %arg9[%swap3A_382, %swap3A_383, %swap3A_384], %broadcast_in_dim3A_36 {strides = array<i32>} : memref<3x64x512xf32, #tpu.memory_space<vmem>>, vector<16xf32>,
          %swap3A_386 = arith.index_cast %select_n3A_296 : i32 to index
          %swap3A_387 = arith.index_cast %while3A_362 : i32 to index
          %swap3A_388 = arith.constant 96 : index
          %swap3A_389 = tpu.vector_load %arg9[%swap3A_386, %swap3A_387, %swap3A_388] {strides = array<i32>} : memref<3x64x512xf32, #tpu.memory_space<vmem>>, vector<16xf32>,
          tpu.vector_store %arg9[%swap3A_386, %swap3A_387, %swap3A_388], %broadcast_in_dim3A_36 {strides = array<i32>} : memref<3x64x512xf32, #tpu.memory_space<vmem>>, vector<16xf32>,
          %swap3A_390 = arith.index_cast %select_n3A_296 : i32 to index
          %swap3A_391 = arith.index_cast %while3A_362 : i32 to index
          %swap3A_392 = arith.constant 112 : index
          %swap3A_393 = tpu.vector_load %arg9[%swap3A_390, %swap3A_391, %swap3A_392] {strides = array<i32>} : memref<3x64x512xf32, #tpu.memory_space<vmem>>, vector<16xf32>,
          tpu.vector_store %arg9[%swap3A_390, %swap3A_391, %swap3A_392], %broadcast_in_dim3A_36 {strides = array<i32>} : memref<3x64x512xf32, #tpu.memory_space<vmem>>, vector<16xf32>,
          %swap3A_394 = arith.index_cast %select_n3A_296 : i32 to index
          %swap3A_395 = arith.index_cast %while3A_362 : i32 to index
          %swap3A_396 = arith.constant 128 : index
          %swap3A_397 = tpu.vector_load %arg9[%swap3A_394, %swap3A_395, %swap3A_396] {strides = array<i32>} : memref<3x64x512xf32, #tpu.memory_space<vmem>>, vector<16xf32>,
          tpu.vector_store %arg9[%swap3A_394, %swap3A_395, %swap3A_396], %broadcast_in_dim3A_36 {strides = array<i32>} : memref<3x64x512xf32, #tpu.memory_space<vmem>>, vector<16xf32>,
          %swap3A_398 = arith.index_cast %select_n3A_296 : i32 to index
          %swap3A_399 = arith.index_cast %while3A_362 : i32 to index
          %swap3A_400 = arith.constant 144 : index
          %swap3A_401 = tpu.vector_load %arg9[%swap3A_398, %swap3A_399, %swap3A_400] {strides = array<i32>} : memref<3x64x512xf32, #tpu.memory_space<vmem>>, vector<16xf32>,
          tpu.vector_store %arg9[%swap3A_398, %swap3A_399, %swap3A_400], %broadcast_in_dim3A_36 {strides = array<i32>} : memref<3x64x512xf32, #tpu.memory_space<vmem>>, vector<16xf32>,
          %swap3A_402 = arith.index_cast %select_n3A_296 : i32 to index
          %swap3A_403 = arith.index_cast %while3A_362 : i32 to index
          %swap3A_404 = arith.constant 160 : index
          %swap3A_405 = tpu.vector_load %arg9[%swap3A_402, %swap3A_403, %swap3A_404] {strides = array<i32>} : memref<3x64x512xf32, #tpu.memory_space<vmem>>, vector<16xf32>,
          tpu.vector_store %arg9[%swap3A_402, %swap3A_403, %swap3A_404], %broadcast_in_dim3A_36 {strides = array<i32>} : memref<3x64x512xf32, #tpu.memory_space<vmem>>, vector<16xf32>,
          %swap3A_406 = arith.index_cast %select_n3A_296 : i32 to index
          %swap3A_407 = arith.index_cast %while3A_362 : i32 to index
          %swap3A_408 = arith.constant 176 : index
          %swap3A_409 = tpu.vector_load %arg9[%swap3A_406, %swap3A_407, %swap3A_408] {strides = array<i32>} : memref<3x64x512xf32, #tpu.memory_space<vmem>>, vector<16xf32>,
          tpu.vector_store %arg9[%swap3A_406, %swap3A_407, %swap3A_408], %broadcast_in_dim3A_36 {strides = array<i32>} : memref<3x64x512xf32, #tpu.memory_space<vmem>>, vector<16xf32>,
          %swap3A_410 = arith.index_cast %select_n3A_296 : i32 to index
          %swap3A_411 = arith.index_cast %while3A_362 : i32 to index
          %swap3A_412 = arith.constant 192 : index
          %swap3A_413 = tpu.vector_load %arg9[%swap3A_410, %swap3A_411, %swap3A_412] {strides = array<i32>} : memref<3x64x512xf32, #tpu.memory_space<vmem>>, vector<16xf32>,
          tpu.vector_store %arg9[%swap3A_410, %swap3A_411, %swap3A_412], %broadcast_in_dim3A_36 {strides = array<i32>} : memref<3x64x512xf32, #tpu.memory_space<vmem>>, vector<16xf32>,
          %swap3A_414 = arith.index_cast %select_n3A_296 : i32 to index
          %swap3A_415 = arith.index_cast %while3A_362 : i32 to index
          %swap3A_416 = arith.constant 208 : index
          %swap3A_417 = tpu.vector_load %arg9[%swap3A_414, %swap3A_415, %swap3A_416] {strides = array<i32>} : memref<3x64x512xf32, #tpu.memory_space<vmem>>, vector<16xf32>,
          tpu.vector_store %arg9[%swap3A_414, %swap3A_415, %swap3A_416], %broadcast_in_dim3A_36 {strides = array<i32>} : memref<3x64x512xf32, #tpu.memory_space<vmem>>, vector<16xf32>,
          %swap3A_418 = arith.index_cast %select_n3A_296 : i32 to index
          %swap3A_419 = arith.index_cast %while3A_362 : i32 to index
          %swap3A_420 = arith.constant 224 : index
          %swap3A_421 = tpu.vector_load %arg9[%swap3A_418, %swap3A_419, %swap3A_420] {strides = array<i32>} : memref<3x64x512xf32, #tpu.memory_space<vmem>>, vector<16xf32>,
          tpu.vector_store %arg9[%swap3A_418, %swap3A_419, %swap3A_420], %broadcast_in_dim3A_36 {strides = array<i32>} : memref<3x64x512xf32, #tpu.memory_space<vmem>>, vector<16xf32>,
          %swap3A_422 = arith.index_cast %select_n3A_296 : i32 to index
          %swap3A_423 = arith.index_cast %while3A_362 : i32 to index
          %swap3A_424 = arith.constant 240 : index
          %swap3A_425 = tpu.vector_load %arg9[%swap3A_422, %swap3A_423, %swap3A_424] {strides = array<i32>} : memref<3x64x512xf32, #tpu.memory_space<vmem>>, vector<16xf32>,
          tpu.vector_store %arg9[%swap3A_422, %swap3A_423, %swap3A_424], %broadcast_in_dim3A_36 {strides = array<i32>} : memref<3x64x512xf32, #tpu.memory_space<vmem>>, vector<16xf32>,
          %swap3A_426 = arith.index_cast %select_n3A_296 : i32 to index
          %swap3A_427 = arith.index_cast %while3A_362 : i32 to index
          %swap3A_428 = arith.constant 256 : index
          %swap3A_429 = tpu.vector_load %arg9[%swap3A_426, %swap3A_427, %swap3A_428] {strides = array<i32>} : memref<3x64x512xf32, #tpu.memory_space<vmem>>, vector<16xf32>,
          tpu.vector_store %arg9[%swap3A_426, %swap3A_427, %swap3A_428], %broadcast_in_dim3A_36 {strides = array<i32>} : memref<3x64x512xf32, #tpu.memory_space<vmem>>, vector<16xf32>,
          %swap3A_430 = arith.index_cast %select_n3A_296 : i32 to index
          %swap3A_431 = arith.index_cast %while3A_362 : i32 to index
          %swap3A_432 = arith.constant 272 : index
          %swap3A_433 = tpu.vector_load %arg9[%swap3A_430, %swap3A_431, %swap3A_432] {strides = array<i32>} : memref<3x64x512xf32, #tpu.memory_space<vmem>>, vector<16xf32>,
          tpu.vector_store %arg9[%swap3A_430, %swap3A_431, %swap3A_432], %broadcast_in_dim3A_36 {strides = array<i32>} : memref<3x64x512xf32, #tpu.memory_space<vmem>>, vector<16xf32>,
          %swap3A_434 = arith.index_cast %select_n3A_296 : i32 to index
          %swap3A_435 = arith.index_cast %while3A_362 : i32 to index
          %swap3A_436 = arith.constant 288 : index
          %swap3A_437 = tpu.vector_load %arg9[%swap3A_434, %swap3A_435, %swap3A_436] {strides = array<i32>} : memref<3x64x512xf32, #tpu.memory_space<vmem>>, vector<16xf32>,
          tpu.vector_store %arg9[%swap3A_434, %swap3A_435, %swap3A_436], %broadcast_in_dim3A_36 {strides = array<i32>} : memref<3x64x512xf32, #tpu.memory_space<vmem>>, vector<16xf32>,
          %swap3A_438 = arith.index_cast %select_n3A_296 : i32 to index
          %swap3A_439 = arith.index_cast %while3A_362 : i32 to index
          %swap3A_440 = arith.constant 304 : index
          %swap3A_441 = tpu.vector_load %arg9[%swap3A_438, %swap3A_439, %swap3A_440] {strides = array<i32>} : memref<3x64x512xf32, #tpu.memory_space<vmem>>, vector<16xf32>,
          tpu.vector_store %arg9[%swap3A_438, %swap3A_439, %swap3A_440], %broadcast_in_dim3A_36 {strides = array<i32>} : memref<3x64x512xf32, #tpu.memory_space<vmem>>, vector<16xf32>,
          %swap3A_442 = arith.index_cast %select_n3A_296 : i32 to index
          %swap3A_443 = arith.index_cast %while3A_362 : i32 to index
          %swap3A_444 = arith.constant 320 : index
          %swap3A_445 = tpu.vector_load %arg9[%swap3A_442, %swap3A_443, %swap3A_444] {strides = array<i32>} : memref<3x64x512xf32, #tpu.memory_space<vmem>>, vector<16xf32>,
          tpu.vector_store %arg9[%swap3A_442, %swap3A_443, %swap3A_444], %broadcast_in_dim3A_36 {strides = array<i32>} : memref<3x64x512xf32, #tpu.memory_space<vmem>>, vector<16xf32>,
          %swap3A_446 = arith.index_cast %select_n3A_296 : i32 to index
          %swap3A_447 = arith.index_cast %while3A_362 : i32 to index
          %swap3A_448 = arith.constant 336 : index
          %swap3A_449 = tpu.vector_load %arg9[%swap3A_446, %swap3A_447, %swap3A_448] {strides = array<i32>} : memref<3x64x512xf32, #tpu.memory_space<vmem>>, vector<16xf32>,
          tpu.vector_store %arg9[%swap3A_446, %swap3A_447, %swap3A_448], %broadcast_in_dim3A_36 {strides = array<i32>} : memref<3x64x512xf32, #tpu.memory_space<vmem>>, vector<16xf32>,
          %swap3A_450 = arith.index_cast %select_n3A_296 : i32 to index
          %swap3A_451 = arith.index_cast %while3A_362 : i32 to index
          %swap3A_452 = arith.constant 352 : index
          %swap3A_453 = tpu.vector_load %arg9[%swap3A_450, %swap3A_451, %swap3A_452] {strides = array<i32>} : memref<3x64x512xf32, #tpu.memory_space<vmem>>, vector<16xf32>,
          tpu.vector_store %arg9[%swap3A_450, %swap3A_451, %swap3A_452], %broadcast_in_dim3A_36 {strides = array<i32>} : memref<3x64x512xf32, #tpu.memory_space<vmem>>, vector<16xf32>,
          %swap3A_454 = arith.index_cast %select_n3A_296 : i32 to index
          %swap3A_455 = arith.index_cast %while3A_362 : i32 to index
          %swap3A_456 = arith.constant 368 : index
          %swap3A_457 = tpu.vector_load %arg9[%swap3A_454, %swap3A_455, %swap3A_456] {strides = array<i32>} : memref<3x64x512xf32, #tpu.memory_space<vmem>>, vector<16xf32>,
          tpu.vector_store %arg9[%swap3A_454, %swap3A_455, %swap3A_456], %broadcast_in_dim3A_36 {strides = array<i32>} : memref<3x64x512xf32, #tpu.memory_space<vmem>>, vector<16xf32>,
          %swap3A_458 = arith.index_cast %select_n3A_296 : i32 to index
          %swap3A_459 = arith.index_cast %while3A_362 : i32 to index
          %swap3A_460 = arith.constant 384 : index
          %swap3A_461 = tpu.vector_load %arg9[%swap3A_458, %swap3A_459, %swap3A_460] {strides = array<i32>} : memref<3x64x512xf32, #tpu.memory_space<vmem>>, vector<16xf32>,
          tpu.vector_store %arg9[%swap3A_458, %swap3A_459, %swap3A_460], %broadcast_in_dim3A_36 {strides = array<i32>} : memref<3x64x512xf32, #tpu.memory_space<vmem>>, vector<16xf32>,
          %swap3A_462 = arith.index_cast %select_n3A_296 : i32 to index
          %swap3A_463 = arith.index_cast %while3A_362 : i32 to index
          %swap3A_464 = arith.constant 400 : index
          %swap3A_465 = tpu.vector_load %arg9[%swap3A_462, %swap3A_463, %swap3A_464] {strides = array<i32>} : memref<3x64x512xf32, #tpu.memory_space<vmem>>, vector<16xf32>,
          tpu.vector_store %arg9[%swap3A_462, %swap3A_463, %swap3A_464], %broadcast_in_dim3A_36 {strides = array<i32>} : memref<3x64x512xf32, #tpu.memory_space<vmem>>, vector<16xf32>,
          %swap3A_466 = arith.index_cast %select_n3A_296 : i32 to index
          %swap3A_467 = arith.index_cast %while3A_362 : i32 to index
          %swap3A_468 = arith.constant 416 : index
          %swap3A_469 = tpu.vector_load %arg9[%swap3A_466, %swap3A_467, %swap3A_468] {strides = array<i32>} : memref<3x64x512xf32, #tpu.memory_space<vmem>>, vector<16xf32>,
          tpu.vector_store %arg9[%swap3A_466, %swap3A_467, %swap3A_468], %broadcast_in_dim3A_36 {strides = array<i32>} : memref<3x64x512xf32, #tpu.memory_space<vmem>>, vector<16xf32>,
          %swap3A_470 = arith.index_cast %select_n3A_296 : i32 to index
          %swap3A_471 = arith.index_cast %while3A_362 : i32 to index
          %swap3A_472 = arith.constant 432 : index
          %swap3A_473 = tpu.vector_load %arg9[%swap3A_470, %swap3A_471, %swap3A_472] {strides = array<i32>} : memref<3x64x512xf32, #tpu.memory_space<vmem>>, vector<16xf32>,
          tpu.vector_store %arg9[%swap3A_470, %swap3A_471, %swap3A_472], %broadcast_in_dim3A_36 {strides = array<i32>} : memref<3x64x512xf32, #tpu.memory_space<vmem>>, vector<16xf32>,
          %swap3A_474 = arith.index_cast %select_n3A_296 : i32 to index
          %swap3A_475 = arith.index_cast %while3A_362 : i32 to index
          %swap3A_476 = arith.constant 448 : index
          %swap3A_477 = tpu.vector_load %arg9[%swap3A_474, %swap3A_475, %swap3A_476] {strides = array<i32>} : memref<3x64x512xf32, #tpu.memory_space<vmem>>, vector<16xf32>,
          tpu.vector_store %arg9[%swap3A_474, %swap3A_475, %swap3A_476], %broadcast_in_dim3A_36 {strides = array<i32>} : memref<3x64x512xf32, #tpu.memory_space<vmem>>, vector<16xf32>,
          %swap3A_478 = arith.index_cast %select_n3A_296 : i32 to index
          %swap3A_479 = arith.index_cast %while3A_362 : i32 to index
          %swap3A_480 = arith.constant 464 : index
          %swap3A_481 = tpu.vector_load %arg9[%swap3A_478, %swap3A_479, %swap3A_480] {strides = array<i32>} : memref<3x64x512xf32, #tpu.memory_space<vmem>>, vector<16xf32>,
          tpu.vector_store %arg9[%swap3A_478, %swap3A_479, %swap3A_480], %broadcast_in_dim3A_36 {strides = array<i32>} : memref<3x64x512xf32, #tpu.memory_space<vmem>>, vector<16xf32>,
          %swap3A_482 = arith.index_cast %select_n3A_296 : i32 to index
          %swap3A_483 = arith.index_cast %while3A_362 : i32 to index
          %swap3A_484 = arith.constant 480 : index
          %swap3A_485 = tpu.vector_load %arg9[%swap3A_482, %swap3A_483, %swap3A_484] {strides = array<i32>} : memref<3x64x512xf32, #tpu.memory_space<vmem>>, vector<16xf32>,
          tpu.vector_store %arg9[%swap3A_482, %swap3A_483, %swap3A_484], %broadcast_in_dim3A_36 {strides = array<i32>} : memref<3x64x512xf32, #tpu.memory_space<vmem>>, vector<16xf32>,
          %swap3A_486 = arith.index_cast %select_n3A_296 : i32 to index
          %swap3A_487 = arith.index_cast %while3A_362 : i32 to index
          %swap3A_488 = arith.constant 496 : index
          %swap3A_489 = tpu.vector_load %arg9[%swap3A_486, %swap3A_487, %swap3A_488] {strides = array<i32>} : memref<3x64x512xf32, #tpu.memory_space<vmem>>, vector<16xf32>,
          tpu.vector_store %arg9[%swap3A_486, %swap3A_487, %swap3A_488], %broadcast_in_dim3A_36 {strides = array<i32>} : memref<3x64x512xf32, #tpu.memory_space<vmem>>, vector<16xf32>,
        }
      } else {
      }
      %add3A_335 = arith.addi %select_n3A_107, %while3A_280 : i32
      %mul3A_336 = arith.constant 64 : i32
      %mul3A_337 = arith.muli %add3A_335, %mul3A_336 : i32
      %add3A_338 = arith.addi %mul3A_33, %mul3A_337 : i32
      %dma_start3A = arith.constant 0 : i32
      %dma_start3A_339 = arith.constant 0 : i32
      %dma_start3A_340 = tpu.memref_slice %arg9[%select_n3A_296, %dma_start3A, %dma_start3A_339] : memref<3x64x512xf32, #tpu.memory_space<vmem>> -> memref<1x64x512xf32, #tpu.memory_space<vmem>>
      %dma_start3A_341 = tpu.memref_squeeze %dma_start3A_340 : memref<1x64x512xf32, #tpu.memory_space<vmem>> -> memref<64x512xf32, #tpu.memory_space<vmem>>
      %dma_start3A_342 = arith.constant 0 : i32
      %dma_start3A_343 = tpu.memref_slice %arg4[%add3A_338, %dma_start3A_342] : memref<32768x512xf32, #tpu.memory_space<hbm>> -> memref<64x512xf32, #tpu.memory_space<hbm>>
      %dma_start3A_344 = tpu.memref_slice %arg13[%select_n3A_296] : memref<3x!tpu.dma_semaphore, #tpu.memory_space<semaphore_mem>> -> memref<1x!tpu.dma_semaphore, #tpu.memory_space<semaphore_mem>>
      %dma_start3A_345 = tpu.memref_squeeze %dma_start3A_344 : memref<1x!tpu.dma_semaphore, #tpu.memory_space<semaphore_mem>> -> memref<!tpu.dma_semaphore, #tpu.memory_space<semaphore_mem>>
      %dma_start3A_346 = arith.constant 0 : i32
      %dma_start3A_347 = tpu.memref_slice %arg4[%add3A_338, %dma_start3A_346] : memref<32768x512xf32, #tpu.memory_space<hbm>> -> memref<64x512xf32, #tpu.memory_space<hbm>>
      %dma_start3A_348 = arith.constant 0 : i32
      %dma_start3A_349 = arith.constant 0 : i32
      %dma_start3A_350 = tpu.memref_slice %arg9[%select_n3A_296, %dma_start3A_348, %dma_start3A_349] : memref<3x64x512xf32, #tpu.memory_space<vmem>> -> memref<1x64x512xf32, #tpu.memory_space<vmem>>
      %dma_start3A_351 = tpu.memref_squeeze %dma_start3A_350 : memref<1x64x512xf32, #tpu.memory_space<vmem>> -> memref<64x512xf32, #tpu.memory_space<vmem>>
      tpu.enqueue_dma source(%dma_start3A_351 : memref<64x512xf32, #tpu.memory_space<vmem>>) target(%dma_start3A_347 : memref<64x512xf32, #tpu.memory_space<hbm>>) target_semaphore(%dma_start3A_345 : memref<!tpu.dma_semaphore, #tpu.memory_space<semaphore_mem>>)
    }
    %while3A_251 = arith.constant 1 : i32
    scf.for %while3A_280 = %while3A_249 to %while3A_245 step %while3A_251  : i32 {
      %jit3A_281 = arith.constant 3 : i32
      %eq3A_282 = arith.constant 0 : i32
      %eq3A_283 = arith.cmpi eq, %jit3A_281, %eq3A_282 : i32
      %jit3A_284 = arith.constant 1 : i32
      %select_n3A_285 = arith.select %eq3A_283, %jit3A_284, %jit3A_281 : i32
      %rem3A_286 = arith.remsi %while3A_280, %select_n3A_285 : i32
      %ne3A_287 = arith.constant 0 : i32
      %ne3A_288 = arith.cmpi ne, %rem3A_286, %ne3A_287 : i32
      %lt3A_289 = arith.constant 0 : i32
      %lt3A_290 = arith.cmpi slt, %rem3A_286, %lt3A_289 : i32
      %lt3A_291 = arith.constant 0 : i32
      %lt3A_292 = arith.cmpi slt, %select_n3A_285, %lt3A_291 : i32
      %ne3A_293 = arith.xori %lt3A_290, %lt3A_292 : i1
      %and3A_294 = arith.andi %ne3A_293, %ne3A_288 : i1
      %add3A_295 = arith.addi %rem3A_286, %select_n3A_285 : i32
      %select_n3A_296 = arith.select %and3A_294, %add3A_295, %rem3A_286 : i32
      %ge3A = arith.constant 1 : i32
      %ge3A_297 = arith.cmpi sge, %while3A_280, %ge3A : i32
      %add3A_298 = arith.constant 3 : i32
      %add3A_299 = arith.addi %while3A_280, %add3A_298 : i32
      %sub3A_300 = arith.constant 1 : i32
      %sub3A_301 = arith.subi %add3A_299, %sub3A_300 : i32
      %lt3A_302 = arith.cmpi slt, %sub3A_301, %sub3A_135 : i32
      %and3A_303 = arith.andi %ge3A_297, %lt3A_302 : i1
      %convert_element_type3A_304 = arith.extui %and3A_303 : i1 to i32
      %cond3A_305 = arith.constant 0 : i32
      %cond3A_306 = arith.cmpi ne, %convert_element_type3A_304, %cond3A_305 : i32
      scf.if %cond3A_306 {
        %sub3A_352 = arith.constant 1 : i32
        %sub3A_353 = arith.subi %while3A_280, %sub3A_352 : i32
        %jit3A_354 = arith.constant 3 : i32
        %eq3A_355 = arith.constant 0 : i32
        %eq3A_356 = arith.cmpi eq, %jit3A_354, %eq3A_355 : i32
        %jit3A_357 = arith.constant 1 : i32
        %select_n3A_358 = arith.select %eq3A_356, %jit3A_357, %jit3A_354 : i32
        %rem3A_359 = arith.remsi %sub3A_353, %select_n3A_358 : i32
        %ne3A_360 = arith.constant 0 : i32
        %ne3A_361 = arith.cmpi ne, %rem3A_359, %ne3A_360 : i32
        %lt3A_362 = arith.constant 0 : i32
        %lt3A_363 = arith.cmpi slt, %rem3A_359, %lt3A_362 : i32
        %lt3A_364 = arith.constant 0 : i32
        %lt3A_365 = arith.cmpi slt, %select_n3A_358, %lt3A_364 : i32
        %ne3A_366 = arith.xori %lt3A_363, %lt3A_365 : i1
        %and3A_367 = arith.andi %ne3A_366, %ne3A_361 : i1
        %add3A_368 = arith.addi %rem3A_359, %select_n3A_358 : i32
        %select_n3A_369 = arith.select %and3A_367, %add3A_368, %rem3A_359 : i32
        %sub3A_370 = arith.constant 1 : i32
        %sub3A_371 = arith.subi %while3A_280, %sub3A_370 : i32
        %jit3A_372 = arith.constant 3 : i32
        %eq3A_373 = arith.constant 0 : i32
        %eq3A_374 = arith.cmpi eq, %jit3A_372, %eq3A_373 : i32
        %jit3A_375 = arith.constant 1 : i32
        %select_n3A_376 = arith.select %eq3A_374, %jit3A_375, %jit3A_372 : i32
        %rem3A_377 = arith.remsi %sub3A_371, %select_n3A_376 : i32
        %ne3A_378 = arith.constant 0 : i32
        %ne3A_379 = arith.cmpi ne, %rem3A_377, %ne3A_378 : i32
        %lt3A_380 = arith.constant 0 : i32
        %lt3A_381 = arith.cmpi slt, %rem3A_377, %lt3A_380 : i32
        %lt3A_382 = arith.constant 0 : i32
        %lt3A_383 = arith.cmpi slt, %select_n3A_376, %lt3A_382 : i32
        %ne3A_384 = arith.xori %lt3A_381, %lt3A_383 : i1
        %and3A_385 = arith.andi %ne3A_384, %ne3A_379 : i1
        %add3A_386 = arith.addi %rem3A_377, %select_n3A_376 : i32
        %select_n3A_387 = arith.select %and3A_385, %add3A_386, %rem3A_377 : i32
        %dma_wait3A_388 = arith.constant 0 : i32
        %dma_wait3A_389 = arith.constant 0 : i32
        %dma_wait3A_390 = tpu.memref_slice %arg9[%select_n3A_369, %dma_wait3A_388, %dma_wait3A_389] : memref<3x64x512xf32, #tpu.memory_space<vmem>> -> memref<1x64x512xf32, #tpu.memory_space<vmem>>
        %dma_wait3A_391 = tpu.memref_squeeze %dma_wait3A_390 : memref<1x64x512xf32, #tpu.memory_space<vmem>> -> memref<64x512xf32, #tpu.memory_space<vmem>>
        %dma_wait3A_392 = arith.constant 0 : i32
        %dma_wait3A_393 = tpu.memref_slice %arg4[%mul3A_33, %dma_wait3A_392] : memref<32768x512xf32, #tpu.memory_space<hbm>> -> memref<64x512xf32, #tpu.memory_space<hbm>>
        %dma_wait3A_394 = tpu.memref_slice %arg13[%select_n3A_387] : memref<3x!tpu.dma_semaphore, #tpu.memory_space<semaphore_mem>> -> memref<1x!tpu.dma_semaphore, #tpu.memory_space<semaphore_mem>>
        %dma_wait3A_395 = tpu.memref_squeeze %dma_wait3A_394 : memref<1x!tpu.dma_semaphore, #tpu.memory_space<semaphore_mem>> -> memref<!tpu.dma_semaphore, #tpu.memory_space<semaphore_mem>>
        %dma_wait3A_396 = arith.constant 0 : i32
        %dma_wait3A_397 = tpu.memref_slice %arg4[%mul3A_33, %dma_wait3A_396] : memref<32768x512xf32, #tpu.memory_space<hbm>> -> memref<64x512xf32, #tpu.memory_space<hbm>>
        %dma_wait3A_398 = arith.constant 0 : i32
        %dma_wait3A_399 = arith.constant 0 : i32
        %dma_wait3A_400 = tpu.memref_slice %arg9[%select_n3A_369, %dma_wait3A_398, %dma_wait3A_399] : memref<3x64x512xf32, #tpu.memory_space<vmem>> -> memref<1x64x512xf32, #tpu.memory_space<vmem>>
        %dma_wait3A_401 = tpu.memref_squeeze %dma_wait3A_400 : memref<1x64x512xf32, #tpu.memory_space<vmem>> -> memref<64x512xf32, #tpu.memory_space<vmem>>
        tpu.wait_dma2 semaphore(%dma_wait3A_395 : memref<!tpu.dma_semaphore, #tpu.memory_space<semaphore_mem>>) src(%dma_wait3A_401 : memref<64x512xf32, #tpu.memory_space<vmem>>) dst(%dma_wait3A_397 : memref<64x512xf32, #tpu.memory_space<hbm>>)
        %add3A_402 = arith.constant 3 : i32
        %add3A_403 = arith.addi %while3A_280, %add3A_402 : i32
        %sub3A_404 = arith.constant 1 : i32
        %sub3A_405 = arith.subi %add3A_403, %sub3A_404 : i32
        %jit3A_406 = arith.constant 3 : i32
        %eq3A_407 = arith.constant 0 : i32
        %eq3A_408 = arith.cmpi eq, %jit3A_406, %eq3A_407 : i32
        %jit3A_409 = arith.constant 1 : i32
        %select_n3A_410 = arith.select %eq3A_408, %jit3A_409, %jit3A_406 : i32
        %rem3A_411 = arith.remsi %sub3A_405, %select_n3A_410 : i32
        %ne3A_412 = arith.constant 0 : i32
        %ne3A_413 = arith.cmpi ne, %rem3A_411, %ne3A_412 : i32
        %lt3A_414 = arith.constant 0 : i32
        %lt3A_415 = arith.cmpi slt, %rem3A_411, %lt3A_414 : i32
        %lt3A_416 = arith.constant 0 : i32
        %lt3A_417 = arith.cmpi slt, %select_n3A_410, %lt3A_416 : i32
        %ne3A_418 = arith.xori %lt3A_415, %lt3A_417 : i1
        %and3A_419 = arith.andi %ne3A_418, %ne3A_413 : i1
        %add3A_420 = arith.addi %rem3A_411, %select_n3A_410 : i32
        %select_n3A_421 = arith.select %and3A_419, %add3A_420, %rem3A_411 : i32
        %mul3A_422 = arith.constant 64 : i32
        %mul3A_423 = arith.muli %sub3A_405, %mul3A_422 : i32
        %dma_start3A_424 = arith.constant 0 : i32
        %dma_start3A_425 = arith.constant 0 : i32
        %dma_start3A_426 = tpu.memref_slice %arg9[%select_n3A_421, %dma_start3A_424, %dma_start3A_425] : memref<3x64x512xf32, #tpu.memory_space<vmem>> -> memref<1x64x512xf32, #tpu.memory_space<vmem>>
        %dma_start3A_427 = tpu.memref_squeeze %dma_start3A_426 : memref<1x64x512xf32, #tpu.memory_space<vmem>> -> memref<64x512xf32, #tpu.memory_space<vmem>>
        %dma_start3A_428 = tpu.memref_slice %arg8[%mul3A_423] : memref<1024xi32, #tpu.memory_space<vmem>> -> memref<64xi32, #tpu.memory_space<vmem>>
        %dma_start3A_429 = arith.constant 0 : i32
        %dma_start3A_430 = arith.constant 0 : i32
        %dma_start3A_431 = tpu.memref_slice %arg2[%dma_start3A_429, %dma_start3A_430] : memref<4096x512xf32, #tpu.memory_space<hbm>> -> memref<4096x512xf32, #tpu.memory_space<hbm>>
        %dma_start3A_432 = tpu.memref_slice %arg12[%select_n3A_421] : memref<3x!tpu.dma_semaphore, #tpu.memory_space<semaphore_mem>> -> memref<1x!tpu.dma_semaphore, #tpu.memory_space<semaphore_mem>>
        %dma_start3A_433 = tpu.memref_squeeze %dma_start3A_432 : memref<1x!tpu.dma_semaphore, #tpu.memory_space<semaphore_mem>> -> memref<!tpu.dma_semaphore, #tpu.memory_space<semaphore_mem>>
        tpu.enqueue_indirect_dma source(%dma_start3A_431 : memref<4096x512xf32, #tpu.memory_space<hbm>>) target(%dma_start3A_427 : memref<64x512xf32, #tpu.memory_space<vmem>>) offsets(%dma_start3A_428 : memref<64xi32, #tpu.memory_space<vmem>>) semaphore(%dma_start3A_433 : memref<!tpu.dma_semaphore, #tpu.memory_space<semaphore_mem>>)
      } else {
      }
      %dma_wait3A = arith.constant 0 : i32
      %dma_wait3A_307 = arith.constant 0 : i32
      %dma_wait3A_308 = tpu.memref_slice %arg9[%select_n3A_296, %dma_wait3A, %dma_wait3A_307] : memref<3x64x512xf32, #tpu.memory_space<vmem>> -> memref<1x64x512xf32, #tpu.memory_space<vmem>>
      %dma_wait3A_309 = tpu.memref_squeeze %dma_wait3A_308 : memref<1x64x512xf32, #tpu.memory_space<vmem>> -> memref<64x512xf32, #tpu.memory_space<vmem>>
      %dma_wait3A_310 = arith.constant 0 : i32
      %dma_wait3A_311 = arith.constant 0 : i32
      %dma_wait3A_312 = tpu.memref_slice %arg2[%dma_wait3A_310, %dma_wait3A_311] : memref<4096x512xf32, #tpu.memory_space<hbm>> -> memref<64x512xf32, #tpu.memory_space<hbm>>
      %dma_wait3A_313 = tpu.memref_slice %arg12[%select_n3A_296] : memref<3x!tpu.dma_semaphore, #tpu.memory_space<semaphore_mem>> -> memref<1x!tpu.dma_semaphore, #tpu.memory_space<semaphore_mem>>
      %dma_wait3A_314 = tpu.memref_squeeze %dma_wait3A_313 : memref<1x!tpu.dma_semaphore, #tpu.memory_space<semaphore_mem>> -> memref<!tpu.dma_semaphore, #tpu.memory_space<semaphore_mem>>
      %dma_wait3A_315 = arith.constant 0 : i32
      %dma_wait3A_316 = arith.constant 0 : i32
      %dma_wait3A_317 = tpu.memref_slice %arg9[%select_n3A_296, %dma_wait3A_315, %dma_wait3A_316] : memref<3x64x512xf32, #tpu.memory_space<vmem>> -> memref<1x64x512xf32, #tpu.memory_space<vmem>>
      %dma_wait3A_318 = tpu.memref_squeeze %dma_wait3A_317 : memref<1x64x512xf32, #tpu.memory_space<vmem>> -> memref<64x512xf32, #tpu.memory_space<vmem>>
      %dma_wait3A_319 = arith.constant 0 : i32
      %dma_wait3A_320 = arith.constant 0 : i32
      %dma_wait3A_321 = tpu.memref_slice %arg2[%dma_wait3A_319, %dma_wait3A_320] : memref<4096x512xf32, #tpu.memory_space<hbm>> -> memref<64x512xf32, #tpu.memory_space<hbm>>
      tpu.wait_dma2 semaphore(%dma_wait3A_314 : memref<!tpu.dma_semaphore, #tpu.memory_space<semaphore_mem>>) src(%dma_wait3A_321 : memref<64x512xf32, #tpu.memory_space<hbm>>) dst(%dma_wait3A_318 : memref<64x512xf32, #tpu.memory_space<vmem>>)
      %add3A_322 = arith.addi %select_n3A_107, %while3A_280 : i32
      %mul3A_323 = arith.constant 64 : i32
      %mul3A_324 = arith.muli %add3A_322, %mul3A_323 : i32
      %sub3A_325 = arith.subi %scan3A_53, %mul3A_324 : i32
      %jit3A_326 = arith.constant 0 : i32
      %jit3A_327 = arith.constant 64 : i32
      %max3A_328 = arith.maxsi %jit3A_326, %sub3A_325 : i32
      %min3A_329 = arith.minsi %jit3A_327, %max3A_328 : i32
      %lt3A_330 = arith.constant 64 : i32
      %lt3A_331 = arith.cmpi slt, %min3A_329, %lt3A_330 : i32
      %convert_element_type3A_332 = arith.extui %lt3A_331 : i1 to i32
      %cond3A_333 = arith.constant 0 : i32
      %cond3A_334 = arith.cmpi ne, %convert_element_type3A_332, %cond3A_333 : i32
      scf.if %cond3A_334 {
        %while3A_352 = arith.constant 0 : i32
        %while3A_353 = arith.constant 64 : i32
        %while3A_354 = arith.subi %while3A_353, %min3A_329 : i32
        %while3A_355 = arith.addi %min3A_329, %while3A_354 : i32
        %while3A_356 = arith.constant 1 : i32
        %while3A_357 = arith.divsi %while3A_354, %while3A_356 : i32
        %while3A_358 = arith.muli %while3A_357, %while3A_356 : i32
        %while3A_359 = arith.addi %min3A_329, %while3A_358 : i32
        %while3A_360 = arith.constant 1 : i32
        scf.for %while3A_362 = %min3A_329 to %while3A_359 step %while3A_360  : i32 {
          %swap3A = arith.index_cast %select_n3A_296 : i32 to index
          %swap3A_363 = arith.index_cast %while3A_362 : i32 to index
          %swap3A_364 = arith.constant 0 : index
          %swap3A_365 = tpu.vector_load %arg9[%swap3A, %swap3A_363, %swap3A_364] {strides = array<i32>} : memref<3x64x512xf32, #tpu.memory_space<vmem>>, vector<16xf32>,
          tpu.vector_store %arg9[%swap3A, %swap3A_363, %swap3A_364], %broadcast_in_dim3A_36 {strides = array<i32>} : memref<3x64x512xf32, #tpu.memory_space<vmem>>, vector<16xf32>,
          %swap3A_366 = arith.index_cast %select_n3A_296 : i32 to index
          %swap3A_367 = arith.index_cast %while3A_362 : i32 to index
          %swap3A_368 = arith.constant 16 : index
          %swap3A_369 = tpu.vector_load %arg9[%swap3A_366, %swap3A_367, %swap3A_368] {strides = array<i32>} : memref<3x64x512xf32, #tpu.memory_space<vmem>>, vector<16xf32>,
          tpu.vector_store %arg9[%swap3A_366, %swap3A_367, %swap3A_368], %broadcast_in_dim3A_36 {strides = array<i32>} : memref<3x64x512xf32, #tpu.memory_space<vmem>>, vector<16xf32>,
          %swap3A_370 = arith.index_cast %select_n3A_296 : i32 to index
          %swap3A_371 = arith.index_cast %while3A_362 : i32 to index
          %swap3A_372 = arith.constant 32 : index
          %swap3A_373 = tpu.vector_load %arg9[%swap3A_370, %swap3A_371, %swap3A_372] {strides = array<i32>} : memref<3x64x512xf32, #tpu.memory_space<vmem>>, vector<16xf32>,
          tpu.vector_store %arg9[%swap3A_370, %swap3A_371, %swap3A_372], %broadcast_in_dim3A_36 {strides = array<i32>} : memref<3x64x512xf32, #tpu.memory_space<vmem>>, vector<16xf32>,
          %swap3A_374 = arith.index_cast %select_n3A_296 : i32 to index
          %swap3A_375 = arith.index_cast %while3A_362 : i32 to index
          %swap3A_376 = arith.constant 48 : index
          %swap3A_377 = tpu.vector_load %arg9[%swap3A_374, %swap3A_375, %swap3A_376] {strides = array<i32>} : memref<3x64x512xf32, #tpu.memory_space<vmem>>, vector<16xf32>,
          tpu.vector_store %arg9[%swap3A_374, %swap3A_375, %swap3A_376], %broadcast_in_dim3A_36 {strides = array<i32>} : memref<3x64x512xf32, #tpu.memory_space<vmem>>, vector<16xf32>,
          %swap3A_378 = arith.index_cast %select_n3A_296 : i32 to index
          %swap3A_379 = arith.index_cast %while3A_362 : i32 to index
          %swap3A_380 = arith.constant 64 : index
          %swap3A_381 = tpu.vector_load %arg9[%swap3A_378, %swap3A_379, %swap3A_380] {strides = array<i32>} : memref<3x64x512xf32, #tpu.memory_space<vmem>>, vector<16xf32>,
          tpu.vector_store %arg9[%swap3A_378, %swap3A_379, %swap3A_380], %broadcast_in_dim3A_36 {strides = array<i32>} : memref<3x64x512xf32, #tpu.memory_space<vmem>>, vector<16xf32>,
          %swap3A_382 = arith.index_cast %select_n3A_296 : i32 to index
          %swap3A_383 = arith.index_cast %while3A_362 : i32 to index
          %swap3A_384 = arith.constant 80 : index
          %swap3A_385 = tpu.vector_load %arg9[%swap3A_382, %swap3A_383, %swap3A_384] {strides = array<i32>} : memref<3x64x512xf32, #tpu.memory_space<vmem>>, vector<16xf32>,
          tpu.vector_store %arg9[%swap3A_382, %swap3A_383, %swap3A_384], %broadcast_in_dim3A_36 {strides = array<i32>} : memref<3x64x512xf32, #tpu.memory_space<vmem>>, vector<16xf32>,
          %swap3A_386 = arith.index_cast %select_n3A_296 : i32 to index
          %swap3A_387 = arith.index_cast %while3A_362 : i32 to index
          %swap3A_388 = arith.constant 96 : index
          %swap3A_389 = tpu.vector_load %arg9[%swap3A_386, %swap3A_387, %swap3A_388] {strides = array<i32>} : memref<3x64x512xf32, #tpu.memory_space<vmem>>, vector<16xf32>,
          tpu.vector_store %arg9[%swap3A_386, %swap3A_387, %swap3A_388], %broadcast_in_dim3A_36 {strides = array<i32>} : memref<3x64x512xf32, #tpu.memory_space<vmem>>, vector<16xf32>,
          %swap3A_390 = arith.index_cast %select_n3A_296 : i32 to index
          %swap3A_391 = arith.index_cast %while3A_362 : i32 to index
          %swap3A_392 = arith.constant 112 : index
          %swap3A_393 = tpu.vector_load %arg9[%swap3A_390, %swap3A_391, %swap3A_392] {strides = array<i32>} : memref<3x64x512xf32, #tpu.memory_space<vmem>>, vector<16xf32>,
          tpu.vector_store %arg9[%swap3A_390, %swap3A_391, %swap3A_392], %broadcast_in_dim3A_36 {strides = array<i32>} : memref<3x64x512xf32, #tpu.memory_space<vmem>>, vector<16xf32>,
          %swap3A_394 = arith.index_cast %select_n3A_296 : i32 to index
          %swap3A_395 = arith.index_cast %while3A_362 : i32 to index
          %swap3A_396 = arith.constant 128 : index
          %swap3A_397 = tpu.vector_load %arg9[%swap3A_394, %swap3A_395, %swap3A_396] {strides = array<i32>} : memref<3x64x512xf32, #tpu.memory_space<vmem>>, vector<16xf32>,
          tpu.vector_store %arg9[%swap3A_394, %swap3A_395, %swap3A_396], %broadcast_in_dim3A_36 {strides = array<i32>} : memref<3x64x512xf32, #tpu.memory_space<vmem>>, vector<16xf32>,
          %swap3A_398 = arith.index_cast %select_n3A_296 : i32 to index
          %swap3A_399 = arith.index_cast %while3A_362 : i32 to index
          %swap3A_400 = arith.constant 144 : index
          %swap3A_401 = tpu.vector_load %arg9[%swap3A_398, %swap3A_399, %swap3A_400] {strides = array<i32>} : memref<3x64x512xf32, #tpu.memory_space<vmem>>, vector<16xf32>,
          tpu.vector_store %arg9[%swap3A_398, %swap3A_399, %swap3A_400], %broadcast_in_dim3A_36 {strides = array<i32>} : memref<3x64x512xf32, #tpu.memory_space<vmem>>, vector<16xf32>,
          %swap3A_402 = arith.index_cast %select_n3A_296 : i32 to index
          %swap3A_403 = arith.index_cast %while3A_362 : i32 to index
          %swap3A_404 = arith.constant 160 : index
          %swap3A_405 = tpu.vector_load %arg9[%swap3A_402, %swap3A_403, %swap3A_404] {strides = array<i32>} : memref<3x64x512xf32, #tpu.memory_space<vmem>>, vector<16xf32>,
          tpu.vector_store %arg9[%swap3A_402, %swap3A_403, %swap3A_404], %broadcast_in_dim3A_36 {strides = array<i32>} : memref<3x64x512xf32, #tpu.memory_space<vmem>>, vector<16xf32>,
          %swap3A_406 = arith.index_cast %select_n3A_296 : i32 to index
          %swap3A_407 = arith.index_cast %while3A_362 : i32 to index
          %swap3A_408 = arith.constant 176 : index
          %swap3A_409 = tpu.vector_load %arg9[%swap3A_406, %swap3A_407, %swap3A_408] {strides = array<i32>} : memref<3x64x512xf32, #tpu.memory_space<vmem>>, vector<16xf32>,
          tpu.vector_store %arg9[%swap3A_406, %swap3A_407, %swap3A_408], %broadcast_in_dim3A_36 {strides = array<i32>} : memref<3x64x512xf32, #tpu.memory_space<vmem>>, vector<16xf32>,
          %swap3A_410 = arith.index_cast %select_n3A_296 : i32 to index
          %swap3A_411 = arith.index_cast %while3A_362 : i32 to index
          %swap3A_412 = arith.constant 192 : index
          %swap3A_413 = tpu.vector_load %arg9[%swap3A_410, %swap3A_411, %swap3A_412] {strides = array<i32>} : memref<3x64x512xf32, #tpu.memory_space<vmem>>, vector<16xf32>,
          tpu.vector_store %arg9[%swap3A_410, %swap3A_411, %swap3A_412], %broadcast_in_dim3A_36 {strides = array<i32>} : memref<3x64x512xf32, #tpu.memory_space<vmem>>, vector<16xf32>,
          %swap3A_414 = arith.index_cast %select_n3A_296 : i32 to index
          %swap3A_415 = arith.index_cast %while3A_362 : i32 to index
          %swap3A_416 = arith.constant 208 : index
          %swap3A_417 = tpu.vector_load %arg9[%swap3A_414, %swap3A_415, %swap3A_416] {strides = array<i32>} : memref<3x64x512xf32, #tpu.memory_space<vmem>>, vector<16xf32>,
          tpu.vector_store %arg9[%swap3A_414, %swap3A_415, %swap3A_416], %broadcast_in_dim3A_36 {strides = array<i32>} : memref<3x64x512xf32, #tpu.memory_space<vmem>>, vector<16xf32>,
          %swap3A_418 = arith.index_cast %select_n3A_296 : i32 to index
          %swap3A_419 = arith.index_cast %while3A_362 : i32 to index
          %swap3A_420 = arith.constant 224 : index
          %swap3A_421 = tpu.vector_load %arg9[%swap3A_418, %swap3A_419, %swap3A_420] {strides = array<i32>} : memref<3x64x512xf32, #tpu.memory_space<vmem>>, vector<16xf32>,
          tpu.vector_store %arg9[%swap3A_418, %swap3A_419, %swap3A_420], %broadcast_in_dim3A_36 {strides = array<i32>} : memref<3x64x512xf32, #tpu.memory_space<vmem>>, vector<16xf32>,
          %swap3A_422 = arith.index_cast %select_n3A_296 : i32 to index
          %swap3A_423 = arith.index_cast %while3A_362 : i32 to index
          %swap3A_424 = arith.constant 240 : index
          %swap3A_425 = tpu.vector_load %arg9[%swap3A_422, %swap3A_423, %swap3A_424] {strides = array<i32>} : memref<3x64x512xf32, #tpu.memory_space<vmem>>, vector<16xf32>,
          tpu.vector_store %arg9[%swap3A_422, %swap3A_423, %swap3A_424], %broadcast_in_dim3A_36 {strides = array<i32>} : memref<3x64x512xf32, #tpu.memory_space<vmem>>, vector<16xf32>,
          %swap3A_426 = arith.index_cast %select_n3A_296 : i32 to index
          %swap3A_427 = arith.index_cast %while3A_362 : i32 to index
          %swap3A_428 = arith.constant 256 : index
          %swap3A_429 = tpu.vector_load %arg9[%swap3A_426, %swap3A_427, %swap3A_428] {strides = array<i32>} : memref<3x64x512xf32, #tpu.memory_space<vmem>>, vector<16xf32>,
          tpu.vector_store %arg9[%swap3A_426, %swap3A_427, %swap3A_428], %broadcast_in_dim3A_36 {strides = array<i32>} : memref<3x64x512xf32, #tpu.memory_space<vmem>>, vector<16xf32>,
          %swap3A_430 = arith.index_cast %select_n3A_296 : i32 to index
          %swap3A_431 = arith.index_cast %while3A_362 : i32 to index
          %swap3A_432 = arith.constant 272 : index
          %swap3A_433 = tpu.vector_load %arg9[%swap3A_430, %swap3A_431, %swap3A_432] {strides = array<i32>} : memref<3x64x512xf32, #tpu.memory_space<vmem>>, vector<16xf32>,
          tpu.vector_store %arg9[%swap3A_430, %swap3A_431, %swap3A_432], %broadcast_in_dim3A_36 {strides = array<i32>} : memref<3x64x512xf32, #tpu.memory_space<vmem>>, vector<16xf32>,
          %swap3A_434 = arith.index_cast %select_n3A_296 : i32 to index
          %swap3A_435 = arith.index_cast %while3A_362 : i32 to index
          %swap3A_436 = arith.constant 288 : index
          %swap3A_437 = tpu.vector_load %arg9[%swap3A_434, %swap3A_435, %swap3A_436] {strides = array<i32>} : memref<3x64x512xf32, #tpu.memory_space<vmem>>, vector<16xf32>,
          tpu.vector_store %arg9[%swap3A_434, %swap3A_435, %swap3A_436], %broadcast_in_dim3A_36 {strides = array<i32>} : memref<3x64x512xf32, #tpu.memory_space<vmem>>, vector<16xf32>,
          %swap3A_438 = arith.index_cast %select_n3A_296 : i32 to index
          %swap3A_439 = arith.index_cast %while3A_362 : i32 to index
          %swap3A_440 = arith.constant 304 : index
          %swap3A_441 = tpu.vector_load %arg9[%swap3A_438, %swap3A_439, %swap3A_440] {strides = array<i32>} : memref<3x64x512xf32, #tpu.memory_space<vmem>>, vector<16xf32>,
          tpu.vector_store %arg9[%swap3A_438, %swap3A_439, %swap3A_440], %broadcast_in_dim3A_36 {strides = array<i32>} : memref<3x64x512xf32, #tpu.memory_space<vmem>>, vector<16xf32>,
          %swap3A_442 = arith.index_cast %select_n3A_296 : i32 to index
          %swap3A_443 = arith.index_cast %while3A_362 : i32 to index
          %swap3A_444 = arith.constant 320 : index
          %swap3A_445 = tpu.vector_load %arg9[%swap3A_442, %swap3A_443, %swap3A_444] {strides = array<i32>} : memref<3x64x512xf32, #tpu.memory_space<vmem>>, vector<16xf32>,
          tpu.vector_store %arg9[%swap3A_442, %swap3A_443, %swap3A_444], %broadcast_in_dim3A_36 {strides = array<i32>} : memref<3x64x512xf32, #tpu.memory_space<vmem>>, vector<16xf32>,
          %swap3A_446 = arith.index_cast %select_n3A_296 : i32 to index
          %swap3A_447 = arith.index_cast %while3A_362 : i32 to index
          %swap3A_448 = arith.constant 336 : index
          %swap3A_449 = tpu.vector_load %arg9[%swap3A_446, %swap3A_447, %swap3A_448] {strides = array<i32>} : memref<3x64x512xf32, #tpu.memory_space<vmem>>, vector<16xf32>,
          tpu.vector_store %arg9[%swap3A_446, %swap3A_447, %swap3A_448], %broadcast_in_dim3A_36 {strides = array<i32>} : memref<3x64x512xf32, #tpu.memory_space<vmem>>, vector<16xf32>,
          %swap3A_450 = arith.index_cast %select_n3A_296 : i32 to index
          %swap3A_451 = arith.index_cast %while3A_362 : i32 to index
          %swap3A_452 = arith.constant 352 : index
          %swap3A_453 = tpu.vector_load %arg9[%swap3A_450, %swap3A_451, %swap3A_452] {strides = array<i32>} : memref<3x64x512xf32, #tpu.memory_space<vmem>>, vector<16xf32>,
          tpu.vector_store %arg9[%swap3A_450, %swap3A_451, %swap3A_452], %broadcast_in_dim3A_36 {strides = array<i32>} : memref<3x64x512xf32, #tpu.memory_space<vmem>>, vector<16xf32>,
          %swap3A_454 = arith.index_cast %select_n3A_296 : i32 to index
          %swap3A_455 = arith.index_cast %while3A_362 : i32 to index
          %swap3A_456 = arith.constant 368 : index
          %swap3A_457 = tpu.vector_load %arg9[%swap3A_454, %swap3A_455, %swap3A_456] {strides = array<i32>} : memref<3x64x512xf32, #tpu.memory_space<vmem>>, vector<16xf32>,
          tpu.vector_store %arg9[%swap3A_454, %swap3A_455, %swap3A_456], %broadcast_in_dim3A_36 {strides = array<i32>} : memref<3x64x512xf32, #tpu.memory_space<vmem>>, vector<16xf32>,
          %swap3A_458 = arith.index_cast %select_n3A_296 : i32 to index
          %swap3A_459 = arith.index_cast %while3A_362 : i32 to index
          %swap3A_460 = arith.constant 384 : index
          %swap3A_461 = tpu.vector_load %arg9[%swap3A_458, %swap3A_459, %swap3A_460] {strides = array<i32>} : memref<3x64x512xf32, #tpu.memory_space<vmem>>, vector<16xf32>,
          tpu.vector_store %arg9[%swap3A_458, %swap3A_459, %swap3A_460], %broadcast_in_dim3A_36 {strides = array<i32>} : memref<3x64x512xf32, #tpu.memory_space<vmem>>, vector<16xf32>,
          %swap3A_462 = arith.index_cast %select_n3A_296 : i32 to index
          %swap3A_463 = arith.index_cast %while3A_362 : i32 to index
          %swap3A_464 = arith.constant 400 : index
          %swap3A_465 = tpu.vector_load %arg9[%swap3A_462, %swap3A_463, %swap3A_464] {strides = array<i32>} : memref<3x64x512xf32, #tpu.memory_space<vmem>>, vector<16xf32>,
          tpu.vector_store %arg9[%swap3A_462, %swap3A_463, %swap3A_464], %broadcast_in_dim3A_36 {strides = array<i32>} : memref<3x64x512xf32, #tpu.memory_space<vmem>>, vector<16xf32>,
          %swap3A_466 = arith.index_cast %select_n3A_296 : i32 to index
          %swap3A_467 = arith.index_cast %while3A_362 : i32 to index
          %swap3A_468 = arith.constant 416 : index
          %swap3A_469 = tpu.vector_load %arg9[%swap3A_466, %swap3A_467, %swap3A_468] {strides = array<i32>} : memref<3x64x512xf32, #tpu.memory_space<vmem>>, vector<16xf32>,
          tpu.vector_store %arg9[%swap3A_466, %swap3A_467, %swap3A_468], %broadcast_in_dim3A_36 {strides = array<i32>} : memref<3x64x512xf32, #tpu.memory_space<vmem>>, vector<16xf32>,
          %swap3A_470 = arith.index_cast %select_n3A_296 : i32 to index
          %swap3A_471 = arith.index_cast %while3A_362 : i32 to index
          %swap3A_472 = arith.constant 432 : index
          %swap3A_473 = tpu.vector_load %arg9[%swap3A_470, %swap3A_471, %swap3A_472] {strides = array<i32>} : memref<3x64x512xf32, #tpu.memory_space<vmem>>, vector<16xf32>,
          tpu.vector_store %arg9[%swap3A_470, %swap3A_471, %swap3A_472], %broadcast_in_dim3A_36 {strides = array<i32>} : memref<3x64x512xf32, #tpu.memory_space<vmem>>, vector<16xf32>,
          %swap3A_474 = arith.index_cast %select_n3A_296 : i32 to index
          %swap3A_475 = arith.index_cast %while3A_362 : i32 to index
          %swap3A_476 = arith.constant 448 : index
          %swap3A_477 = tpu.vector_load %arg9[%swap3A_474, %swap3A_475, %swap3A_476] {strides = array<i32>} : memref<3x64x512xf32, #tpu.memory_space<vmem>>, vector<16xf32>,
          tpu.vector_store %arg9[%swap3A_474, %swap3A_475, %swap3A_476], %broadcast_in_dim3A_36 {strides = array<i32>} : memref<3x64x512xf32, #tpu.memory_space<vmem>>, vector<16xf32>,
          %swap3A_478 = arith.index_cast %select_n3A_296 : i32 to index
          %swap3A_479 = arith.index_cast %while3A_362 : i32 to index
          %swap3A_480 = arith.constant 464 : index
          %swap3A_481 = tpu.vector_load %arg9[%swap3A_478, %swap3A_479, %swap3A_480] {strides = array<i32>} : memref<3x64x512xf32, #tpu.memory_space<vmem>>, vector<16xf32>,
          tpu.vector_store %arg9[%swap3A_478, %swap3A_479, %swap3A_480], %broadcast_in_dim3A_36 {strides = array<i32>} : memref<3x64x512xf32, #tpu.memory_space<vmem>>, vector<16xf32>,
          %swap3A_482 = arith.index_cast %select_n3A_296 : i32 to index
          %swap3A_483 = arith.index_cast %while3A_362 : i32 to index
          %swap3A_484 = arith.constant 480 : index
          %swap3A_485 = tpu.vector_load %arg9[%swap3A_482, %swap3A_483, %swap3A_484] {strides = array<i32>} : memref<3x64x512xf32, #tpu.memory_space<vmem>>, vector<16xf32>,
          tpu.vector_store %arg9[%swap3A_482, %swap3A_483, %swap3A_484], %broadcast_in_dim3A_36 {strides = array<i32>} : memref<3x64x512xf32, #tpu.memory_space<vmem>>, vector<16xf32>,
          %swap3A_486 = arith.index_cast %select_n3A_296 : i32 to index
          %swap3A_487 = arith.index_cast %while3A_362 : i32 to index
          %swap3A_488 = arith.constant 496 : index
          %swap3A_489 = tpu.vector_load %arg9[%swap3A_486, %swap3A_487, %swap3A_488] {strides = array<i32>} : memref<3x64x512xf32, #tpu.memory_space<vmem>>, vector<16xf32>,
          tpu.vector_store %arg9[%swap3A_486, %swap3A_487, %swap3A_488], %broadcast_in_dim3A_36 {strides = array<i32>} : memref<3x64x512xf32, #tpu.memory_space<vmem>>, vector<16xf32>,
        }
        %while3A_361 = arith.constant 1 : i32
        scf.for %while3A_362 = %while3A_359 to %while3A_355 step %while3A_361  : i32 {
          %swap3A = arith.index_cast %select_n3A_296 : i32 to index
          %swap3A_363 = arith.index_cast %while3A_362 : i32 to index
          %swap3A_364 = arith.constant 0 : index
          %swap3A_365 = tpu.vector_load %arg9[%swap3A, %swap3A_363, %swap3A_364] {strides = array<i32>} : memref<3x64x512xf32, #tpu.memory_space<vmem>>, vector<16xf32>,
          tpu.vector_store %arg9[%swap3A, %swap3A_363, %swap3A_364], %broadcast_in_dim3A_36 {strides = array<i32>} : memref<3x64x512xf32, #tpu.memory_space<vmem>>, vector<16xf32>,
          %swap3A_366 = arith.index_cast %select_n3A_296 : i32 to index
          %swap3A_367 = arith.index_cast %while3A_362 : i32 to index
          %swap3A_368 = arith.constant 16 : index
          %swap3A_369 = tpu.vector_load %arg9[%swap3A_366, %swap3A_367, %swap3A_368] {strides = array<i32>} : memref<3x64x512xf32, #tpu.memory_space<vmem>>, vector<16xf32>,
          tpu.vector_store %arg9[%swap3A_366, %swap3A_367, %swap3A_368], %broadcast_in_dim3A_36 {strides = array<i32>} : memref<3x64x512xf32, #tpu.memory_space<vmem>>, vector<16xf32>,
          %swap3A_370 = arith.index_cast %select_n3A_296 : i32 to index
          %swap3A_371 = arith.index_cast %while3A_362 : i32 to index
          %swap3A_372 = arith.constant 32 : index
          %swap3A_373 = tpu.vector_load %arg9[%swap3A_370, %swap3A_371, %swap3A_372] {strides = array<i32>} : memref<3x64x512xf32, #tpu.memory_space<vmem>>, vector<16xf32>,
          tpu.vector_store %arg9[%swap3A_370, %swap3A_371, %swap3A_372], %broadcast_in_dim3A_36 {strides = array<i32>} : memref<3x64x512xf32, #tpu.memory_space<vmem>>, vector<16xf32>,
          %swap3A_374 = arith.index_cast %select_n3A_296 : i32 to index
          %swap3A_375 = arith.index_cast %while3A_362 : i32 to index
          %swap3A_376 = arith.constant 48 : index
          %swap3A_377 = tpu.vector_load %arg9[%swap3A_374, %swap3A_375, %swap3A_376] {strides = array<i32>} : memref<3x64x512xf32, #tpu.memory_space<vmem>>, vector<16xf32>,
          tpu.vector_store %arg9[%swap3A_374, %swap3A_375, %swap3A_376], %broadcast_in_dim3A_36 {strides = array<i32>} : memref<3x64x512xf32, #tpu.memory_space<vmem>>, vector<16xf32>,
          %swap3A_378 = arith.index_cast %select_n3A_296 : i32 to index
          %swap3A_379 = arith.index_cast %while3A_362 : i32 to index
          %swap3A_380 = arith.constant 64 : index
          %swap3A_381 = tpu.vector_load %arg9[%swap3A_378, %swap3A_379, %swap3A_380] {strides = array<i32>} : memref<3x64x512xf32, #tpu.memory_space<vmem>>, vector<16xf32>,
          tpu.vector_store %arg9[%swap3A_378, %swap3A_379, %swap3A_380], %broadcast_in_dim3A_36 {strides = array<i32>} : memref<3x64x512xf32, #tpu.memory_space<vmem>>, vector<16xf32>,
          %swap3A_382 = arith.index_cast %select_n3A_296 : i32 to index
          %swap3A_383 = arith.index_cast %while3A_362 : i32 to index
          %swap3A_384 = arith.constant 80 : index
          %swap3A_385 = tpu.vector_load %arg9[%swap3A_382, %swap3A_383, %swap3A_384] {strides = array<i32>} : memref<3x64x512xf32, #tpu.memory_space<vmem>>, vector<16xf32>,
          tpu.vector_store %arg9[%swap3A_382, %swap3A_383, %swap3A_384], %broadcast_in_dim3A_36 {strides = array<i32>} : memref<3x64x512xf32, #tpu.memory_space<vmem>>, vector<16xf32>,
          %swap3A_386 = arith.index_cast %select_n3A_296 : i32 to index
          %swap3A_387 = arith.index_cast %while3A_362 : i32 to index
          %swap3A_388 = arith.constant 96 : index
          %swap3A_389 = tpu.vector_load %arg9[%swap3A_386, %swap3A_387, %swap3A_388] {strides = array<i32>} : memref<3x64x512xf32, #tpu.memory_space<vmem>>, vector<16xf32>,
          tpu.vector_store %arg9[%swap3A_386, %swap3A_387, %swap3A_388], %broadcast_in_dim3A_36 {strides = array<i32>} : memref<3x64x512xf32, #tpu.memory_space<vmem>>, vector<16xf32>,
          %swap3A_390 = arith.index_cast %select_n3A_296 : i32 to index
          %swap3A_391 = arith.index_cast %while3A_362 : i32 to index
          %swap3A_392 = arith.constant 112 : index
          %swap3A_393 = tpu.vector_load %arg9[%swap3A_390, %swap3A_391, %swap3A_392] {strides = array<i32>} : memref<3x64x512xf32, #tpu.memory_space<vmem>>, vector<16xf32>,
          tpu.vector_store %arg9[%swap3A_390, %swap3A_391, %swap3A_392], %broadcast_in_dim3A_36 {strides = array<i32>} : memref<3x64x512xf32, #tpu.memory_space<vmem>>, vector<16xf32>,
          %swap3A_394 = arith.index_cast %select_n3A_296 : i32 to index
          %swap3A_395 = arith.index_cast %while3A_362 : i32 to index
          %swap3A_396 = arith.constant 128 : index
          %swap3A_397 = tpu.vector_load %arg9[%swap3A_394, %swap3A_395, %swap3A_396] {strides = array<i32>} : memref<3x64x512xf32, #tpu.memory_space<vmem>>, vector<16xf32>,
          tpu.vector_store %arg9[%swap3A_394, %swap3A_395, %swap3A_396], %broadcast_in_dim3A_36 {strides = array<i32>} : memref<3x64x512xf32, #tpu.memory_space<vmem>>, vector<16xf32>,
          %swap3A_398 = arith.index_cast %select_n3A_296 : i32 to index
          %swap3A_399 = arith.index_cast %while3A_362 : i32 to index
          %swap3A_400 = arith.constant 144 : index
          %swap3A_401 = tpu.vector_load %arg9[%swap3A_398, %swap3A_399, %swap3A_400] {strides = array<i32>} : memref<3x64x512xf32, #tpu.memory_space<vmem>>, vector<16xf32>,
          tpu.vector_store %arg9[%swap3A_398, %swap3A_399, %swap3A_400], %broadcast_in_dim3A_36 {strides = array<i32>} : memref<3x64x512xf32, #tpu.memory_space<vmem>>, vector<16xf32>,
          %swap3A_402 = arith.index_cast %select_n3A_296 : i32 to index
          %swap3A_403 = arith.index_cast %while3A_362 : i32 to index
          %swap3A_404 = arith.constant 160 : index
          %swap3A_405 = tpu.vector_load %arg9[%swap3A_402, %swap3A_403, %swap3A_404] {strides = array<i32>} : memref<3x64x512xf32, #tpu.memory_space<vmem>>, vector<16xf32>,
          tpu.vector_store %arg9[%swap3A_402, %swap3A_403, %swap3A_404], %broadcast_in_dim3A_36 {strides = array<i32>} : memref<3x64x512xf32, #tpu.memory_space<vmem>>, vector<16xf32>,
          %swap3A_406 = arith.index_cast %select_n3A_296 : i32 to index
          %swap3A_407 = arith.index_cast %while3A_362 : i32 to index
          %swap3A_408 = arith.constant 176 : index
          %swap3A_409 = tpu.vector_load %arg9[%swap3A_406, %swap3A_407, %swap3A_408] {strides = array<i32>} : memref<3x64x512xf32, #tpu.memory_space<vmem>>, vector<16xf32>,
          tpu.vector_store %arg9[%swap3A_406, %swap3A_407, %swap3A_408], %broadcast_in_dim3A_36 {strides = array<i32>} : memref<3x64x512xf32, #tpu.memory_space<vmem>>, vector<16xf32>,
          %swap3A_410 = arith.index_cast %select_n3A_296 : i32 to index
          %swap3A_411 = arith.index_cast %while3A_362 : i32 to index
          %swap3A_412 = arith.constant 192 : index
          %swap3A_413 = tpu.vector_load %arg9[%swap3A_410, %swap3A_411, %swap3A_412] {strides = array<i32>} : memref<3x64x512xf32, #tpu.memory_space<vmem>>, vector<16xf32>,
          tpu.vector_store %arg9[%swap3A_410, %swap3A_411, %swap3A_412], %broadcast_in_dim3A_36 {strides = array<i32>} : memref<3x64x512xf32, #tpu.memory_space<vmem>>, vector<16xf32>,
          %swap3A_414 = arith.index_cast %select_n3A_296 : i32 to index
          %swap3A_415 = arith.index_cast %while3A_362 : i32 to index
          %swap3A_416 = arith.constant 208 : index
          %swap3A_417 = tpu.vector_load %arg9[%swap3A_414, %swap3A_415, %swap3A_416] {strides = array<i32>} : memref<3x64x512xf32, #tpu.memory_space<vmem>>, vector<16xf32>,
          tpu.vector_store %arg9[%swap3A_414, %swap3A_415, %swap3A_416], %broadcast_in_dim3A_36 {strides = array<i32>} : memref<3x64x512xf32, #tpu.memory_space<vmem>>, vector<16xf32>,
          %swap3A_418 = arith.index_cast %select_n3A_296 : i32 to index
          %swap3A_419 = arith.index_cast %while3A_362 : i32 to index
          %swap3A_420 = arith.constant 224 : index
          %swap3A_421 = tpu.vector_load %arg9[%swap3A_418, %swap3A_419, %swap3A_420] {strides = array<i32>} : memref<3x64x512xf32, #tpu.memory_space<vmem>>, vector<16xf32>,
          tpu.vector_store %arg9[%swap3A_418, %swap3A_419, %swap3A_420], %broadcast_in_dim3A_36 {strides = array<i32>} : memref<3x64x512xf32, #tpu.memory_space<vmem>>, vector<16xf32>,
          %swap3A_422 = arith.index_cast %select_n3A_296 : i32 to index
          %swap3A_423 = arith.index_cast %while3A_362 : i32 to index
          %swap3A_424 = arith.constant 240 : index
          %swap3A_425 = tpu.vector_load %arg9[%swap3A_422, %swap3A_423, %swap3A_424] {strides = array<i32>} : memref<3x64x512xf32, #tpu.memory_space<vmem>>, vector<16xf32>,
          tpu.vector_store %arg9[%swap3A_422, %swap3A_423, %swap3A_424], %broadcast_in_dim3A_36 {strides = array<i32>} : memref<3x64x512xf32, #tpu.memory_space<vmem>>, vector<16xf32>,
          %swap3A_426 = arith.index_cast %select_n3A_296 : i32 to index
          %swap3A_427 = arith.index_cast %while3A_362 : i32 to index
          %swap3A_428 = arith.constant 256 : index
          %swap3A_429 = tpu.vector_load %arg9[%swap3A_426, %swap3A_427, %swap3A_428] {strides = array<i32>} : memref<3x64x512xf32, #tpu.memory_space<vmem>>, vector<16xf32>,
          tpu.vector_store %arg9[%swap3A_426, %swap3A_427, %swap3A_428], %broadcast_in_dim3A_36 {strides = array<i32>} : memref<3x64x512xf32, #tpu.memory_space<vmem>>, vector<16xf32>,
          %swap3A_430 = arith.index_cast %select_n3A_296 : i32 to index
          %swap3A_431 = arith.index_cast %while3A_362 : i32 to index
          %swap3A_432 = arith.constant 272 : index
          %swap3A_433 = tpu.vector_load %arg9[%swap3A_430, %swap3A_431, %swap3A_432] {strides = array<i32>} : memref<3x64x512xf32, #tpu.memory_space<vmem>>, vector<16xf32>,
          tpu.vector_store %arg9[%swap3A_430, %swap3A_431, %swap3A_432], %broadcast_in_dim3A_36 {strides = array<i32>} : memref<3x64x512xf32, #tpu.memory_space<vmem>>, vector<16xf32>,
          %swap3A_434 = arith.index_cast %select_n3A_296 : i32 to index
          %swap3A_435 = arith.index_cast %while3A_362 : i32 to index
          %swap3A_436 = arith.constant 288 : index
          %swap3A_437 = tpu.vector_load %arg9[%swap3A_434, %swap3A_435, %swap3A_436] {strides = array<i32>} : memref<3x64x512xf32, #tpu.memory_space<vmem>>, vector<16xf32>,
          tpu.vector_store %arg9[%swap3A_434, %swap3A_435, %swap3A_436], %broadcast_in_dim3A_36 {strides = array<i32>} : memref<3x64x512xf32, #tpu.memory_space<vmem>>, vector<16xf32>,
          %swap3A_438 = arith.index_cast %select_n3A_296 : i32 to index
          %swap3A_439 = arith.index_cast %while3A_362 : i32 to index
          %swap3A_440 = arith.constant 304 : index
          %swap3A_441 = tpu.vector_load %arg9[%swap3A_438, %swap3A_439, %swap3A_440] {strides = array<i32>} : memref<3x64x512xf32, #tpu.memory_space<vmem>>, vector<16xf32>,
          tpu.vector_store %arg9[%swap3A_438, %swap3A_439, %swap3A_440], %broadcast_in_dim3A_36 {strides = array<i32>} : memref<3x64x512xf32, #tpu.memory_space<vmem>>, vector<16xf32>,
          %swap3A_442 = arith.index_cast %select_n3A_296 : i32 to index
          %swap3A_443 = arith.index_cast %while3A_362 : i32 to index
          %swap3A_444 = arith.constant 320 : index
          %swap3A_445 = tpu.vector_load %arg9[%swap3A_442, %swap3A_443, %swap3A_444] {strides = array<i32>} : memref<3x64x512xf32, #tpu.memory_space<vmem>>, vector<16xf32>,
          tpu.vector_store %arg9[%swap3A_442, %swap3A_443, %swap3A_444], %broadcast_in_dim3A_36 {strides = array<i32>} : memref<3x64x512xf32, #tpu.memory_space<vmem>>, vector<16xf32>,
          %swap3A_446 = arith.index_cast %select_n3A_296 : i32 to index
          %swap3A_447 = arith.index_cast %while3A_362 : i32 to index
          %swap3A_448 = arith.constant 336 : index
          %swap3A_449 = tpu.vector_load %arg9[%swap3A_446, %swap3A_447, %swap3A_448] {strides = array<i32>} : memref<3x64x512xf32, #tpu.memory_space<vmem>>, vector<16xf32>,
          tpu.vector_store %arg9[%swap3A_446, %swap3A_447, %swap3A_448], %broadcast_in_dim3A_36 {strides = array<i32>} : memref<3x64x512xf32, #tpu.memory_space<vmem>>, vector<16xf32>,
          %swap3A_450 = arith.index_cast %select_n3A_296 : i32 to index
          %swap3A_451 = arith.index_cast %while3A_362 : i32 to index
          %swap3A_452 = arith.constant 352 : index
          %swap3A_453 = tpu.vector_load %arg9[%swap3A_450, %swap3A_451, %swap3A_452] {strides = array<i32>} : memref<3x64x512xf32, #tpu.memory_space<vmem>>, vector<16xf32>,
          tpu.vector_store %arg9[%swap3A_450, %swap3A_451, %swap3A_452], %broadcast_in_dim3A_36 {strides = array<i32>} : memref<3x64x512xf32, #tpu.memory_space<vmem>>, vector<16xf32>,
          %swap3A_454 = arith.index_cast %select_n3A_296 : i32 to index
          %swap3A_455 = arith.index_cast %while3A_362 : i32 to index
          %swap3A_456 = arith.constant 368 : index
          %swap3A_457 = tpu.vector_load %arg9[%swap3A_454, %swap3A_455, %swap3A_456] {strides = array<i32>} : memref<3x64x512xf32, #tpu.memory_space<vmem>>, vector<16xf32>,
          tpu.vector_store %arg9[%swap3A_454, %swap3A_455, %swap3A_456], %broadcast_in_dim3A_36 {strides = array<i32>} : memref<3x64x512xf32, #tpu.memory_space<vmem>>, vector<16xf32>,
          %swap3A_458 = arith.index_cast %select_n3A_296 : i32 to index
          %swap3A_459 = arith.index_cast %while3A_362 : i32 to index
          %swap3A_460 = arith.constant 384 : index
          %swap3A_461 = tpu.vector_load %arg9[%swap3A_458, %swap3A_459, %swap3A_460] {strides = array<i32>} : memref<3x64x512xf32, #tpu.memory_space<vmem>>, vector<16xf32>,
          tpu.vector_store %arg9[%swap3A_458, %swap3A_459, %swap3A_460], %broadcast_in_dim3A_36 {strides = array<i32>} : memref<3x64x512xf32, #tpu.memory_space<vmem>>, vector<16xf32>,
          %swap3A_462 = arith.index_cast %select_n3A_296 : i32 to index
          %swap3A_463 = arith.index_cast %while3A_362 : i32 to index
          %swap3A_464 = arith.constant 400 : index
          %swap3A_465 = tpu.vector_load %arg9[%swap3A_462, %swap3A_463, %swap3A_464] {strides = array<i32>} : memref<3x64x512xf32, #tpu.memory_space<vmem>>, vector<16xf32>,
          tpu.vector_store %arg9[%swap3A_462, %swap3A_463, %swap3A_464], %broadcast_in_dim3A_36 {strides = array<i32>} : memref<3x64x512xf32, #tpu.memory_space<vmem>>, vector<16xf32>,
          %swap3A_466 = arith.index_cast %select_n3A_296 : i32 to index
          %swap3A_467 = arith.index_cast %while3A_362 : i32 to index
          %swap3A_468 = arith.constant 416 : index
          %swap3A_469 = tpu.vector_load %arg9[%swap3A_466, %swap3A_467, %swap3A_468] {strides = array<i32>} : memref<3x64x512xf32, #tpu.memory_space<vmem>>, vector<16xf32>,
          tpu.vector_store %arg9[%swap3A_466, %swap3A_467, %swap3A_468], %broadcast_in_dim3A_36 {strides = array<i32>} : memref<3x64x512xf32, #tpu.memory_space<vmem>>, vector<16xf32>,
          %swap3A_470 = arith.index_cast %select_n3A_296 : i32 to index
          %swap3A_471 = arith.index_cast %while3A_362 : i32 to index
          %swap3A_472 = arith.constant 432 : index
          %swap3A_473 = tpu.vector_load %arg9[%swap3A_470, %swap3A_471, %swap3A_472] {strides = array<i32>} : memref<3x64x512xf32, #tpu.memory_space<vmem>>, vector<16xf32>,
          tpu.vector_store %arg9[%swap3A_470, %swap3A_471, %swap3A_472], %broadcast_in_dim3A_36 {strides = array<i32>} : memref<3x64x512xf32, #tpu.memory_space<vmem>>, vector<16xf32>,
          %swap3A_474 = arith.index_cast %select_n3A_296 : i32 to index
          %swap3A_475 = arith.index_cast %while3A_362 : i32 to index
          %swap3A_476 = arith.constant 448 : index
          %swap3A_477 = tpu.vector_load %arg9[%swap3A_474, %swap3A_475, %swap3A_476] {strides = array<i32>} : memref<3x64x512xf32, #tpu.memory_space<vmem>>, vector<16xf32>,
          tpu.vector_store %arg9[%swap3A_474, %swap3A_475, %swap3A_476], %broadcast_in_dim3A_36 {strides = array<i32>} : memref<3x64x512xf32, #tpu.memory_space<vmem>>, vector<16xf32>,
          %swap3A_478 = arith.index_cast %select_n3A_296 : i32 to index
          %swap3A_479 = arith.index_cast %while3A_362 : i32 to index
          %swap3A_480 = arith.constant 464 : index
          %swap3A_481 = tpu.vector_load %arg9[%swap3A_478, %swap3A_479, %swap3A_480] {strides = array<i32>} : memref<3x64x512xf32, #tpu.memory_space<vmem>>, vector<16xf32>,
          tpu.vector_store %arg9[%swap3A_478, %swap3A_479, %swap3A_480], %broadcast_in_dim3A_36 {strides = array<i32>} : memref<3x64x512xf32, #tpu.memory_space<vmem>>, vector<16xf32>,
          %swap3A_482 = arith.index_cast %select_n3A_296 : i32 to index
          %swap3A_483 = arith.index_cast %while3A_362 : i32 to index
          %swap3A_484 = arith.constant 480 : index
          %swap3A_485 = tpu.vector_load %arg9[%swap3A_482, %swap3A_483, %swap3A_484] {strides = array<i32>} : memref<3x64x512xf32, #tpu.memory_space<vmem>>, vector<16xf32>,
          tpu.vector_store %arg9[%swap3A_482, %swap3A_483, %swap3A_484], %broadcast_in_dim3A_36 {strides = array<i32>} : memref<3x64x512xf32, #tpu.memory_space<vmem>>, vector<16xf32>,
          %swap3A_486 = arith.index_cast %select_n3A_296 : i32 to index
          %swap3A_487 = arith.index_cast %while3A_362 : i32 to index
          %swap3A_488 = arith.constant 496 : index
          %swap3A_489 = tpu.vector_load %arg9[%swap3A_486, %swap3A_487, %swap3A_488] {strides = array<i32>} : memref<3x64x512xf32, #tpu.memory_space<vmem>>, vector<16xf32>,
          tpu.vector_store %arg9[%swap3A_486, %swap3A_487, %swap3A_488], %broadcast_in_dim3A_36 {strides = array<i32>} : memref<3x64x512xf32, #tpu.memory_space<vmem>>, vector<16xf32>,
        }
      } else {
      }
      %add3A_335 = arith.addi %select_n3A_107, %while3A_280 : i32
      %mul3A_336 = arith.constant 64 : i32
      %mul3A_337 = arith.muli %add3A_335, %mul3A_336 : i32
      %add3A_338 = arith.addi %mul3A_33, %mul3A_337 : i32
      %dma_start3A = arith.constant 0 : i32
      %dma_start3A_339 = arith.constant 0 : i32
      %dma_start3A_340 = tpu.memref_slice %arg9[%select_n3A_296, %dma_start3A, %dma_start3A_339] : memref<3x64x512xf32, #tpu.memory_space<vmem>> -> memref<1x64x512xf32, #tpu.memory_space<vmem>>
      %dma_start3A_341 = tpu.memref_squeeze %dma_start3A_340 : memref<1x64x512xf32, #tpu.memory_space<vmem>> -> memref<64x512xf32, #tpu.memory_space<vmem>>
      %dma_start3A_342 = arith.constant 0 : i32
      %dma_start3A_343 = tpu.memref_slice %arg4[%add3A_338, %dma_start3A_342] : memref<32768x512xf32, #tpu.memory_space<hbm>> -> memref<64x512xf32, #tpu.memory_space<hbm>>
      %dma_start3A_344 = tpu.memref_slice %arg13[%select_n3A_296] : memref<3x!tpu.dma_semaphore, #tpu.memory_space<semaphore_mem>> -> memref<1x!tpu.dma_semaphore, #tpu.memory_space<semaphore_mem>>
      %dma_start3A_345 = tpu.memref_squeeze %dma_start3A_344 : memref<1x!tpu.dma_semaphore, #tpu.memory_space<semaphore_mem>> -> memref<!tpu.dma_semaphore, #tpu.memory_space<semaphore_mem>>
      %dma_start3A_346 = arith.constant 0 : i32
      %dma_start3A_347 = tpu.memref_slice %arg4[%add3A_338, %dma_start3A_346] : memref<32768x512xf32, #tpu.memory_space<hbm>> -> memref<64x512xf32, #tpu.memory_space<hbm>>
      %dma_start3A_348 = arith.constant 0 : i32
      %dma_start3A_349 = arith.constant 0 : i32
      %dma_start3A_350 = tpu.memref_slice %arg9[%select_n3A_296, %dma_start3A_348, %dma_start3A_349] : memref<3x64x512xf32, #tpu.memory_space<vmem>> -> memref<1x64x512xf32, #tpu.memory_space<vmem>>
      %dma_start3A_351 = tpu.memref_squeeze %dma_start3A_350 : memref<1x64x512xf32, #tpu.memory_space<vmem>> -> memref<64x512xf32, #tpu.memory_space<vmem>>
      tpu.enqueue_dma source(%dma_start3A_351 : memref<64x512xf32, #tpu.memory_space<vmem>>) target(%dma_start3A_347 : memref<64x512xf32, #tpu.memory_space<hbm>>) target_semaphore(%dma_start3A_345 : memref<!tpu.dma_semaphore, #tpu.memory_space<semaphore_mem>>)
    }
    %sub3A_252 = arith.constant 3 : i32
    %sub3A_253 = arith.subi %sub3A_135, %sub3A_252 : i32
    %max3A = arith.constant 0 : i32
    %max3A_254 = arith.maxsi %sub3A_253, %max3A : i32
    %while3A_255 = arith.constant 0 : i32
    %while3A_256 = arith.subi %sub3A_135, %max3A_254 : i32
    %while3A_257 = arith.addi %max3A_254, %while3A_256 : i32
    %while3A_258 = arith.constant 1 : i32
    %while3A_259 = arith.divsi %while3A_256, %while3A_258 : i32
    %while3A_260 = arith.muli %while3A_259, %while3A_258 : i32
    %while3A_261 = arith.addi %max3A_254, %while3A_260 : i32
    %while3A_262 = arith.constant 1 : i32
    scf.for %while3A_280 = %max3A_254 to %while3A_261 step %while3A_262  : i32 {
      %jit3A_281 = arith.constant 3 : i32
      %eq3A_282 = arith.constant 0 : i32
      %eq3A_283 = arith.cmpi eq, %jit3A_281, %eq3A_282 : i32
      %jit3A_284 = arith.constant 1 : i32
      %select_n3A_285 = arith.select %eq3A_283, %jit3A_284, %jit3A_281 : i32
      %rem3A_286 = arith.remsi %while3A_280, %select_n3A_285 : i32
      %ne3A_287 = arith.constant 0 : i32
      %ne3A_288 = arith.cmpi ne, %rem3A_286, %ne3A_287 : i32
      %lt3A_289 = arith.constant 0 : i32
      %lt3A_290 = arith.cmpi slt, %rem3A_286, %lt3A_289 : i32
      %lt3A_291 = arith.constant 0 : i32
      %lt3A_292 = arith.cmpi slt, %select_n3A_285, %lt3A_291 : i32
      %ne3A_293 = arith.xori %lt3A_290, %lt3A_292 : i1
      %and3A_294 = arith.andi %ne3A_293, %ne3A_288 : i1
      %add3A_295 = arith.addi %rem3A_286, %select_n3A_285 : i32
      %select_n3A_296 = arith.select %and3A_294, %add3A_295, %rem3A_286 : i32
      %jit3A_297 = arith.constant 3 : i32
      %eq3A_298 = arith.constant 0 : i32
      %eq3A_299 = arith.cmpi eq, %jit3A_297, %eq3A_298 : i32
      %jit3A_300 = arith.constant 1 : i32
      %select_n3A_301 = arith.select %eq3A_299, %jit3A_300, %jit3A_297 : i32
      %rem3A_302 = arith.remsi %while3A_280, %select_n3A_301 : i32
      %ne3A_303 = arith.constant 0 : i32
      %ne3A_304 = arith.cmpi ne, %rem3A_302, %ne3A_303 : i32
      %lt3A_305 = arith.constant 0 : i32
      %lt3A_306 = arith.cmpi slt, %rem3A_302, %lt3A_305 : i32
      %lt3A_307 = arith.constant 0 : i32
      %lt3A_308 = arith.cmpi slt, %select_n3A_301, %lt3A_307 : i32
      %ne3A_309 = arith.xori %lt3A_306, %lt3A_308 : i1
      %and3A_310 = arith.andi %ne3A_309, %ne3A_304 : i1
      %add3A_311 = arith.addi %rem3A_302, %select_n3A_301 : i32
      %select_n3A_312 = arith.select %and3A_310, %add3A_311, %rem3A_302 : i32
      %dma_wait3A = arith.constant 0 : i32
      %dma_wait3A_313 = arith.constant 0 : i32
      %dma_wait3A_314 = tpu.memref_slice %arg9[%select_n3A_296, %dma_wait3A, %dma_wait3A_313] : memref<3x64x512xf32, #tpu.memory_space<vmem>> -> memref<1x64x512xf32, #tpu.memory_space<vmem>>
      %dma_wait3A_315 = tpu.memref_squeeze %dma_wait3A_314 : memref<1x64x512xf32, #tpu.memory_space<vmem>> -> memref<64x512xf32, #tpu.memory_space<vmem>>
      %dma_wait3A_316 = arith.constant 0 : i32
      %dma_wait3A_317 = tpu.memref_slice %arg4[%mul3A_33, %dma_wait3A_316] : memref<32768x512xf32, #tpu.memory_space<hbm>> -> memref<64x512xf32, #tpu.memory_space<hbm>>
      %dma_wait3A_318 = tpu.memref_slice %arg13[%select_n3A_312] : memref<3x!tpu.dma_semaphore, #tpu.memory_space<semaphore_mem>> -> memref<1x!tpu.dma_semaphore, #tpu.memory_space<semaphore_mem>>
      %dma_wait3A_319 = tpu.memref_squeeze %dma_wait3A_318 : memref<1x!tpu.dma_semaphore, #tpu.memory_space<semaphore_mem>> -> memref<!tpu.dma_semaphore, #tpu.memory_space<semaphore_mem>>
      %dma_wait3A_320 = arith.constant 0 : i32
      %dma_wait3A_321 = tpu.memref_slice %arg4[%mul3A_33, %dma_wait3A_320] : memref<32768x512xf32, #tpu.memory_space<hbm>> -> memref<64x512xf32, #tpu.memory_space<hbm>>
      %dma_wait3A_322 = arith.constant 0 : i32
      %dma_wait3A_323 = arith.constant 0 : i32
      %dma_wait3A_324 = tpu.memref_slice %arg9[%select_n3A_296, %dma_wait3A_322, %dma_wait3A_323] : memref<3x64x512xf32, #tpu.memory_space<vmem>> -> memref<1x64x512xf32, #tpu.memory_space<vmem>>
      %dma_wait3A_325 = tpu.memref_squeeze %dma_wait3A_324 : memref<1x64x512xf32, #tpu.memory_space<vmem>> -> memref<64x512xf32, #tpu.memory_space<vmem>>
      tpu.wait_dma2 semaphore(%dma_wait3A_319 : memref<!tpu.dma_semaphore, #tpu.memory_space<semaphore_mem>>) src(%dma_wait3A_325 : memref<64x512xf32, #tpu.memory_space<vmem>>) dst(%dma_wait3A_321 : memref<64x512xf32, #tpu.memory_space<hbm>>)
    }
    %while3A_263 = arith.constant 1 : i32
    scf.for %while3A_280 = %while3A_261 to %while3A_257 step %while3A_263  : i32 {
      %jit3A_281 = arith.constant 3 : i32
      %eq3A_282 = arith.constant 0 : i32
      %eq3A_283 = arith.cmpi eq, %jit3A_281, %eq3A_282 : i32
      %jit3A_284 = arith.constant 1 : i32
      %select_n3A_285 = arith.select %eq3A_283, %jit3A_284, %jit3A_281 : i32
      %rem3A_286 = arith.remsi %while3A_280, %select_n3A_285 : i32
      %ne3A_287 = arith.constant 0 : i32
      %ne3A_288 = arith.cmpi ne, %rem3A_286, %ne3A_287 : i32
      %lt3A_289 = arith.constant 0 : i32
      %lt3A_290 = arith.cmpi slt, %rem3A_286, %lt3A_289 : i32
      %lt3A_291 = arith.constant 0 : i32
      %lt3A_292 = arith.cmpi slt, %select_n3A_285, %lt3A_291 : i32
      %ne3A_293 = arith.xori %lt3A_290, %lt3A_292 : i1
      %and3A_294 = arith.andi %ne3A_293, %ne3A_288 : i1
      %add3A_295 = arith.addi %rem3A_286, %select_n3A_285 : i32
      %select_n3A_296 = arith.select %and3A_294, %add3A_295, %rem3A_286 : i32
      %jit3A_297 = arith.constant 3 : i32
      %eq3A_298 = arith.constant 0 : i32
      %eq3A_299 = arith.cmpi eq, %jit3A_297, %eq3A_298 : i32
      %jit3A_300 = arith.constant 1 : i32
      %select_n3A_301 = arith.select %eq3A_299, %jit3A_300, %jit3A_297 : i32
      %rem3A_302 = arith.remsi %while3A_280, %select_n3A_301 : i32
      %ne3A_303 = arith.constant 0 : i32
      %ne3A_304 = arith.cmpi ne, %rem3A_302, %ne3A_303 : i32
      %lt3A_305 = arith.constant 0 : i32
      %lt3A_306 = arith.cmpi slt, %rem3A_302, %lt3A_305 : i32
      %lt3A_307 = arith.constant 0 : i32
      %lt3A_308 = arith.cmpi slt, %select_n3A_301, %lt3A_307 : i32
      %ne3A_309 = arith.xori %lt3A_306, %lt3A_308 : i1
      %and3A_310 = arith.andi %ne3A_309, %ne3A_304 : i1
      %add3A_311 = arith.addi %rem3A_302, %select_n3A_301 : i32
      %select_n3A_312 = arith.select %and3A_310, %add3A_311, %rem3A_302 : i32
      %dma_wait3A = arith.constant 0 : i32
      %dma_wait3A_313 = arith.constant 0 : i32
      %dma_wait3A_314 = tpu.memref_slice %arg9[%select_n3A_296, %dma_wait3A, %dma_wait3A_313] : memref<3x64x512xf32, #tpu.memory_space<vmem>> -> memref<1x64x512xf32, #tpu.memory_space<vmem>>
      %dma_wait3A_315 = tpu.memref_squeeze %dma_wait3A_314 : memref<1x64x512xf32, #tpu.memory_space<vmem>> -> memref<64x512xf32, #tpu.memory_space<vmem>>
      %dma_wait3A_316 = arith.constant 0 : i32
      %dma_wait3A_317 = tpu.memref_slice %arg4[%mul3A_33, %dma_wait3A_316] : memref<32768x512xf32, #tpu.memory_space<hbm>> -> memref<64x512xf32, #tpu.memory_space<hbm>>
      %dma_wait3A_318 = tpu.memref_slice %arg13[%select_n3A_312] : memref<3x!tpu.dma_semaphore, #tpu.memory_space<semaphore_mem>> -> memref<1x!tpu.dma_semaphore, #tpu.memory_space<semaphore_mem>>
      %dma_wait3A_319 = tpu.memref_squeeze %dma_wait3A_318 : memref<1x!tpu.dma_semaphore, #tpu.memory_space<semaphore_mem>> -> memref<!tpu.dma_semaphore, #tpu.memory_space<semaphore_mem>>
      %dma_wait3A_320 = arith.constant 0 : i32
      %dma_wait3A_321 = tpu.memref_slice %arg4[%mul3A_33, %dma_wait3A_320] : memref<32768x512xf32, #tpu.memory_space<hbm>> -> memref<64x512xf32, #tpu.memory_space<hbm>>
      %dma_wait3A_322 = arith.constant 0 : i32
      %dma_wait3A_323 = arith.constant 0 : i32
      %dma_wait3A_324 = tpu.memref_slice %arg9[%select_n3A_296, %dma_wait3A_322, %dma_wait3A_323] : memref<3x64x512xf32, #tpu.memory_space<vmem>> -> memref<1x64x512xf32, #tpu.memory_space<vmem>>
      %dma_wait3A_325 = tpu.memref_squeeze %dma_wait3A_324 : memref<1x64x512xf32, #tpu.memory_space<vmem>> -> memref<64x512xf32, #tpu.memory_space<vmem>>
      tpu.wait_dma2 semaphore(%dma_wait3A_319 : memref<!tpu.dma_semaphore, #tpu.memory_space<semaphore_mem>>) src(%dma_wait3A_325 : memref<64x512xf32, #tpu.memory_space<vmem>>) dst(%dma_wait3A_321 : memref<64x512xf32, #tpu.memory_space<hbm>>)
    }
    %sub3A_264 = arith.subi %add3A_189, %add3A_161 : i32
    %mul3A_265 = arith.constant 4 : i32
    %mul3A_266 = arith.muli %sub3A_264, %mul3A_265 : i32
    %while3A_267 = arith.constant 0 : i32
    %while3A_268 = arith.constant 0 : i32
    %while3A_269 = arith.subi %mul3A_266, %while3A_268 : i32
    %while3A_270 = arith.addi %while3A_268, %while3A_269 : i32
    %while3A_271 = arith.constant 1 : i32
    %while3A_272 = arith.divsi %while3A_269, %while3A_271 : i32
    %while3A_273 = arith.muli %while3A_272, %while3A_271 : i32
    %while3A_274 = arith.addi %while3A_268, %while3A_273 : i32
    %while3A_275 = arith.constant 1 : i32
    scf.for %while3A_280 = %while3A_268 to %while3A_274 step %while3A_275  : i32 {
      %dma_wait3A = arith.constant 0 : i32
      %dma_wait3A_281 = tpu.memref_slice %arg4[%mul3A_33, %dma_wait3A] : memref<32768x512xf32, #tpu.memory_space<hbm>> -> memref<16x512xf32, #tpu.memory_space<hbm>>
      %dma_wait3A_282 = arith.constant 0 : i32
      %dma_wait3A_283 = tpu.memref_slice %arg4[%mul3A_33, %dma_wait3A_282] : memref<32768x512xf32, #tpu.memory_space<hbm>> -> memref<16x512xf32, #tpu.memory_space<hbm>>
      tpu.wait_dma2 semaphore(%arg14 : memref<!tpu.dma_semaphore, #tpu.memory_space<semaphore_mem>>) src(%arg10 : memref<16x512xf32, #tpu.memory_space<vmem>>) dst(%dma_wait3A_283 : memref<16x512xf32, #tpu.memory_space<hbm>>)
    }
    %while3A_276 = arith.constant 1 : i32
    scf.for %while3A_280 = %while3A_274 to %while3A_270 step %while3A_276  : i32 {
      %dma_wait3A = arith.constant 0 : i32
      %dma_wait3A_281 = tpu.memref_slice %arg4[%mul3A_33, %dma_wait3A] : memref<32768x512xf32, #tpu.memory_space<hbm>> -> memref<16x512xf32, #tpu.memory_space<hbm>>
      %dma_wait3A_282 = arith.constant 0 : i32
      %dma_wait3A_283 = tpu.memref_slice %arg4[%mul3A_33, %dma_wait3A_282] : memref<32768x512xf32, #tpu.memory_space<hbm>> -> memref<16x512xf32, #tpu.memory_space<hbm>>
      tpu.wait_dma2 semaphore(%arg14 : memref<!tpu.dma_semaphore, #tpu.memory_space<semaphore_mem>>) src(%arg10 : memref<16x512xf32, #tpu.memory_space<vmem>>) dst(%dma_wait3A_283 : memref<16x512xf32, #tpu.memory_space<hbm>>)
    }
    %eq3A_277 = arith.constant 0 : i32
    %eq3A_278 = arith.cmpi eq, %select_n3A_31, %eq3A_277 : i32
    %convert_element_type3A = arith.extui %eq3A_278 : i1 to i32
    %cond3A = arith.constant 0 : i32
    %cond3A_279 = arith.cmpi ne, %convert_element_type3A, %cond3A : i32
    scf.if %cond3A_279 {
      %broadcast_in_dim3A_280 = vector.broadcast %scan3A_53 : i32 to vector<16xi32>
      %swap3A = arith.constant 0 : index
      %swap3A_281 = tpu.vector_load %arg11[%swap3A] {strides = array<i32>} : memref<16xi32, #tpu.memory_space<vmem>>, vector<16xi32>,
      tpu.vector_store %arg11[%swap3A], %broadcast_in_dim3A_280 {strides = array<i32>} : memref<16xi32, #tpu.memory_space<vmem>>, vector<16xi32>,
      "tpu.region"() ({
        %run_scoped3A = tpu.sem_alloc : memref<!tpu.dma_semaphore, #tpu.memory_space<semaphore_mem>>
        %dma_start3A = arith.constant 0 : i32
        %dma_start3A_282 = tpu.memref_slice %arg5[%select_n3A, %dma_start3A] : memref<8x16xi32, #tpu.memory_space<hbm>> -> memref<1x16xi32, #tpu.memory_space<hbm>>
        %dma_start3A_283 = tpu.memref_squeeze %dma_start3A_282 : memref<1x16xi32, #tpu.memory_space<hbm>> -> memref<16xi32, #tpu.memory_space<hbm>>
        %dma_start3A_284 = arith.constant 0 : i32
        %dma_start3A_285 = tpu.memref_slice %arg5[%select_n3A, %dma_start3A_284] : memref<8x16xi32, #tpu.memory_space<hbm>> -> memref<1x16xi32, #tpu.memory_space<hbm>>
        %dma_start3A_286 = tpu.memref_squeeze %dma_start3A_285 : memref<1x16xi32, #tpu.memory_space<hbm>> -> memref<16xi32, #tpu.memory_space<hbm>>
        tpu.enqueue_dma source(%arg11 : memref<16xi32, #tpu.memory_space<vmem>>) target(%dma_start3A_286 : memref<16xi32, #tpu.memory_space<hbm>>) target_semaphore(%run_scoped3A : memref<!tpu.dma_semaphore, #tpu.memory_space<semaphore_mem>>)
        %dma_wait3A = arith.constant 0 : i32
        %dma_wait3A_287 = tpu.memref_slice %arg5[%select_n3A, %dma_wait3A] : memref<8x16xi32, #tpu.memory_space<hbm>> -> memref<1x16xi32, #tpu.memory_space<hbm>>
        %dma_wait3A_288 = tpu.memref_squeeze %dma_wait3A_287 : memref<1x16xi32, #tpu.memory_space<hbm>> -> memref<16xi32, #tpu.memory_space<hbm>>
        %dma_wait3A_289 = arith.constant 0 : i32
        %dma_wait3A_290 = tpu.memref_slice %arg5[%select_n3A, %dma_wait3A_289] : memref<8x16xi32, #tpu.memory_space<hbm>> -> memref<1x16xi32, #tpu.memory_space<hbm>>
        %dma_wait3A_291 = tpu.memref_squeeze %dma_wait3A_290 : memref<1x16xi32, #tpu.memory_space<hbm>> -> memref<16xi32, #tpu.memory_space<hbm>>
        tpu.wait_dma2 semaphore(%run_scoped3A : memref<!tpu.dma_semaphore, #tpu.memory_space<semaphore_mem>>) src(%arg11 : memref<16xi32, #tpu.memory_space<vmem>>) dst(%dma_wait3A_291 : memref<16xi32, #tpu.memory_space<hbm>>)
        tpu.yield
      }) : () -> ()
    } else {
    }
    return
  }
}

</mosaic_0001>

<sc_bundles>
// kernel: kernel.3.cloned.1.call-start
scs
__scs_entry_jumppad:
0x0: {  	(pc) =	sbr.rel $0x88, $3  }
0x1: {  	(tag) =	ssettag $0x0;
	lr =	simm.s32 $0x1  }
0x2: {  	[smem:$0x3F9F] =	sst lr;
	_ =	strace $0xD0000000  }
0x3: {  	_ = 	snop  }
0x4: {  	_ = 	snop  }
0x5: {  	_ = 	snop  }
0x6: {  	_ = 	snop  }
0x7: {  	_ = 	snop  }
__scs_overlays_trampoline_lowered:
0x8: {  	[smem:$0x3FAE] =	sst s0  }
0x9: {  	[smem:$0x3FAF] =	sst s1  }
0xa: {  	[smem:$0x3FB0] =	sst s2  }
0xb: {  	[smem:$0x3FB1] =	sst s3  }
0xc: {  	[smem:$0x3FB2] =	sst s4  }
0xd: {  	[smem:$0x3FB3] =	sst s5  }
0xe: {  	[smem:$0x3FB4] =	sst s6  }
0xf: {  	[smem:$0x3FB5] =	sst s7  }
0x10: {  	[smem:$0x3FB6] =	sst s8  }
0x11: {  	[smem:$0x3FB7] =	sst s9;
	s0 =	simm.s32 @!p0 $0x0  }
0x12: {  	s1 =	sld [smem:$0x3F9D];
	s0 =	simm.s32 @p0 $0x1  }
0x13: {  	[smem:$0x3FB8] =	sst s0;
	s0 =	simm.s32 @!p1 $0x0  }
0x14: {  	s2 =	sld [smem:$0x3F9C];
	s0 =	simm.s32 @p1 $0x1  }
0x15: {  	[smem:$0x3FB9] =	sst s0;
	s0 =	simm.s32 @!p2 $0x0  }
0x16: {  	s3 =	sld [smem:$0x3FDB];
	s0 =	simm.s32 @p2 $0x1  }
0x17: {  	s4 =	simm.s32 $0x1BF5;
	[smem:$0x3FBB] =	sst s0  }
0x18: {  	s0 =	sld [smem:$0x3F9E];
	_ =	swait.ge [sflag:s4], $0x0  }
0x19: {  	s7 =	sld [smem:$0x3F9F]  }
0x1a: {  	s8 =	sadd.s32 $0xFFFFE003, lr  }
0x1b: {  	s9 =	sadd.s32 $0xFFFFFEF7, lr;
	s5 =	simm.s32 $0xFFFFFFFF;
	p2 =	slt.u32 s8, $0xFFFFF086  }
0x1c: {  	p1 =	slt.u32 s9, $0xF7A;
	s5 =	simm.s32 @!p2 $0x0  }
0x1d: {  	s5 =	simm.s32 @p1 $0x1;
	p0 =	seq.s32 s7, s2  }
0x1e: {  	s7 =	smul.u32 @!p0 $0xF7A, s2;
	p2 =	seq.s32 @!p0 s5, $0x0  }
0x1f: {  	s9 =	smul.u32 $0xF7A, s1;
	s8 =	simm.s32 @!p0 $0x1BF5;
	p2 =	por !p2, p0  }
0x20: {  	[sflag:s8] =	ssyncset.s32 @!p0 $0xFFFFF086;
	s6 =	sadd.s32 @!p0 s3, s7;
	s7 =	simm.s32 @!p0 $0x108  }
0x21: {  	s3 =	sadd.s32 s3, s9;
	s6 =	sadd.s32 @!p0 $0x88, s6;
	s7 =	simm.s32 @p2 $0x1082  }
0x22: {  	[simem:s7], [sflag:s8] =	dma.local @!p0 [hbm:s6], $0xF7A  }
0x23: {  	s9 =	sor.u32 $0xD0000000, s2;
	s6 =	simm.s32 $0x108;
	_ =	swait.ge @!p0 [sflag:s8], $0x0  }
0x24: {  	s3 =	sadd.s32 $0x88, s3;
	s6 =	simm.s32 @!p1 $0x1082;
	[sflag:s4] =	ssyncset.s32 $0xFFFFF086  }
0x25: {  	[simem:s6], [sflag:s4] =	dma.local [hbm:s3], $0xF7A  }
0x26: {  	[smem:$0x3F9F] =	sst s1;
	(tag) =	ssettag s2;
	_ =	strace s9  }
0x27: {  	s1 =	sld [smem:$0x3FAF]  }
0x28: {  	s2 =	sld [smem:$0x3FB0]  }
0x29: {  	s4 =	sld [smem:$0x3FB2]  }
0x2a: {  	p0 =	seq.s32 s5, $0x0;
	s5 =	sld [smem:$0x3FB3]  }
0x2b: {  	s6 =	sld [smem:$0x3FB4]  }
0x2c: {  	s7 =	sld [smem:$0x3FB5]  }
0x2d: {  	s3 =	simm.s32 $0x108;
	s8 =	sld [smem:$0x3FB6]  }
0x2e: {  	s3 =	simm.s32 @!p0 $0x1082;
	s9 =	sld [smem:$0x3FB7]  }
0x2f: {  	lr =	sadd.s32 s0, s3;
	s0 =	sld [smem:$0x3FAE]  }
0x30: {  	s3 =	sld [smem:$0x3FB1]  }
0x31: {  	[smem:$0x3FBA] =	sst s10  }
0x32: {  	s10 =	sld [smem:$0x3FB8];
	_ =	sdelay $0x3  }
0x33: {  	p0 =	seq.s32 s10, $0x1;
	s10 =	sld [smem:$0x3FBA];
	_ =	sdelay $0x3  }
0x34: {  	[smem:$0x3FBA] =	sst s10  }
0x35: {  	s10 =	sld [smem:$0x3FB9];
	_ =	sdelay $0x3  }
0x36: {  	p1 =	seq.s32 s10, $0x1;
	s10 =	sld [smem:$0x3FBA];
	_ =	sdelay $0x3  }
0x37: {  	[smem:$0x3FBA] =	sst s10  }
0x38: {  	s10 =	sld [smem:$0x3FBB]  }
0x39: {  	_ = 	snop;
	(pc) =	sbr.ind lr, $3  }
0x3a: {  	_ = 	snop  }
0x3b: {  	_ = 	snop  }
0x3c: {  	p2 =	seq.s32 s10, $0x1;
	s10 =	sld [smem:$0x3FBA]  }
0x3d: {  	_ =	shalt  }
0x3e: {  	_ =	shalt  }
0x3f: {  	_ =	shalt  }
0x40: {  	_ =	shalt  }
0x41: {  	_ =	shalt  }
0x42: {  	_ =	shalt  }
0x43: {  	_ =	shalt  }
0x44: {  	_ =	shalt  }
0x45: {  	_ =	shalt  }
0x46: {  	_ =	shalt  }
0x47: {  	_ =	shalt  }
0x48: {  	_ =	shalt  }
0x49: {  	_ =	shalt  }
0x4a: {  	_ =	shalt  }
0x4b: {  	_ =	shalt  }
0x4c: {  	_ =	shalt  }
0x4d: {  	_ =	shalt  }
0x4e: {  	_ =	shalt  }
0x4f: {  	_ =	shalt  }
0x50: {  	_ =	shalt  }
0x51: {  	_ =	shalt  }
0x52: {  	_ =	shalt  }
0x53: {  	_ =	shalt  }
0x54: {  	_ =	shalt  }
0x55: {  	_ =	shalt  }
0x56: {  	_ =	shalt  }
0x57: {  	_ =	shalt  }
0x58: {  	_ =	shalt  }
0x59: {  	_ =	shalt  }
0x5a: {  	_ =	shalt  }
0x5b: {  	_ =	shalt  }
0x5c: {  	_ =	shalt  }
0x5d: {  	_ =	shalt  }
0x5e: {  	_ =	shalt  }
0x5f: {  	_ =	shalt  }
0x60: {  	_ =	shalt  }
0x61: {  	_ =	shalt  }
0x62: {  	_ =	shalt  }
0x63: {  	_ =	shalt  }
0x64: {  	_ =	shalt  }
0x65: {  	_ =	shalt  }
0x66: {  	_ =	shalt  }
0x67: {  	_ =	shalt  }
0x68: {  	_ =	shalt  }
0x69: {  	_ =	shalt  }
0x6a: {  	_ =	shalt  }
0x6b: {  	_ =	shalt  }
0x6c: {  	_ =	shalt  }
0x6d: {  	_ =	shalt  }
0x6e: {  	_ =	shalt  }
0x6f: {  	_ =	shalt  }
0x70: {  	_ =	shalt  }
0x71: {  	_ =	shalt  }
0x72: {  	_ =	shalt  }
0x73: {  	_ =	shalt  }
0x74: {  	_ =	shalt  }
0x75: {  	_ =	shalt  }
0x76: {  	_ =	shalt  }
0x77: {  	_ =	shalt  }
0x78: {  	_ =	shalt  }
0x79: {  	_ =	shalt  }
0x7a: {  	_ =	shalt  }
0x7b: {  	_ =	shalt  }
0x7c: {  	_ =	shalt  }
0x7d: {  	_ =	shalt  }
0x7e: {  	_ =	shalt  }
0x7f: {  	_ =	shalt  }
0x80: {  	_ =	shalt  }
0x81: {  	_ =	shalt  }
0x82: {  	_ =	shalt  }
0x83: {  	_ =	shalt  }
0x84: {  	_ =	shalt  }
0x85: {  	_ =	shalt  }
0x86: {  	_ =	shalt  }
0x87: {  	_ =	shalt  }
.Lfunc_end0:
.L_simem_size_0:
called_computation_lowered:
.L_overlay_start_0:
0x88: {  	s2 =	sld [smem:$0x3FD9]  }
0x89: {  	s3 =	sld [smem:$0x3FFE];
	_ =	sdelay $0x1  }
0x8a: {  	s1 =	srdreg.scid  }
0x8b: {  	s0 =	sand.u32 $0x1, s1  }
0x8c: {  	s14 =	sshll.u32 s0, $0xA;
	s2 =	sadd.s32 s3, s2  }
0x8d: {  	s2 =	sadd.s32 s2, s14  }
0x8e: {  	[smem:$0x3FC6] =	sst s2  }
0x8f: {  	_ = 	snop  }
0x90: {  	s2 =	sld [smem:$0x3FD0];
	_ =	sdelay $0x1  }
0x91: {  	s15 =	sld [smem:$0x3FC9]  }
0x92: {  	s5 =	simm.s32 $0xA;
	s6 =	simm.s32 $0x10;
	s4 =	sld [smem:$0x3FC8]  }
0x93: {  	[smem:s6], [sflag:s5] =	dma.local [hbm:s2], $0x1  }
0x94: {  	_ =	swait.eq [sflag:s5], $0x1  }
0x95: {  	[sflag:s5] =	ssyncset.done $0x0  }
0x96: {  	[sflag:s5] =	ssyncadd.s32 $0xFFFFFFFF  }
0x97: {  	s16 =	sld [smem:$0x10];
	(tm) =	ssettm $0x1  }
0x98: {  	s17 =	sld [smem:$0x3FFB];
	_ =	sdelay $0x3  }
0x99: {  	_ =	strace s17  }
0x9a: {  	s5 =	sld [smem:$0x3FFC];
	_ =	sdelay $0x3  }
0x9b: {  	_ =	strace s5  }
0x9c: {  	s5 =	sld [smem:$0x3FFD];
	_ =	sdelay $0x3  }
0x9d: {  	_ =	strace s5  }
0x9e: {  	_ =	strace $0x8FFFFFFF  }
0x9f: {  	s18 =	sld [smem:$0x3FDB];
	_ =	sdelay $0x1  }
0xa0: {  	s19 =	simm.s32 $_scs_section_size  }
0xa1: {  	s7 =	simm.s32 $_size__tile_overlayer_lowered;
	s8 =	simm.s32 $_tile_overlayer_lowered  }
0xa2: {  	s22 =	simm.s32 $0x1BFF;
	s21 =	sshll.u32 s8, $0x1;
	s5 =	sadd.s32 s19, s18  }
0xa3: {  	s9 =	simm.s32 $0x0;
	s20 =	sshll.u32 s7, $0x1;
	s7 =	sadd.s32 s21, s5  }
0xa4: {  	[timem:s9], [sflag:s22] =	dma.local [hbm:s7], s20  }
0xa5: {  	_ =	swait.ge [sflag:s22], s20  }
0xa6: {  	s6 =	ssub.s32 $0x0, s20;
	[sflag:s22] =	ssyncset.done $0x0  }
0xa7: {  	[sflag:s22] =	ssyncadd.s32 s6;
	_ =	sdelay $0x1  }
0xa8: {  	s23 =	simm.s32 $0x1B8B  }
0xa9: {  	_ =	swait.ge [sflag:s23], $0x1  }
0xaa: {  	[sflag:s23] =	ssyncset.done $0x0  }
0xab: {  	s25 =	simm.s32 $0x1B8E;
	s24 =	sld [smem:$0x3FFE];
	[sflag:s23] =	ssyncadd.s32 $0xFFFFFFFF  }
0xac: {  	s26 =	simm.s32 $execute0_lowered;
	[smem:$0x3FD2] =	sst s25  }
0xad: {  	s7 =	sshll.u32 s26, $0x1;
	_ =	strace $0x80000046;
	[dreg:$0x1] =	wrdreg $0xFFFFFFFF  }
0xae: {  	s28 =	simm.s32 $_size_execute0_lowered;
	s5 =	sadd.s32 s5, s7;
	[dreg:$0x0] =	wrdreg $0x0  }
0xaf: {  	s7 =	sshll.u32 s28, $0x1;
	[dreg:$0x2] =	wrdreg s5  }
0xb0: {  	[dreg:$0x3] =	wrdreg s7  }
0xb1: {  	[dreg:$0x4] =	wrdreg $0xC0  }
0xb2: {  	_ =	task [dreg:s9], $0x5FFFF  }
0xb3: {  	[dreg:$0x1] =	wrdreg $0xFFFFFFFF  }
0xb4: {  	[dreg:$0x0] =	wrdreg $0x60  }
0xb5: {  	[dreg:$0x2] =	wrdreg s15  }
0xb6: {  	[dreg:$0x3] =	wrdreg s4  }
0xb7: {  	[dreg:$0x4] =	wrdreg s16  }
0xb8: {  	[dreg:$0x5] =	wrdreg s24  }
0xb9: {  	[dreg:$0x6] =	wrdreg $0x9  }
0xba: {  	_ =	task.clear_ibuf [dreg:s9], $0x7FFFF;
	_ =	strace $0x90000046  }
0xbb: {  	s29 =	simm.s32 $0x9;
	_ =	strace $0x80000048  }
0xbc: {  	_ =	swait.ge [sflag:s29], $0x1  }
0xbd: {  	[sflag:s29] =	ssyncadd.s32 $0xFFFFFFFF  }
0xbe: {  	_ =	strace $0x90000048  }
0xbf: {  	_ =	sfence  }
0xc0: {  	s30 =	sld [smem:$0x0];
	_ =	sdelay $0x2  }
0xc1: {  	s31 =	sshll.u32 s1, $0xD;
	s1 =	sshrl.u32 s1, $0x2  }
0xc2: {  	s3 =	sand.u32 $0x4000, s31;
	s1 =	sadd.s32 s1, s30  }
0xc3: {  	s0 =	sor.u32 s3, s0;
	s1 =	sshll.u32 s1, $0x11  }
0xc4: {  	s0 =	sor.u32 s1, s0  }
0xc5: {  	s0 =	sadd.s32 $0x8F2B, s0  }
0xc6: {  	[sflag:s0] =	ssyncadd.remote.s32 $0x1  }
0xc7: {  	_ =	sfence.sel $0xFFFF  }
0xc8: {  	[dreg:$0x0] =	wrdreg $0xFFFFFFFF;
	(pc) =	sbr.abs _section_cstart, $3  }
0xc9: {  	[dreg:$0x1] =	wrdreg $0xFFFFFFFF  }
0xca: {  	_ =	task.clear_ibuf [dreg:s9], $0x2FFFF;
	_ =	strace $0x9FFFFFFF  }
0xcb: {  	(tm) =	ssettm $0x7FFFFFFF  }
tec
execute0_lowered:
.L_overlay_start_1:
0x0: {  	(tag) =	ssettag $0x1  }
0x1: {  	s1 =	rddreg [dreg:$0x0]  }
0x2: {  	s0 =	rddreg [dreg:$0x1]  }
0x3: {  	s2 =	rddreg [dreg:$0x2]  }
0x4: {  	s3 =	rddreg [dreg:$0x3];
	s4 =	simm.s32 $0x0;
	s7 =	stileid.u32  }
0x5: {  	s5 =	srdreg.scid;
	s18 =	simm.s32 $0x8;
	s19 =	simm.s32 $0x200  }
0x6: {  	s20 =	simm.s32 $0x19600;
	s21 =	simm.s32 $0x7;
	s22 =	simm.s32 $0x0  }
0x7: {  	[smem:$0x7FF] =	sst s4;
	s6 =	sshrl.u32 s7, $0x1;
	s5 =	sand.u32 $0x1, s5  }
0x8: {  	s7 =	sshll.u32 s7, $0x1;
	s10 =	sadd.s32 $0x800, s2;
	s11 =	sadd.s32 $0xC00, s2  }
0x9: {  	s12 =	sadd.s32 $0x100, s1;
	_ =	strace $0x80000047;
	s8 =	sshll.u32 s6, $0x4  }
0xa: {  	s9 =	ssub.s32 $0x2, s5;
	s5 =	sor.u32 s5, s7;
	s29 =	sshll.u32 s6, $0x12  }
0xb: {  	s30 =	sshll.u32 s6, $0x9;
	s3 =	sadd.s32 s8, s3;
	s28 =	sshrl.u32 s9, $0x1  }
.Ltmp0:
0xc: {  	s5 =	sadd.s32 s6, s5;
	s0 =	sadd.s32 s0, s8;
	(pc) =	sbr.rel .LBB2_1-.Ltmp0, $4  }
0xd: {  	[dreg:$0x6] =	wrdreg s29;
	s15 =	sadd.s32 s2, s29;
	s14 =	ssub.s32 s9, s28  }
0xe: {  	v1 =	vimm.s32 $0x0;
	v2 =	vlaneseq.u32;
	v3 =	vimm.f32 $0.0e+00;
	s5 =	sand.u32 $0x3, s5;
	[dreg:$0x5] =	wrdreg s0;
	s3 =	sadd.s32 $0x400, s3  }
0xf: {  	vm0 =	vmmov $0xffff;
	v4 =	vand.u32 $0x7, v2;
	v5 =	vshrl.u32 v2, $0x3;
	s9 =	sadd.s32 $0x400, s2;
	[dreg:$0x7] =	wrdreg s3;
	s31 =	smax.u32 s14, $0x1  }
0x10: {  	v6 =	vor.u32 $0x8, v2;
	v5 =	vmul.u32 $0x8, v5;
	v0 =	vmov s30;
	s7 =	sadd.s32 $0x1, s5;
	p0 =	sne.s32 s5, $0x0;
	[dreg:$0x8] =	wrdreg s31  }
.LBB2_40:
0x11: {  	[sflag:s21] =	ssyncadd.s32 $0xFFFFE000  }
.LBB2_41:
0x12: {  	v7 =	vmov @!p0 s23  }
0x13: {  	s0 =	simm.s32 @!p0 $0x0;
	s3 =	simm.s32 @!p0 $0x1B600;
	s6 =	rddreg [dreg:$0x7];
	[tilespmem:$0x1B600] =	vst @!p0 v7  }
0x14: {  	[hbm4b:s6+s0] =	stream.linear.scatter @!p0 [tilespmem:s3], [sflag:$0x8], $0x80, $0x38;
	[tilespmem:$0x1B680] =	vst v63  }
0x15: {  	s0 =	simm.s32 @!p0 $0x8  }
0x16: {  	_ =	swait.ge @!p0 [sflag:s0], $0x80  }
0x17: {  	s22 =	sadd.s32 $0x1, s22;
	s31 =	rddreg [dreg:$0x8]  }
0x18: {  	p1 =	sne.s32 s22, s31  }
.Ltmp1:
0x19: {  	_ = 	snop;
	(pc) =	sbr.rel @!p1 .LBB2_42-.Ltmp1, $3  }
0x1a: {  	_ =	sdelay $0x1  }
0x1b: {  	[sflag:s0] =	ssyncset.done @!p0 $0x0  }
0x1c: {  	[sflag:s0] =	ssyncadd.s32 @!p0 $0xFFFFFF80  }
.LBB2_1:
0x1d: {  	s0 =	rddreg [dreg:$0x5];
	s3 =	simm.s32 $0x80;
	s6 =	simm.s32 $0x400  }
0x1e: {  	[tilespmem:s4], [sflag:$0x8] =	stream.strided.gather [hbm4b:s0+s3], $0x200, s6, s3, $0x38;
	[tilespmem:$0x1B680] =	vst v63  }
0x1f: {  	_ =	swait.ge [sflag:s18], $0x200  }
0x20: {  	[sflag:s18] =	ssyncset.done $0x0  }
0x21: {  	s0 =	simm.s32 $0x40;
	s3 =	simm.s32 $0x0;
	[sflag:s18] =	ssyncadd.s32 $0xFFFFFE00  }
.LBB2_2:
0x22: {  	p1 =	sne.s32 s0, $0x3FC0;
	[tilespmem:s3+$0x200] =	vst v1;
	s3 =	smov.u32 s0;
	s0 =	sadd.s32 $0x40, s0  }
.Ltmp2:
0x23: {  	(pc) =	sbr.rel @p1 .LBB2_2-.Ltmp2, $2  }
0x24: {  	_ =	sdelay $0x2  }
0x25: {  	s3 =	sshra.s32 s3, $0x2  }
0x26: {  	s23 =	simm.s32 $0x0  }
0x27: {  	s0 =	sand.u32 $0x1000, s23;
	s6 =	sand.u32 $0x380, s23  }
0x28: {  	[tilespmem:s3+$0x200] =	vst v1;
	s30 =	sor.u32 s6, s0  }
0x29: {  	s0 =	sadd.s32 $0x19600, s30;
	[tilespmem:s30+$0x19600] =	vst v3  }
0x2a: {  	[tilespmem:s0+$0x10] =	vst v3  }
0x2b: {  	[tilespmem:s0+$0x20] =	vst v3  }
0x2c: {  	[tilespmem:s0+$0x30] =	vst v3  }
0x2d: {  	[tilespmem:s0+$0x40] =	vst v3  }
0x2e: {  	[tilespmem:s0+$0x50] =	vst v3  }
0x2f: {  	[tilespmem:s0+$0x60] =	vst v3  }
0x30: {  	[tilespmem:s0+$0x70] =	vst v3  }
0x31: {  	[tilespmem:s0+$0x400] =	vst v3  }
0x32: {  	[tilespmem:s0+$0x410] =	vst v3  }
0x33: {  	[tilespmem:s0+$0x420] =	vst v3  }
0x34: {  	[tilespmem:s0+$0x430] =	vst v3  }
0x35: {  	[tilespmem:s0+$0x440] =	vst v3  }
0x36: {  	[tilespmem:s0+$0x450] =	vst v3  }
0x37: {  	[tilespmem:s0+$0x460] =	vst v3  }
0x38: {  	[tilespmem:s0+$0x470] =	vst v3  }
0x39: {  	[tilespmem:s0+$0x800] =	vst v3  }
0x3a: {  	[tilespmem:s0+$0x810] =	vst v3  }
0x3b: {  	[tilespmem:s0+$0x820] =	vst v3  }
0x3c: {  	[tilespmem:s0+$0x830] =	vst v3  }
0x3d: {  	[tilespmem:s0+$0x840] =	vst v3  }
0x3e: {  	[tilespmem:s0+$0x850] =	vst v3  }
0x3f: {  	[tilespmem:s0+$0x860] =	vst v3  }
0x40: {  	[tilespmem:s0+$0x870] =	vst v3  }
0x41: {  	[tilespmem:s0+$0xC00] =	vst v3  }
0x42: {  	[tilespmem:s0+$0xC10] =	vst v3  }
0x43: {  	[tilespmem:s0+$0xC20] =	vst v3  }
0x44: {  	[tilespmem:s0+$0xC30] =	vst v3  }
0x45: {  	[tilespmem:s0+$0xC40] =	vst v3  }
0x46: {  	s31 =	simm.s32 $0x200;
	s3 =	simm.s32 $0x80;
	[tilespmem:s0+$0xC50] =	vst v3  }
0x47: {  	s8 =	sand.u32 $0x1000, s31;
	s16 =	sand.u32 $0x380, s3;
	s6 =	simm.s32 $0x400;
	[tilespmem:s0+$0xC60] =	vst v3  }
.LBB2_4:
0x48: {  	p1 =	sne.s32 s6, $0x1E00;
	s8 =	sor.u32 s16, s8;
	[tilespmem:s0+$0xC70] =	vst v3  }
0x49: {  	s0 =	sadd.s32 $0x19600, s8;
	[tilespmem:s8+$0x19600] =	vst v3  }
0x4a: {  	[tilespmem:s0+$0x10] =	vst v3  }
0x4b: {  	[tilespmem:s0+$0x20] =	vst v3  }
0x4c: {  	[tilespmem:s0+$0x30] =	vst v3  }
0x4d: {  	[tilespmem:s0+$0x40] =	vst v3  }
0x4e: {  	[tilespmem:s0+$0x50] =	vst v3  }
0x4f: {  	[tilespmem:s0+$0x60] =	vst v3  }
0x50: {  	[tilespmem:s0+$0x70] =	vst v3  }
0x51: {  	[tilespmem:s0+$0x400] =	vst v3  }
0x52: {  	[tilespmem:s0+$0x410] =	vst v3  }
0x53: {  	[tilespmem:s0+$0x420] =	vst v3  }
0x54: {  	[tilespmem:s0+$0x430] =	vst v3  }
0x55: {  	[tilespmem:s0+$0x440] =	vst v3  }
0x56: {  	[tilespmem:s0+$0x450] =	vst v3  }
0x57: {  	[tilespmem:s0+$0x460] =	vst v3  }
0x58: {  	[tilespmem:s0+$0x470] =	vst v3  }
0x59: {  	[tilespmem:s0+$0x800] =	vst v3  }
0x5a: {  	[tilespmem:s0+$0x810] =	vst v3  }
0x5b: {  	[tilespmem:s0+$0x820] =	vst v3  }
0x5c: {  	[tilespmem:s0+$0x830] =	vst v3  }
0x5d: {  	[tilespmem:s0+$0x840] =	vst v3  }
0x5e: {  	[tilespmem:s0+$0x850] =	vst v3  }
0x5f: {  	[tilespmem:s0+$0x860] =	vst v3  }
0x60: {  	[tilespmem:s0+$0x870] =	vst v3  }
0x61: {  	[tilespmem:s0+$0xC00] =	vst v3  }
0x62: {  	[tilespmem:s0+$0xC10] =	vst v3  }
.Ltmp3:
0x63: {  	[tilespmem:s0+$0xC20] =	vst v3;
	(pc) =	sbr.rel @p1 .LBB2_4-.Ltmp3, $4  }
0x64: {  	[tilespmem:s0+$0xC30] =	vst v3  }
0x65: {  	[tilespmem:s0+$0xC40] =	vst v3  }
0x66: {  	s3 =	sadd.s32 $0x80, s3;
	[tilespmem:s0+$0xC50] =	vst v3  }
0x67: {  	s8 =	sand.u32 $0x1000, s6;
	s16 =	sand.u32 $0x380, s3;
	s6 =	sadd.s32 $0x200, s6;
	[tilespmem:s0+$0xC60] =	vst v3  }
0x68: {  	s3 =	sor.u32 s16, s8;
	[tilespmem:s0+$0xC70] =	vst v3  }
0x69: {  	s31 =	sadd.s32 $0x19600, s3;
	[tilespmem:s3+$0x19600] =	vst v3  }
0x6a: {  	[tilespmem:s31+$0x10] =	vst v3  }
0x6b: {  	[tilespmem:s31+$0x20] =	vst v3  }
0x6c: {  	[tilespmem:s31+$0x30] =	vst v3  }
0x6d: {  	[tilespmem:s31+$0x40] =	vst v3  }
0x6e: {  	[tilespmem:s31+$0x50] =	vst v3  }
0x6f: {  	[tilespmem:s31+$0x60] =	vst v3  }
0x70: {  	[tilespmem:s31+$0x70] =	vst v3  }
0x71: {  	[tilespmem:s31+$0x400] =	vst v3  }
0x72: {  	[tilespmem:s31+$0x410] =	vst v3  }
0x73: {  	[tilespmem:s31+$0x420] =	vst v3  }
0x74: {  	[tilespmem:s31+$0x430] =	vst v3  }
0x75: {  	[tilespmem:s31+$0x440] =	vst v3  }
0x76: {  	[tilespmem:s31+$0x450] =	vst v3  }
0x77: {  	[tilespmem:s31+$0x460] =	vst v3  }
0x78: {  	[tilespmem:s31+$0x470] =	vst v3  }
0x79: {  	[tilespmem:s31+$0x800] =	vst v3  }
0x7a: {  	[tilespmem:s31+$0x810] =	vst v3  }
0x7b: {  	[tilespmem:s31+$0x820] =	vst v3  }
0x7c: {  	[tilespmem:s31+$0x830] =	vst v3  }
0x7d: {  	[tilespmem:s31+$0x840] =	vst v3  }
0x7e: {  	[tilespmem:s31+$0x850] =	vst v3  }
0x7f: {  	[tilespmem:s31+$0x860] =	vst v3  }
0x80: {  	[tilespmem:s31+$0x870] =	vst v3  }
0x81: {  	[tilespmem:s31+$0xC00] =	vst v3  }
0x82: {  	[tilespmem:s31+$0xC10] =	vst v3  }
0x83: {  	[tilespmem:s31+$0xC20] =	vst v3  }
0x84: {  	[tilespmem:s31+$0xC30] =	vst v3  }
0x85: {  	[tilespmem:s31+$0xC40] =	vst v3  }
0x86: {  	[tilespmem:s31+$0xC50] =	vst v3  }
0x87: {  	[tilespmem:s31+$0xC60] =	vst v3  }
0x88: {  	[tilespmem:s31+$0xC70] =	vst v3  }
0x89: {  	v7 =	vld [tilespmem:s23+$0x0];
	_ =	sdelay $0x4  }
0x8a: {  	(xrf0) =	vadd.scan.msk.s32 $0xffff, v7;
	_ =	sdelay $0x5  }
0x8b: {  	v8, _, _ =	vpop (xrf0)  }
0x8c: {  	v8 =	vadd.s32 s23, v8  }
0x8d: {  	v9 =	vxor.u32 $0x80000000, v8  }
0x8e: {  	(xrf0) =	vmax.scan.msk.u32 $0xffff, v9;
	_ =	sdelay $0x2  }
0x8f: {  	v8 =	vsub.s32 v8, v7  }
0x90: {  	vm1 =	vgt.s32 v7, $0x0;
	vm2 =	vlt.s32 v8, $0x1000  }
0x91: {  	vm1 =	vmand vm1, vm2  }
0x92: {  	v9, _, _ =	vpop (xrf0)  }
0x93: {  	(v2sf) =	vpush v9, $0xF;
	_ =	sdelay $0x2  }
0x94: {  	v7 =	vor.u32 s23, v2  }
0x95: {  	s0 =	simm.s32 $0x10;
	[tilespmem:v8+s19+$0x0] =	vst.idx.msk vm1, v7  }
0x96: {  	v7 =	vld [tilespmem:s0+$0x0];
	_ =	sdelay $0x4  }
0x97: {  	(xrf0) =	vadd.scan.msk.s32 $0xffff, v7;
	_ =	sdelay $0x3  }
0x98: {  	s8 =	simm.s32 $0x30  }
0x99: {  	s6 =	simm.s32 $0x10;
	s3 =	simm.s32 $0x20;
	s16 =	spop (v2sf)  }
.LBB2_6:
0x9a: {  	p1 =	sne.s32 s8, $0x1F0;
	v8, _, _ =	vpop (xrf0);
	s16 =	sxor.u32 $0x80000000, s16  }
0x9b: {  	v8 =	vadd.s32 s16, v8  }
0x9c: {  	v9 =	vsub.s32 v8, v7;
	v8 =	vxor.u32 $0x80000000, v8  }
0x9d: {  	vm1 =	vgt.s32 v7, $0x0;
	vm2 =	vlt.s32 v9, $0x1000;
	(xrf0) =	vmax.scan.msk.u32 $0xffff, v8  }
0x9e: {  	vm1 =	vmand vm1, vm2;
	_ =	sdelay $0x4  }
0x9f: {  	v7 =	vor.u32 s0, v2;
	s0 =	smov.u32 s3;
	s3 =	smov.u32 s8;
	v8, _, _ =	vpop (xrf0)  }
0xa0: {  	[tilespmem:v9+s19+$0x0] =	vst.idx.msk vm1, v7;
	(v2sf) =	vpush v8, $0xF;
	_ =	sdelay $0x3  }
0xa1: {  	s6 =	sadd.s32 $0x10, s6  }
0xa2: {  	v7 =	vld [tilespmem:s6+$0x0];
	_ =	sdelay $0x4  }
0xa3: {  	(xrf0) =	vadd.scan.msk.s32 $0xffff, v7  }
.Ltmp4:
0xa4: {  	(pc) =	sbr.rel @p1 .LBB2_6-.Ltmp4, $2  }
0xa5: {  	_ =	sdelay $0x2  }
0xa6: {  	s8 =	sadd.s32 $0x10, s8;
	s16 =	spop (v2sf)  }
0xa7: {  	v8, _, _ =	vpop (xrf0);
	s8 =	sxor.u32 $0x80000000, s16  }
0xa8: {  	v8 =	vadd.s32 s8, v8  }
0xa9: {  	v9 =	vxor.u32 $0x80000000, v8  }
0xaa: {  	(xrf0) =	vmax.scan.msk.u32 $0xffff, v9;
	_ =	sdelay $0x2  }
0xab: {  	v8 =	vsub.s32 v8, v7  }
0xac: {  	vm1 =	vgt.s32 v7, $0x0;
	vm2 =	vlt.s32 v8, $0x1000  }
0xad: {  	vm1 =	vmand vm1, vm2  }
0xae: {  	v7, _, _ =	vpop (xrf0)  }
0xaf: {  	(v2sf) =	vpush v7, $0xF;
	_ =	sdelay $0x2  }
0xb0: {  	v7 =	vor.u32 s0, v2  }
0xb1: {  	s14 =	sadd.s32 $0x10, s6;
	[tilespmem:v8+s19+$0x0] =	vst.idx.msk vm1, v7  }
0xb2: {  	v7 =	vld [tilespmem:s14+$0x0];
	_ =	sdelay $0x4  }
0xb3: {  	(xrf0) =	vadd.scan.msk.s32 $0xffff, v7;
	_ =	sdelay $0x4  }
0xb4: {  	s16 =	spop (v2sf)  }
0xb5: {  	v8, _, _ =	vpop (xrf0);
	s0 =	sxor.u32 $0x80000000, s16  }
0xb6: {  	v8 =	vadd.s32 s0, v8  }
0xb7: {  	v63 =	vxor.u32 $0x80000000, v8  }
0xb8: {  	(xrf0) =	vmax.scan.msk.u32 $0xffff, v63;
	_ =	sdelay $0x5  }
0xb9: {  	v9, _, _ =	vpop (xrf0)  }
0xba: {  	(v2sf) =	vpush v9, $0xF;
	_ =	sdelay $0xe  }
0xbb: {  	s29 =	spop (v2sf)  }
0xbc: {  	s17 =	sadd.s32 $0x8000003F, s29  }
0xbd: {  	s23 =	sand.u32 $0x3F, s17  }
0xbe: {  	s24 =	sshra.s32 s17, $0x1F;
	p1 =	slt.s32 s17, $0x1;
	p2 =	sne.s32 s23, $0x0  }
0xbf: {  	s25 =	sshrl.u32 s24, $0x1A;
	p1 =	por !p1, !p2  }
0xc0: {  	s6 =	simm.s32 $0x1;
	s0 =	sadd.s32 s25, s17;
	p1 =	por !p1, !p1  }
0xc1: {  	s0 =	sshra.s32 s0, $0x6;
	s6 =	simm.s32 @!p1 $0x0  }
0xc2: {  	s0 =	ssub.s32 s0, s6  }
0xc3: {  	s6 =	ssub.s32 $0x40, s0  }
0xc4: {  	s26 =	smul.u32 s5, s6  }
0xc5: {  	s17 =	simm.s32 $0x1;
	p1 =	sne.s32 s0, $0x40;
	s6 =	smul.u32 s7, s6  }
0xc6: {  	s17 =	simm.s32 @!p1 $0x0;
	s28 =	sshrl.u32 s26, $0x1E  }
0xc7: {  	p6 =	slt.s32 s26, $0x1;
	s23 =	sshra.s32 s6, $0x1F;
	s8 =	sand.u32 $0x3, s26  }
0xc8: {  	s24 =	sand.u32 $0x3, s6;
	s16 =	sadd.s32 s28, s26;
	s17 =	sor.u32 s17, s23  }
0xc9: {  	p5 =	sne.s32 s8, $0x0;
	p4 =	sne.s32 s24, $0x0;
	s31 =	sshrl.u32 s23, $0x1E  }
0xca: {  	p3 =	sne.s32 s17, $0x1;
	p1 =	por !p6, !p5;
	s30 =	sshra.s32 s16, $0x2  }
0xcb: {  	s16 =	simm.s32 $0x1;
	s6 =	sadd.s32 s31, s6;
	p6 =	por !p4, !p3  }
0xcc: {  	v8 =	vsub.s32 v8, v7;
	s17 =	simm.s32 $0x1;
	p1 =	por !p1, !p1;
	p2 =	por !p6, !p6  }
0xcd: {  	vm1 =	vgt.s32 v7, $0x0;
	vm2 =	vlt.s32 v8, $0x1000;
	s6 =	sshra.s32 s6, $0x2;
	s16 =	simm.s32 @!p1 $0x0;
	s17 =	simm.s32 @!p2 $0x0  }
0xce: {  	vm1 =	vmand vm1, vm2;
	s24 =	ssub.s32 s30, s16;
	s25 =	ssub.s32 s6, s17  }
0xcf: {  	p1 =	sle.s32 s25, s24  }
.Ltmp5:
0xd0: {  	_ = 	snop;
	(pc) =	sbr.rel @p1 .LBB2_11-.Ltmp5, $3  }
0xd1: {  	_ =	sdelay $0x1  }
0xd2: {  	v7 =	vor.u32 s3, v2  }
0xd3: {  	[tilespmem:v8+s19+$0x0] =	vst.idx.msk vm1, v7;
	s23 =	sxor.u32 $0x80000000, s29  }
0xd4: {  	s6 =	sadd.s32 s0, s24  }
0xd5: {  	s8 =	rddreg [dreg:$0x6];
	s3 =	sshll.u32 s6, $0xC  }
0xd6: {  	s8 =	sadd.s32 s3, s8  }
0xd7: {  	s3 =	sadd.s32 s8, s2  }
0xd8: {  	[hbm4b:s3+s4] =	stream.linear.scatter [tilespmem:s20], [sflag:$0x7], $0x2000, $0x38;
	[tilespmem:$0x1B680] =	vst v63  }
0xd9: {  	s6 =	sadd.s32 $0x1, s6;
	s3 =	sadd.s32 s0, s25  }
0xda: {  	p1 =	slt.s32 s6, s3  }
.Ltmp6:
0xdb: {  	s16 =	sand.u32 $0x1FFFF000, s8;
	(pc) =	sbr.rel @!p1 .LBB2_10-.Ltmp6, $4  }
0xdc: {  	s31 =	sadd.s32 s16, s9  }
0xdd: {  	[hbm4b:s31+s4] =	stream.linear.scatter [tilespmem:s20], [sflag:$0x7], $0x2000, $0x38;
	[tilespmem:$0x1B680] =	vst v63  }
0xde: {  	s8 =	sadd.s32 $0x1000, s8;
	s17 =	sadd.s32 s16, s10;
	s16 =	sadd.s32 s16, s11  }
0xdf: {  	[hbm4b:s17+s4] =	stream.linear.scatter [tilespmem:s20], [sflag:$0x7], $0x2000, $0x38;
	[tilespmem:$0x1B680] =	vst v63  }
.LBB2_9:
0xe0: {  	[hbm4b:s16+s4] =	stream.linear.scatter [tilespmem:s20], [sflag:$0x7], $0x2000, $0x38;
	[tilespmem:$0x1B680] =	vst v63  }
0xe1: {  	s6 =	sadd.s32 $0x1, s6  }
0xe2: {  	s16 =	sadd.s32 s8, s2;
	s17 =	sand.u32 $0x1FFFF000, s8;
	p1 =	slt.s32 s6, s3  }
0xe3: {  	[hbm4b:s16+s4] =	stream.linear.scatter [tilespmem:s20], [sflag:$0x7], $0x2000, $0x38;
	[tilespmem:$0x1B680] =	vst v63  }
.Ltmp7:
0xe4: {  	s16 =	sadd.s32 s17, s9;
	(pc) =	sbr.rel @p1 .LBB2_9-.Ltmp7, $4  }
0xe5: {  	[hbm4b:s16+s4] =	stream.linear.scatter [tilespmem:s20], [sflag:$0x7], $0x2000, $0x38;
	[tilespmem:$0x1B680] =	vst v63  }
0xe6: {  	s16 =	sadd.s32 s17, s10  }
0xe7: {  	[hbm4b:s16+s4] =	stream.linear.scatter [tilespmem:s20], [sflag:$0x7], $0x2000, $0x38;
	[tilespmem:$0x1B680] =	vst v63  }
0xe8: {  	s8 =	sadd.s32 $0x1000, s8;
	s16 =	sadd.s32 s17, s11  }
.LBB2_10:
0xe9: {  	[hbm4b:s16+s4] =	stream.linear.scatter [tilespmem:s20], [sflag:$0x7], $0x2000, $0x38;
	[tilespmem:$0x1B680] =	vst v63  }
.LBB2_11:
0xea: {  	s3 =	smul.u32 s5, s0;
	_ =	sdelay $0x1  }
0xeb: {  	s6 =	sand.u32 $0x3, s3  }
0xec: {  	p1 =	slt.s32 s3, $0x1;
	p2 =	sne.s32 s6, $0x0  }
0xed: {  	s31 =	sshrl.u32 s3, $0x1E;
	p1 =	por !p1, !p2  }
0xee: {  	s3 =	sadd.s32 s31, s3;
	s6 =	simm.s32 $0x1;
	p1 =	por !p1, !p1  }
0xef: {  	s3 =	sshra.s32 s3, $0x2;
	s6 =	simm.s32 @!p1 $0x0  }
0xf0: {  	s26 =	ssub.s32 s3, s6  }
0xf1: {  	p1 =	slt.s32 s26, $0x1  }
.Ltmp8:
0xf2: {  	_ = 	snop;
	(pc) =	sbr.rel @p1 .LBB2_12-.Ltmp8, $1  }
0xf3: {  	_ =	sdelay $0x3  }
0xf4: {  	s3 =	simm.s32 $0x200;
	s31 =	sshll.u32 s26, $0x2  }
0xf5: {  	v7 =	vld [tilespmem:s3+$0x0];
	p1 =	sne.s32 s31, $0x1  }
.Ltmp9:
0xf6: {  	_ = 	snop;
	(pc) =	sbr.rel @!p1 .LBB2_15-.Ltmp9, $3  }
0xf7: {  	_ =	sdelay $0x1  }
0xf8: {  	v8 =	vimm.s32 $0x0  }
0xf9: {  	s6 =	simm.s32 $0x210;
	s3 =	sadd.s32 $0xFFFFFFFF, s31;
	vm1 =	vgt.s32 v8, v7  }
.LBB2_14:
0xfa: {  	p1 =	sne.s32 s3, $0x1;
	s3 =	sadd.s32 $0xFFFFFFFF, s3;
	v8 =	vsel vm1, v8, v7;
	v7 =	vld [tilespmem:s6+$0x0]  }
.Ltmp10:
0xfb: {  	(pc) =	sbr.rel @p1 .LBB2_14-.Ltmp10, $2  }
0xfc: {  	_ =	sdelay $0x2  }
0xfd: {  	s6 =	sadd.s32 $0x10, s6;
	vm1 =	vgt.s32 v8, v7  }
.LBB2_15:
.Ltmp11:
0xfe: {  	(pc) =	sbr.rel .LBB2_16-.Ltmp11, $3  }
0xff: {  	_ =	sdelay $0x1  }
0x100: {  	v7 =	vsel vm1, v8, v7  }
0x101: {  	v7 =	vxor.u32 $0x80000000, v7  }
.LBB2_12:
0x102: {  	v7 =	vimm.s32 $0x80000000  }
.LBB2_16:
0x103: {  	s3 =	smul.u32 s7, s0  }
0x104: {  	p1 =	sne.s32 s0, $0x0;
	s0 =	simm.s32 $0x1  }
0x105: {  	s0 =	simm.s32 @!p1 $0x0;
	s6 =	sshra.s32 s3, $0x1F  }
0x106: {  	s8 =	sand.u32 $0x3, s3;
	s0 =	sor.u32 s0, s6  }
0x107: {  	p2 =	sne.s32 s8, $0x0;
	p6 =	sne.s32 s0, $0x1  }
0x108: {  	s31 =	sshrl.u32 s6, $0x1E;
	p1 =	por !p2, !p6  }
0x109: {  	s0 =	sadd.s32 s31, s3;
	s3 =	simm.s32 $0x1;
	p1 =	por !p1, !p1  }
0x10a: {  	s0 =	sshra.s32 s0, $0x2;
	s3 =	simm.s32 @!p1 $0x0  }
0x10b: {  	s0 =	ssub.s32 s0, s3  }
0x10c: {  	s28 =	ssub.s32 s0, s26  }
0x10d: {  	p1 =	slt.s32 s28, $0x1  }
.Ltmp12:
0x10e: {  	_ = 	snop;
	(pc) =	sbr.rel @p1 .LBB2_31-.Ltmp12, $1  }
0x10f: {  	_ =	sdelay $0x3  }
0x110: {  	(xrf0) =	vmax.scan.msk.u32 $0xffff, v7;
	_ =	sdelay $0x5  }
0x111: {  	v7, _, _ =	vpop (xrf0)  }
0x112: {  	(v2sf) =	vpush v7, $0xF;
	_ =	sdelay $0x8  }
0x113: {  	s6 =	sshll.u32 s28, $0x2  }
0x114: {  	p2 =	sne.s32 s6, $0x1  }
.Ltmp13:
0x115: {  	_ = 	snop;
	(pc) =	sbr.rel @!p2 .LBB2_21-.Ltmp13, $4  }
0x116: {  	s0 =	sshll.u32 s26, $0x8;
	s30 =	sshll.u32 s26, $0x6  }
0x117: {  	p1 =	por $0x0, $0x0;
	s31 =	simm.s32 $0x1200;
	s0 =	sshra.s32 s0, $0x2  }
0x118: {  	s8 =	sadd.s32 $0xFFFFFFFF, s6;
	s17 =	smov.u32 s30;
	s16 =	sadd.s32 $0x200, s0  }
0x119: {  	s0 =	simm.s32 $0x1200;
	s6 =	smov.u32 s16;
	v7 =	vmov s23;
	s3 =	spop (v2sf)  }
0x11a: {  	v8 =	vld [tilespmem:s16+$0x0];
	_ =	sdelay $0x4  }
0x11b: {  	v8 =	vxor.u32 $0x80000000, v8  }
0x11c: {  	(xrf0) =	vmax.scan.msk.u32 $0xffff, v8;
	_ =	sdelay $0x5  }
0x11d: {  	v8, _, _ =	vpop (xrf0)  }
0x11e: {  	s6 =	sxor.u32 $0x80000000, s3;
	v8 =	vxor.u32 $0x80000000, v8  }
0x11f: {  	vm1 =	vgt.s32 v8, s6  }
0x120: {  	v8 =	vnsel vm1, s6, v8  }
0x121: {  	p2 =	sne.s32 s8, $0x1;
	v63 =	vadd.s32 v0, v8;
	v8 =	vxor.u32 $0x80000000, v8  }
.Ltmp14:
0x122: {  	(xrf0) =	vmax.scan.msk.u32 $0xffff, v8;
	(pc) =	sbr.rel @!p2 .LBB2_19-.Ltmp14, $4  }
0x123: {  	v9 =	vor.u32 s30, v2  }
0x124: {  	vm1 =	vlt.s32 v9, v7  }
0x125: {  	s8 =	sadd.s32 $0xFFFFFFFF, s8;
	p1 =	por $0x1, $0x1;
	v9 =	vnsel vm1, $0x0, v63  }
0x126: {  	s17 =	smov.u32 s30;
	s31 =	simm.s32 $0x1200;
	s6 =	smov.u32 s16;
	[tilespmem:s0+$0x0] =	vst v9  }
.LBB2_20:
0x127: {  	p2 =	sne.s32 s8, $0x1  }
0x128: {  	v8, _, _ =	vpop (xrf0)  }
0x129: {  	(v2sf) =	vpush v8, $0xF;
	_ =	sdelay $0x1  }
0x12a: {  	s6 =	sadd.s32 $0x10, s6  }
0x12b: {  	v8 =	vld [tilespmem:s6+$0x0];
	_ =	sdelay $0x4  }
0x12c: {  	v8 =	vxor.u32 $0x80000000, v8  }
0x12d: {  	(xrf0) =	vmax.scan.msk.u32 $0xffff, v8;
	_ =	sdelay $0x5  }
0x12e: {  	v8, _, _ =	vpop (xrf0);
	s13 =	spop (v2sf)  }
0x12f: {  	s13 =	sxor.u32 $0x80000000, s13;
	v8 =	vxor.u32 $0x80000000, v8  }
0x130: {  	s17 =	sadd.s32 $0x10, s17;
	vm1 =	vgt.s32 v8, s13  }
0x131: {  	v9 =	vor.u32 s17, v2;
	v8 =	vnsel vm1, s13, v8  }
0x132: {  	vm1 =	vlt.s32 v9, v7;
	v9 =	vadd.s32 v0, v8;
	v8 =	vxor.u32 $0x80000000, v8  }
.Ltmp15:
0x133: {  	s31 =	sadd.s32 $0x10, s31;
	v9 =	vnsel vm1, $0x0, v9;
	(xrf0) =	vmax.scan.msk.u32 $0xffff, v8;
	(pc) =	sbr.rel @p2 .LBB2_20-.Ltmp15, $2  }
0x134: {  	[tilespmem:s31+$0x0] =	vst v9;
	_ =	sdelay $0x2  }
0x135: {  	s8 =	sadd.s32 $0xFFFFFFFF, s8  }
.LBB2_21:
0x136: {  	_ = 	snop  }
0x137: {  	v8, _, _ =	vpop @p1 (xrf0)  }
0x138: {  	(v2sf) =	vpush @p1 v8, $0xF;
	_ =	sdelay $0x1  }
0x139: {  	s6 =	sadd.s32 @p1 $0x10, s6  }
0x13a: {  	s16 =	smov.u32 @p1 s6  }
0x13b: {  	v8 =	vld [tilespmem:s16+$0x0];
	_ =	sdelay $0x4  }
0x13c: {  	v8 =	vxor.u32 $0x80000000, v8  }
0x13d: {  	(xrf0) =	vmax.scan.msk.u32 $0xffff, v8;
	_ =	sdelay $0x4  }
0x13e: {  	s6 =	spop @p1 (v2sf)  }
0x13f: {  	v8, _, _ =	vpop (xrf0);
	s3 =	smov.u32 @p1 s6  }
0x140: {  	v8 =	vxor.u32 $0x80000000, v8;
	s3 =	sxor.u32 $0x80000000, s3  }
0x141: {  	vm1 =	vgt.s32 v8, s3  }
0x142: {  	v8 =	vnsel vm1, s3, v8  }
0x143: {  	v9 =	vxor.u32 $0x80000000, v8  }
0x144: {  	(xrf0) =	vmax.scan.msk.u32 $0xffff, v9;
	_ =	sdelay $0x5  }
0x145: {  	v9, _, _ =	vpop (xrf0)  }
0x146: {  	(v2sf) =	vpush v9, $0xF;
	_ =	sdelay $0x9  }
0x147: {  	s6 =	smov.u32 s30;
	s3 =	sadd.s32 @p1 $0x10, s17  }
0x148: {  	s6 =	smov.u32 @p1 s3  }
0x149: {  	v63 =	vor.u32 s6, v2  }
0x14a: {  	s17 =	smin.u32 s28, $0x3;
	s3 =	sadd.s32 @p1 $0x10, s31;
	vm1 =	vlt.s32 v63, v7;
	v7 =	vadd.s32 v0, v8  }
0x14b: {  	s8 =	simm.s32 $0x1;
	s0 =	smov.u32 @p1 s3;
	s3 =	ssub.s32 $0x0, s17;
	v7 =	vnsel vm1, $0x0, v7  }
0x14c: {  	s6 =	simm.s32 $0x1220;
	[tilespmem:s0+$0x0] =	vst v7;
	s0 =	simm.s32 $0x8E00;
	s31 =	spop (v2sf)  }
.LBB2_22:
0x14d: {  	v7 =	vld [tilespmem:s6+$0xFFFFFFE0];
	_ =	sdelay $0x4  }
0x14e: {  	v8 =	vshll.u32 v7, $0x2  }
0x14f: {  	v7 =	vand.u32 $0x7, v7;
	v8 =	vand.u32 $0xFFFFFFE0, v8  }
0x150: {  	v7 =	vor.u32 v7, v8  }
0x151: {  	v8 =	vperm.xlane v7, v4;
	_ =	sdelay $0x1  }
0x152: {  	v8 =	vadd.s32 v5, v8;
	_ =	sdelay $0x1  }
0x153: {  	v7 =	vperm.xlane v7, v6;
	_ =	sdelay $0x1  }
0x154: {  	s13 =	sadd.s32 $0xFFFF8800, s0;
	v7 =	vadd.s32 v5, v7  }
0x155: {  	[tilespmem:s13], [sflag:s8] =	stream.indirect_vreg.gather [hbm4b:s1+s4], $0x80, v8, vm0, $0xb8;
	[tilespmem:$0x1B680] =	vst v63  }
0x156: {  	s17 =	sadd.s32 $0xFFFF9000, s0  }
0x157: {  	[tilespmem:s17], [sflag:s8] =	stream.indirect_vreg.gather [hbm4b:s12+s4], $0x80, v8, vm0, $0xb8;
	[tilespmem:$0x1B680] =	vst v63  }
0x158: {  	s31 =	sadd.s32 $0xFFFF9800, s0  }
0x159: {  	[tilespmem:s31], [sflag:s8] =	stream.indirect_vreg.gather [hbm4b:s1+s4], $0x80, v7, vm0, $0xb8;
	[tilespmem:$0x1B680] =	vst v63  }
0x15a: {  	s14 =	sadd.s32 $0xFFFFA000, s0  }
0x15b: {  	[tilespmem:s14], [sflag:s8] =	stream.indirect_vreg.gather [hbm4b:s12+s4], $0x80, v7, vm0, $0xb8;
	[tilespmem:$0x1B680] =	vst v63  }
0x15c: {  	v7 =	vld [tilespmem:s6+$0xFFFFFFF0];
	_ =	sdelay $0x4  }
0x15d: {  	v8 =	vshll.u32 v7, $0x2  }
0x15e: {  	v7 =	vand.u32 $0x7, v7;
	v8 =	vand.u32 $0xFFFFFFE0, v8  }
0x15f: {  	v7 =	vor.u32 v7, v8  }
0x160: {  	v8 =	vperm.xlane v7, v4;
	_ =	sdelay $0x1  }
0x161: {  	v8 =	vadd.s32 v5, v8;
	_ =	sdelay $0x1  }
0x162: {  	v7 =	vperm.xlane v7, v6;
	_ =	sdelay $0x1  }
0x163: {  	s16 =	sadd.s32 $0xFFFFA800, s0;
	v7 =	vadd.s32 v5, v7  }
0x164: {  	[tilespmem:s16], [sflag:s8] =	stream.indirect_vreg.gather [hbm4b:s1+s4], $0x80, v8, vm0, $0xb8;
	[tilespmem:$0x1B680] =	vst v63  }
0x165: {  	s17 =	sadd.s32 $0xFFFFB000, s0  }
0x166: {  	[tilespmem:s17], [sflag:s8] =	stream.indirect_vreg.gather [hbm4b:s12+s4], $0x80, v8, vm0, $0xb8;
	[tilespmem:$0x1B680] =	vst v63  }
0x167: {  	s31 =	sadd.s32 $0xFFFFB800, s0  }
0x168: {  	[tilespmem:s31], [sflag:s8] =	stream.indirect_vreg.gather [hbm4b:s1+s4], $0x80, v7, vm0, $0xb8;
	[tilespmem:$0x1B680] =	vst v63  }
0x169: {  	s14 =	sadd.s32 $0xFFFFC000, s0  }
0x16a: {  	[tilespmem:s14], [sflag:s8] =	stream.indirect_vreg.gather [hbm4b:s12+s4], $0x80, v7, vm0, $0xb8;
	[tilespmem:$0x1B680] =	vst v63  }
0x16b: {  	v7 =	vld [tilespmem:s6+$0x0];
	_ =	sdelay $0x4  }
0x16c: {  	v8 =	vshll.u32 v7, $0x2  }
0x16d: {  	v7 =	vand.u32 $0x7, v7;
	v8 =	vand.u32 $0xFFFFFFE0, v8  }
0x16e: {  	v7 =	vor.u32 v7, v8  }
0x16f: {  	v8 =	vperm.xlane v7, v4;
	_ =	sdelay $0x1  }
0x170: {  	v8 =	vadd.s32 v5, v8;
	_ =	sdelay $0x1  }
0x171: {  	v7 =	vperm.xlane v7, v6;
	_ =	sdelay $0x1  }
0x172: {  	s16 =	sadd.s32 $0xFFFFC800, s0;
	v7 =	vadd.s32 v5, v7  }
0x173: {  	[tilespmem:s16], [sflag:s8] =	stream.indirect_vreg.gather [hbm4b:s1+s4], $0x80, v8, vm0, $0xb8;
	[tilespmem:$0x1B680] =	vst v63  }
0x174: {  	s17 =	sadd.s32 $0xFFFFD000, s0  }
0x175: {  	[tilespmem:s17], [sflag:s8] =	stream.indirect_vreg.gather [hbm4b:s12+s4], $0x80, v8, vm0, $0xb8;
	[tilespmem:$0x1B680] =	vst v63  }
0x176: {  	s31 =	sadd.s32 $0xFFFFD800, s0  }
0x177: {  	[tilespmem:s31], [sflag:s8] =	stream.indirect_vreg.gather [hbm4b:s1+s4], $0x80, v7, vm0, $0xb8;
	[tilespmem:$0x1B680] =	vst v63  }
0x178: {  	s14 =	sadd.s32 $0xFFFFE000, s0  }
0x179: {  	[tilespmem:s14], [sflag:s8] =	stream.indirect_vreg.gather [hbm4b:s12+s4], $0x80, v7, vm0, $0xb8;
	[tilespmem:$0x1B680] =	vst v63  }
0x17a: {  	v7 =	vld [tilespmem:s6+$0x10];
	_ =	sdelay $0x4  }
0x17b: {  	v8 =	vshll.u32 v7, $0x2  }
0x17c: {  	v7 =	vand.u32 $0x7, v7;
	v8 =	vand.u32 $0xFFFFFFE0, v8  }
0x17d: {  	v7 =	vor.u32 v7, v8  }
0x17e: {  	v8 =	vperm.xlane v7, v4;
	_ =	sdelay $0x1  }
0x17f: {  	v8 =	vadd.s32 v5, v8;
	_ =	sdelay $0x1  }
0x180: {  	v7 =	vperm.xlane v7, v6;
	_ =	sdelay $0x1  }
0x181: {  	s3 =	sadd.s32 $0x1, s3;
	s16 =	sadd.s32 $0xFFFFE800, s0;
	v7 =	vadd.s32 v5, v7  }
0x182: {  	[tilespmem:s16], [sflag:s8] =	stream.indirect_vreg.gather [hbm4b:s1+s4], $0x80, v8, vm0, $0xb8;
	[tilespmem:$0x1B680] =	vst v63  }
0x183: {  	p1 =	seq.s32 s3, $0x0;
	s17 =	sadd.s32 $0xFFFFF000, s0  }
0x184: {  	[tilespmem:s17], [sflag:s8] =	stream.indirect_vreg.gather [hbm4b:s12+s4], $0x80, v8, vm0, $0xb8;
	[tilespmem:$0x1B680] =	vst v63  }
.Ltmp16:
0x185: {  	s31 =	sadd.s32 $0xFFFFF800, s0;
	(pc) =	sbr.rel @!p1 .LBB2_22-.Ltmp16, $4  }
0x186: {  	[tilespmem:s31], [sflag:s8] =	stream.indirect_vreg.gather [hbm4b:s1+s4], $0x80, v7, vm0, $0xb8;
	[tilespmem:$0x1B680] =	vst v63  }
0x187: {  	_ = 	snop  }
0x188: {  	[tilespmem:s0], [sflag:s8] =	stream.indirect_vreg.gather [hbm4b:s12+s4], $0x80, v7, vm0, $0xb8;
	[tilespmem:$0x1B680] =	vst v63  }
0x189: {  	s6 =	sadd.s32 $0x40, s6;
	s0 =	sadd.s32 $0x8000, s0;
	s8 =	sadd.s32 $0x1, s8  }
.Ltmp17:
0x18a: {  	(pc) =	sbr.rel .LBB2_24-.Ltmp17, $3  }
0x18b: {  	_ =	sdelay $0x1  }
0x18c: {  	s0 =	ssub.s32 s29, s30  }
0x18d: {  	s30 =	simm.s32 $0x0;
	s29 =	sadd.s32 $0x80000000, s0  }
.LBB2_29:
0x18e: {  	_ =	sdelay $0x3  }
0x18f: {  	[tilespmem:v7+s16+$0x1A70 ss:$0x1] =	vst.idx.msk $0xffff, v3  }
0x190: {  	[tilespmem:v7+s16+$0x1E70 ss:$0x1] =	vst.idx.msk $0xffff, v3  }
.LBB2_30:
0x191: {  	s30 =	sadd.s32 $0x1, s30  }
0x192: {  	p1 =	sne.s32 s30, s28  }
.Ltmp18:
0x193: {  	_ = 	snop;
	(pc) =	sbr.rel @!p1 .LBB2_31-.Ltmp18, $4  }
0x194: {  	_ = 	snop  }
0x195: {  	s0 =	sshll.u32 s0, $0xC;
	s3 =	sor.u32 $0x1600, s3  }
0x196: {  	s6 =	sadd.s32 $0x4, s31;
	s29 =	sadd.s32 $0xFFFFFFC0, s29;
	s0 =	sadd.s32 s15, s0  }
0x197: {  	[hbm4b:s0+s4] =	stream.linear.scatter [tilespmem:s3], [sflag:s6], $0x8000, $0x38;
	[tilespmem:$0x1B680] =	vst v63  }
.LBB2_24:
0x198: {  	p1 =	seq.s32 s30, $0x0;
	s0 =	sadd.s32 $0x2, s30  }
0x199: {  	p2 =	sge.s32 @!p1 s0, s28  }
0x19a: {  	p1 =	por p1, p2  }
.Ltmp19:
0x19b: {  	_ = 	snop;
	(pc) =	sbr.rel @p1 .LBB2_26-.Ltmp19, $1  }
0x19c: {  	_ =	sdelay $0x3  }
0x19d: {  	s3 =	sadd.s32 $0xFFFFFFFF, s30  }
0x19e: {  	s6 =	smulhi.u32 $0xAAAAAAAB, s3;
	_ =	sdelay $0x1  }
0x19f: {  	s6 =	sshrl.u32 s6, $0x1  }
0x1a0: {  	s6 =	smul.u32 $0x3, s6;
	_ =	sdelay $0x1  }
0x1a1: {  	s3 =	ssub.s32 s3, s6  }
0x1a2: {  	s3 =	sor.u32 $0x4, s3  }
0x1a3: {  	_ =	swait.ge [sflag:s3], $0x8000  }
0x1a4: {  	s16 =	sshll.u32 s0, $0x8;
	[sflag:s3] =	ssyncset.done $0x0  }
0x1a5: {  	[sflag:s3] =	ssyncadd.s32 $0xFFFF8000;
	s3 =	sshra.s32 s16, $0x2  }
0x1a6: {  	v7 =	vld [tilespmem:s3+$0x1200];
	_ =	sdelay $0x4  }
0x1a7: {  	v8 =	vshll.u32 v7, $0x2  }
0x1a8: {  	v7 =	vand.u32 $0x7, v7;
	v8 =	vand.u32 $0xFFFFFFE0, v8  }
0x1a9: {  	s17 =	smulhi.u32 $0xAAAAAAAB, s0;
	v7 =	vor.u32 v7, v8  }
0x1aa: {  	v8 =	vperm.xlane v7, v4  }
0x1ab: {  	s6 =	sshrl.u32 s17, $0x1  }
0x1ac: {  	s6 =	smul.u32 $0x3, s6;
	v8 =	vadd.s32 v5, v8;
	_ =	sdelay $0x1  }
0x1ad: {  	s31 =	ssub.s32 s0, s6;
	v7 =	vperm.xlane v7, v6  }
0x1ae: {  	s6 =	sshll.u32 s31, $0xF  }
0x1af: {  	s0 =	sadd.s32 $0x1, s31;
	s8 =	sor.u32 $0x1600, s6;
	v7 =	vadd.s32 v5, v7  }
0x1b0: {  	[tilespmem:s8], [sflag:s0] =	stream.indirect_vreg.gather [hbm4b:s1+s4], $0x80, v8, vm0, $0xb8;
	[tilespmem:$0x1B680] =	vst v63  }
0x1b1: {  	s13 =	sor.u32 $0x1E00, s6  }
0x1b2: {  	[tilespmem:s13], [sflag:s0] =	stream.indirect_vreg.gather [hbm4b:s12+s4], $0x80, v8, vm0, $0xb8;
	[tilespmem:$0x1B680] =	vst v63  }
0x1b3: {  	s14 =	sor.u32 $0x2600, s6  }
0x1b4: {  	[tilespmem:s14], [sflag:s0] =	stream.indirect_vreg.gather [hbm4b:s1+s4], $0x80, v7, vm0, $0xb8;
	[tilespmem:$0x1B680] =	vst v63  }
0x1b5: {  	s16 =	sor.u32 $0x2E00, s6  }
0x1b6: {  	[tilespmem:s16], [sflag:s0] =	stream.indirect_vreg.gather [hbm4b:s12+s4], $0x80, v7, vm0, $0xb8;
	[tilespmem:$0x1B680] =	vst v63  }
0x1b7: {  	v7 =	vld [tilespmem:s3+$0x1210];
	_ =	sdelay $0x4  }
0x1b8: {  	v8 =	vshll.u32 v7, $0x2  }
0x1b9: {  	v7 =	vand.u32 $0x7, v7;
	v8 =	vand.u32 $0xFFFFFFE0, v8  }
0x1ba: {  	v7 =	vor.u32 v7, v8  }
0x1bb: {  	v8 =	vperm.xlane v7, v4;
	_ =	sdelay $0x1  }
0x1bc: {  	v8 =	vadd.s32 v5, v8;
	_ =	sdelay $0x1  }
0x1bd: {  	v7 =	vperm.xlane v7, v6;
	_ =	sdelay $0x1  }
0x1be: {  	s17 =	sor.u32 $0x3600, s6;
	v7 =	vadd.s32 v5, v7  }
0x1bf: {  	[tilespmem:s17], [sflag:s0] =	stream.indirect_vreg.gather [hbm4b:s1+s4], $0x80, v8, vm0, $0xb8;
	[tilespmem:$0x1B680] =	vst v63  }
0x1c0: {  	s31 =	sor.u32 $0x3E00, s6  }
0x1c1: {  	[tilespmem:s31], [sflag:s0] =	stream.indirect_vreg.gather [hbm4b:s12+s4], $0x80, v8, vm0, $0xb8;
	[tilespmem:$0x1B680] =	vst v63  }
0x1c2: {  	s13 =	sor.u32 $0x4600, s6  }
0x1c3: {  	[tilespmem:s13], [sflag:s0] =	stream.indirect_vreg.gather [hbm4b:s1+s4], $0x80, v7, vm0, $0xb8;
	[tilespmem:$0x1B680] =	vst v63  }
0x1c4: {  	s14 =	sor.u32 $0x4E00, s6  }
0x1c5: {  	[tilespmem:s14], [sflag:s0] =	stream.indirect_vreg.gather [hbm4b:s12+s4], $0x80, v7, vm0, $0xb8;
	[tilespmem:$0x1B680] =	vst v63  }
0x1c6: {  	v7 =	vld [tilespmem:s3+$0x1220];
	_ =	sdelay $0x4  }
0x1c7: {  	v8 =	vshll.u32 v7, $0x2  }
0x1c8: {  	v7 =	vand.u32 $0x7, v7;
	v8 =	vand.u32 $0xFFFFFFE0, v8  }
0x1c9: {  	v7 =	vor.u32 v7, v8  }
0x1ca: {  	v8 =	vperm.xlane v7, v4;
	_ =	sdelay $0x1  }
0x1cb: {  	v8 =	vadd.s32 v5, v8;
	_ =	sdelay $0x1  }
0x1cc: {  	v7 =	vperm.xlane v7, v6;
	_ =	sdelay $0x1  }
0x1cd: {  	s16 =	sor.u32 $0x5600, s6;
	v7 =	vadd.s32 v5, v7  }
0x1ce: {  	[tilespmem:s16], [sflag:s0] =	stream.indirect_vreg.gather [hbm4b:s1+s4], $0x80, v8, vm0, $0xb8;
	[tilespmem:$0x1B680] =	vst v63  }
0x1cf: {  	s17 =	sor.u32 $0x5E00, s6  }
0x1d0: {  	[tilespmem:s17], [sflag:s0] =	stream.indirect_vreg.gather [hbm4b:s12+s4], $0x80, v8, vm0, $0xb8;
	[tilespmem:$0x1B680] =	vst v63  }
0x1d1: {  	s31 =	sor.u32 $0x6600, s6  }
0x1d2: {  	[tilespmem:s31], [sflag:s0] =	stream.indirect_vreg.gather [hbm4b:s1+s4], $0x80, v7, vm0, $0xb8;
	[tilespmem:$0x1B680] =	vst v63  }
0x1d3: {  	s13 =	sor.u32 $0x6E00, s6  }
0x1d4: {  	[tilespmem:s13], [sflag:s0] =	stream.indirect_vreg.gather [hbm4b:s12+s4], $0x80, v7, vm0, $0xb8;
	[tilespmem:$0x1B680] =	vst v63  }
0x1d5: {  	v7 =	vld [tilespmem:s3+$0x1230];
	_ =	sdelay $0x4  }
0x1d6: {  	v8 =	vshll.u32 v7, $0x2  }
0x1d7: {  	v7 =	vand.u32 $0x7, v7;
	v8 =	vand.u32 $0xFFFFFFE0, v8  }
0x1d8: {  	v7 =	vor.u32 v7, v8  }
0x1d9: {  	v8 =	vperm.xlane v7, v4;
	_ =	sdelay $0x1  }
0x1da: {  	v8 =	vadd.s32 v5, v8;
	_ =	sdelay $0x1  }
0x1db: {  	v7 =	vperm.xlane v7, v6;
	_ =	sdelay $0x1  }
0x1dc: {  	s14 =	sor.u32 $0x7600, s6;
	v7 =	vadd.s32 v5, v7  }
0x1dd: {  	[tilespmem:s14], [sflag:s0] =	stream.indirect_vreg.gather [hbm4b:s1+s4], $0x80, v8, vm0, $0xb8;
	[tilespmem:$0x1B680] =	vst v63  }
0x1de: {  	s16 =	sor.u32 $0x7E00, s6  }
0x1df: {  	[tilespmem:s16], [sflag:s0] =	stream.indirect_vreg.gather [hbm4b:s12+s4], $0x80, v8, vm0, $0xb8;
	[tilespmem:$0x1B680] =	vst v63  }
0x1e0: {  	s17 =	sadd.s32 $0x8600, s6  }
0x1e1: {  	[tilespmem:s17], [sflag:s0] =	stream.indirect_vreg.gather [hbm4b:s1+s4], $0x80, v7, vm0, $0xb8;
	[tilespmem:$0x1B680] =	vst v63  }
0x1e2: {  	s31 =	sadd.s32 $0x8E00, s6  }
0x1e3: {  	[tilespmem:s31], [sflag:s0] =	stream.indirect_vreg.gather [hbm4b:s12+s4], $0x80, v7, vm0, $0xb8;
	[tilespmem:$0x1B680] =	vst v63  }
.LBB2_26:
0x1e4: {  	s0 =	smulhi.u32 $0xAAAAAAAB, s30;
	_ =	sdelay $0x1  }
0x1e5: {  	s0 =	sshrl.u32 s0, $0x1  }
0x1e6: {  	s0 =	smul.u32 $0x3, s0;
	_ =	sdelay $0x1  }
0x1e7: {  	s31 =	ssub.s32 s30, s0;
	s0 =	sadd.s32 s26, s30  }
0x1e8: {  	s3 =	sshll.u32 s0, $0x6  }
0x1e9: {  	s3 =	ssub.s32 s23, s3  }
0x1ea: {  	p1 =	sgt.s32 s3, $0x3F  }
.Ltmp20:
0x1eb: {  	_ = 	snop;
	(pc) =	sbr.rel @p1 .LBB2_30-.Ltmp20, $4  }
0x1ec: {  	s6 =	sadd.s32 $0x1, s31  }
0x1ed: {  	_ =	swait.ge [sflag:s6], $0x8000  }
0x1ee: {  	[sflag:s6] =	ssyncset.done $0x0  }
0x1ef: {  	s3 =	sshll.u32 s31, $0xF;
	[sflag:s6] =	ssyncadd.s32 $0xFFFF8000  }
0x1f0: {  	p1 =	sgt.s32 s29, $0x0;
	s6 =	smov.u32 s29;
	v7 =	vmov s3  }
0x1f1: {  	s6 =	simm.s32 @!p1 $0x0  }
0x1f2: {  	s8 =	sshll.u32 s6, $0x7;
	s13 =	sshll.u32 s6, $0x9  }
0x1f3: {  	s16 =	sand.u32 $0x7000, s13;
	s17 =	sand.u32 $0x380, s8  }
0x1f4: {  	s16 =	sor.u32 s17, s16  }
0x1f5: {  	[tilespmem:v7+s16+$0x1A00 ss:$0x1] =	vst.idx.msk $0xffff, v3  }
0x1f6: {  	[tilespmem:v7+s16+$0x1E00 ss:$0x1] =	vst.idx.msk $0xffff, v3  }
0x1f7: {  	[tilespmem:v7+s16+$0x1600 ss:$0x1] =	vst.idx.msk $0xffff, v3  }
0x1f8: {  	[tilespmem:v7+s16+$0x2200 ss:$0x1] =	vst.idx.msk $0xffff, v3  }
0x1f9: {  	[tilespmem:v7+s16+$0x1A10 ss:$0x1] =	vst.idx.msk $0xffff, v3  }
0x1fa: {  	[tilespmem:v7+s16+$0x2210 ss:$0x1] =	vst.idx.msk $0xffff, v3  }
0x1fb: {  	[tilespmem:v7+s16+$0x1610 ss:$0x1] =	vst.idx.msk $0xffff, v3  }
0x1fc: {  	[tilespmem:v7+s16+$0x1E10 ss:$0x1] =	vst.idx.msk $0xffff, v3  }
0x1fd: {  	[tilespmem:v7+s16+$0x2220 ss:$0x1] =	vst.idx.msk $0xffff, v3  }
0x1fe: {  	[tilespmem:v7+s16+$0x1E20 ss:$0x1] =	vst.idx.msk $0xffff, v3  }
0x1ff: {  	[tilespmem:v7+s16+$0x1620 ss:$0x1] =	vst.idx.msk $0xffff, v3  }
0x200: {  	[tilespmem:v7+s16+$0x1A20 ss:$0x1] =	vst.idx.msk $0xffff, v3  }
0x201: {  	[tilespmem:v7+s16+$0x1630 ss:$0x1] =	vst.idx.msk $0xffff, v3  }
0x202: {  	[tilespmem:v7+s16+$0x2230 ss:$0x1] =	vst.idx.msk $0xffff, v3  }
0x203: {  	[tilespmem:v7+s16+$0x1E30 ss:$0x1] =	vst.idx.msk $0xffff, v3  }
0x204: {  	[tilespmem:v7+s16+$0x1A30 ss:$0x1] =	vst.idx.msk $0xffff, v3  }
0x205: {  	[tilespmem:v7+s16+$0x2240 ss:$0x1] =	vst.idx.msk $0xffff, v3  }
0x206: {  	[tilespmem:v7+s16+$0x1640 ss:$0x1] =	vst.idx.msk $0xffff, v3  }
0x207: {  	[tilespmem:v7+s16+$0x1E40 ss:$0x1] =	vst.idx.msk $0xffff, v3  }
0x208: {  	[tilespmem:v7+s16+$0x1A40 ss:$0x1] =	vst.idx.msk $0xffff, v3  }
0x209: {  	[tilespmem:v7+s16+$0x2250 ss:$0x1] =	vst.idx.msk $0xffff, v3  }
0x20a: {  	[tilespmem:v7+s16+$0x1650 ss:$0x1] =	vst.idx.msk $0xffff, v3  }
0x20b: {  	s6 =	sadd.s32 $0xFFFFFFFF, s6;
	[tilespmem:v7+s16+$0x1A50 ss:$0x1] =	vst.idx.msk $0xffff, v3  }
0x20c: {  	s17 =	sadd.s32 $0x1, s6;
	[tilespmem:v7+s16+$0x1E50 ss:$0x1] =	vst.idx.msk $0xffff, v3  }
0x20d: {  	p1 =	slt.u32 s17, $0x3F;
	[tilespmem:v7+s16+$0x2260 ss:$0x1] =	vst.idx.msk $0xffff, v3  }
.Ltmp21:
0x20e: {  	[tilespmem:v7+s16+$0x1660 ss:$0x1] =	vst.idx.msk $0xffff, v3;
	(pc) =	sbr.rel @!p1 .LBB2_29-.Ltmp21, $4  }
0x20f: {  	[tilespmem:v7+s16+$0x1A60 ss:$0x1] =	vst.idx.msk $0xffff, v3  }
0x210: {  	[tilespmem:v7+s16+$0x1E60 ss:$0x1] =	vst.idx.msk $0xffff, v3  }
0x211: {  	[tilespmem:v7+s16+$0x2270 ss:$0x1] =	vst.idx.msk $0xffff, v3  }
0x212: {  	s8 =	sadd.s32 $0x80, s8;
	s6 =	sadd.s32 $0x200, s13;
	[tilespmem:v7+s16+$0x1670 ss:$0x1] =	vst.idx.msk $0xffff, v3  }
.LBB2_28:
0x213: {  	s13 =	sand.u32 $0x7000, s6;
	s14 =	sand.u32 $0x380, s8;
	s17 =	sadd.s32 $0x1, s17;
	[tilespmem:v7+s16+$0x1A70 ss:$0x1] =	vst.idx.msk $0xffff, v3  }
0x214: {  	p1 =	slt.u32 s17, $0x3F;
	[tilespmem:v7+s16+$0x1E70 ss:$0x1] =	vst.idx.msk $0xffff, v3;
	s16 =	sor.u32 s14, s13  }
0x215: {  	[tilespmem:v7+s16+$0x1A00 ss:$0x1] =	vst.idx.msk $0xffff, v3  }
0x216: {  	[tilespmem:v7+s16+$0x1A10 ss:$0x1] =	vst.idx.msk $0xffff, v3  }
0x217: {  	[tilespmem:v7+s16+$0x1E00 ss:$0x1] =	vst.idx.msk $0xffff, v3  }
0x218: {  	[tilespmem:v7+s16+$0x1600 ss:$0x1] =	vst.idx.msk $0xffff, v3  }
0x219: {  	[tilespmem:v7+s16+$0x2200 ss:$0x1] =	vst.idx.msk $0xffff, v3  }
0x21a: {  	[tilespmem:v7+s16+$0x2210 ss:$0x1] =	vst.idx.msk $0xffff, v3  }
0x21b: {  	[tilespmem:v7+s16+$0x2220 ss:$0x1] =	vst.idx.msk $0xffff, v3  }
0x21c: {  	[tilespmem:v7+s16+$0x1610 ss:$0x1] =	vst.idx.msk $0xffff, v3  }
0x21d: {  	[tilespmem:v7+s16+$0x1E10 ss:$0x1] =	vst.idx.msk $0xffff, v3  }
0x21e: {  	[tilespmem:v7+s16+$0x1E20 ss:$0x1] =	vst.idx.msk $0xffff, v3  }
0x21f: {  	[tilespmem:v7+s16+$0x1620 ss:$0x1] =	vst.idx.msk $0xffff, v3  }
0x220: {  	[tilespmem:v7+s16+$0x1630 ss:$0x1] =	vst.idx.msk $0xffff, v3  }
0x221: {  	[tilespmem:v7+s16+$0x2230 ss:$0x1] =	vst.idx.msk $0xffff, v3  }
0x222: {  	[tilespmem:v7+s16+$0x2240 ss:$0x1] =	vst.idx.msk $0xffff, v3  }
0x223: {  	[tilespmem:v7+s16+$0x1640 ss:$0x1] =	vst.idx.msk $0xffff, v3  }
0x224: {  	[tilespmem:v7+s16+$0x2250 ss:$0x1] =	vst.idx.msk $0xffff, v3  }
0x225: {  	[tilespmem:v7+s16+$0x1E30 ss:$0x1] =	vst.idx.msk $0xffff, v3  }
0x226: {  	[tilespmem:v7+s16+$0x1E40 ss:$0x1] =	vst.idx.msk $0xffff, v3  }
0x227: {  	[tilespmem:v7+s16+$0x2260 ss:$0x1] =	vst.idx.msk $0xffff, v3  }
0x228: {  	[tilespmem:v7+s16+$0x1650 ss:$0x1] =	vst.idx.msk $0xffff, v3  }
0x229: {  	[tilespmem:v7+s16+$0x1660 ss:$0x1] =	vst.idx.msk $0xffff, v3  }
0x22a: {  	[tilespmem:v7+s16+$0x2270 ss:$0x1] =	vst.idx.msk $0xffff, v3  }
0x22b: {  	[tilespmem:v7+s16+$0x1670 ss:$0x1] =	vst.idx.msk $0xffff, v3  }
0x22c: {  	[tilespmem:v7+s16+$0x1A20 ss:$0x1] =	vst.idx.msk $0xffff, v3  }
0x22d: {  	[tilespmem:v7+s16+$0x1A30 ss:$0x1] =	vst.idx.msk $0xffff, v3  }
.Ltmp22:
0x22e: {  	[tilespmem:v7+s16+$0x1A40 ss:$0x1] =	vst.idx.msk $0xffff, v3;
	(pc) =	sbr.rel @p1 .LBB2_28-.Ltmp22, $4  }
0x22f: {  	[tilespmem:v7+s16+$0x1A50 ss:$0x1] =	vst.idx.msk $0xffff, v3  }
0x230: {  	[tilespmem:v7+s16+$0x1A60 ss:$0x1] =	vst.idx.msk $0xffff, v3  }
0x231: {  	[tilespmem:v7+s16+$0x1E50 ss:$0x1] =	vst.idx.msk $0xffff, v3  }
0x232: {  	s8 =	sadd.s32 $0x80, s8;
	s6 =	sadd.s32 $0x200, s6;
	[tilespmem:v7+s16+$0x1E60 ss:$0x1] =	vst.idx.msk $0xffff, v3  }
.Ltmp23:
0x233: {  	_ = 	snop;
	(pc) =	sbr.rel .LBB2_29-.Ltmp23, $1  }
0x234: {  	_ =	sdelay $0x3  }
.LBB2_31:
0x235: {  	p1 =	sgt.s32 s28, $0x3;
	s0 =	smov.u32 s28  }
0x236: {  	s0 =	simm.s32 @!p1 $0x3  }
0x237: {  	s6 =	sadd.s32 $0xFFFFFFFD, s0  }
0x238: {  	p1 =	sge.s32 s6, s28  }
.Ltmp24:
0x239: {  	_ = 	snop;
	(pc) =	sbr.rel @p1 .LBB2_37-.Ltmp24, $1  }
0x23a: {  	_ =	sdelay $0x3  }
0x23b: {  	s3 =	sadd.s32 $0x1, s6  }
0x23c: {  	p2 =	slt.s32 s3, s28  }
.Ltmp25:
0x23d: {  	_ = 	snop;
	(pc) =	sbr.rel @!p2 .LBB2_33-.Ltmp25, $4  }
0x23e: {  	_ = 	snop  }
0x23f: {  	s0 =	sshll.u32 s0, $0x2;
	s31 =	smulhi.u32 $0xAAAAAAAB, s6  }
0x240: {  	s0 =	sshra.s32 s0, $0x2  }
0x241: {  	p1 =	por $0x0, $0x0;
	s0 =	sadd.s32 $0x1, s0;
	s8 =	sshrl.u32 s31, $0x1  }
0x242: {  	s31 =	smulhi.u32 $0xAAAAAAAB, s3;
	s3 =	sadd.s32 $0x1, s3  }
0x243: {  	s6 =	smul.u32 $0xFFFFFFF4, s8;
	p2 =	slt.s32 s3, s28  }
.Ltmp26:
0x244: {  	_ = 	snop;
	(pc) =	sbr.rel @!p2 .LBB2_36-.Ltmp26, $4  }
0x245: {  	s6 =	sshra.s32 s6, $0x2  }
0x246: {  	s6 =	sadd.s32 s6, s0  }
0x247: {  	p1 =	por $0x1, $0x1;
	_ =	swait.ge [sflag:s6], $0x8000  }
0x248: {  	s8 =	sshrl.u32 s31, $0x1;
	s0 =	sadd.s32 $0x1, s0;
	[sflag:s6] =	ssyncset.done $0x0  }
.LBB2_35:
0x249: {  	[sflag:s6] =	ssyncadd.s32 $0xFFFF8000;
	s6 =	smov.u32 s3;
	s3 =	sadd.s32 $0x1, s3  }
0x24a: {  	s8 =	smul.u32 $0xFFFFFFF4, s8;
	p2 =	slt.s32 s3, s28  }
.Ltmp27:
0x24b: {  	(pc) =	sbr.rel @p2 .LBB2_35-.Ltmp27, $4  }
0x24c: {  	s8 =	sshra.s32 s8, $0x2  }
0x24d: {  	s13 =	smulhi.u32 $0xAAAAAAAB, s6;
	s6 =	sadd.s32 s8, s0  }
0x24e: {  	_ =	swait.ge [sflag:s6], $0x8000  }
0x24f: {  	s8 =	sshrl.u32 s13, $0x1;
	s0 =	sadd.s32 $0x1, s0;
	[sflag:s6] =	ssyncset.done $0x0  }
.LBB2_36:
0x250: {  	s3 =	smul.u32 $0xFFFFFFF4, s8;
	_ =	sdelay $0x1  }
0x251: {  	s3 =	sshra.s32 s3, $0x2  }
0x252: {  	[sflag:s6] =	ssyncadd.s32 @p1 $0xFFFF8000;
	s0 =	sadd.s32 s3, s0  }
0x253: {  	_ =	swait.ge [sflag:s0], $0x8000  }
0x254: {  	[sflag:s0] =	ssyncset.done $0x0  }
0x255: {  	[sflag:s0] =	ssyncadd.s32 $0xFFFF8000  }
.LBB2_37:
0x256: {  	s0 =	ssub.s32 s25, s24  }
0x257: {  	p1 =	slt.s32 s0, $0x1  }
.Ltmp28:
0x258: {  	_ = 	snop;
	(pc) =	sbr.rel @p1 .LBB2_41-.Ltmp28, $1  }
0x259: {  	_ =	sdelay $0x3  }
0x25a: {  	s0 =	sshll.u32 s0, $0x2  }
0x25b: {  	p1 =	sne.s32 s0, $0x1  }
.Ltmp29:
0x25c: {  	_ = 	snop;
	(pc) =	sbr.rel @!p1 .LBB2_40-.Ltmp29, $3  }
0x25d: {  	_ =	sdelay $0x1  }
0x25e: {  	_ =	swait.ge [sflag:s21], $0x2000  }
0x25f: {  	s0 =	sadd.s32 $0xFFFFFFFF, s0;
	[sflag:s21] =	ssyncset.done $0x0  }
.LBB2_39:
0x260: {  	p1 =	sne.s32 s0, $0x1;
	s0 =	sadd.s32 $0xFFFFFFFF, s0;
	[sflag:s21] =	ssyncadd.s32 $0xFFFFE000  }
.Ltmp30:
0x261: {  	(pc) =	sbr.rel @p1 .LBB2_39-.Ltmp30, $3  }
0x262: {  	_ =	sdelay $0x1  }
0x263: {  	_ =	swait.ge [sflag:s21], $0x2000  }
0x264: {  	[sflag:s21] =	ssyncset.done $0x0  }
.Ltmp31:
0x265: {  	_ = 	snop;
	(pc) =	sbr.rel .LBB2_40-.Ltmp31, $1  }
0x266: {  	_ =	sdelay $0x3  }
.LBB2_19:
.Ltmp32:
0x267: {  	(pc) =	sbr.rel .LBB2_21-.Ltmp32, $2  }
0x268: {  	_ =	sdelay $0x2  }
0x269: {  	s6 =	smov.u32 s16;
	s17 =	smov.u32 s30;
	s31 =	simm.s32 $0x1200  }
.LBB2_33:
.Ltmp33:
0x26a: {  	(pc) =	sbr.rel .LBB2_36-.Ltmp33, $2  }
0x26b: {  	_ =	sdelay $0x2  }
0x26c: {  	_ = 	snop  }
.LBB2_42:
0x26d: {  	_ =	sfence.sel $0x180000  }
0x26e: {  	[bflag:$0x0] =	sbarrier.arrive $0xFFFF  }
0x26f: {  	_ =	strace $0x90000047  }
0x270: {  	s0 =	stileid.u32;
	[bflag:$0x2] =	sbarrier.arrive $0xFFFF  }
0x271: {  	p0 =	sne.s32 s0, $0x0;
	s0 =	rddreg [dreg:$0x4]  }
0x272: {  	s0 =	sadd.s32 @!p0 $0x100000, s0  }
0x273: {  	[sflag:s0] =	ssyncadd.tile.s32 @!p0 $0x1;
	_ =	shalt  }
.Lfunc_end2:
_tile_overlayer_lowered:
.L_overlay_start_2:
0x274: {  	(tag) =	ssettag $0x2  }
0x275: {  	s0 =	rddreg [dreg:$0x0];
	s2 =	stileid.u32  }
0x276: {  	s1 =	rddreg [dreg:$0x1];
	p0 =	sne.s32 s2, $0x0  }
0x277: {  	s3 =	rddreg [dreg:$0x2];
	[bflag:$0x3] =	sbarrier.arrive $0xFFFF;
	s2 =	simm.s32 @!p0 $0x1C08  }
0x278: {  	[timem:s3], [sflag:s2] =	dma.local @!p0 [hbm:s0], s1  }
0x279: {  	s0 =	simm.s32 @!p0 $0x8  }
0x27a: {  	_ =	swait.ge @!p0 [sflag:s0], s1  }
0x27b: {  	s1 =	ssub.s32 @!p0 $0x0, s1;
	[sflag:s0] =	ssyncset.done @!p0 $0x0  }
0x27c: {  	[sflag:s0] =	ssyncadd.s32 @!p0 s1  }
0x27d: {  	[bflag:$0x3] =	sbarrier.arrive $0xFFFF  }
0x27e: {  	_ =	shalt  }

</sc_bundles>
